<compile_context>
chip_gen: v7x
topology: tpu7x:2x2x1
jax: 0.10.2.dev20260603
libtpu: 0.0.44.dev20260713+nightly
codegen_flags: <defaults>
</compile_context>

<pallas_src>
import functools

import jax
import jax.numpy as jnp
from jax import lax
from jax.experimental import pallas as pl
from jax.experimental.pallas import tpu as pltpu
from jax.experimental.pallas import tpu_sc as plsc

_N = 10000
_E = 320000
_H = 128
_G = 64
_NT = 10

_NC = 2
_NS = 16
_NW = _NC * _NS
_CH = 128
_NCH = 80
_EPW = _CH * _NCH
_EPAD = _NW * _EPW
_NPAD = 10240
_ECH = 80
_REPW = _E // _NW
_ENCH = _REPW // _ECH
_BN = 1000


_sc_mesh = plsc.VectorSubcoreMesh(core_axis_name="c", subcore_axis_name="s")


@functools.partial(
    pl.kernel,
    mesh=_sc_mesh,
    out_type=jax.ShapeDtypeStruct((_NC, _NPAD, _H), jnp.float32),
    scratch_types=[
        pltpu.VMEM((_NCH, _CH), jnp.int32),
        pltpu.VMEM((_CH, _H), jnp.float32),
        pltpu.VMEM_SHARED((_NPAD, _H), jnp.float32),
    ],
)
def _sc_deg(dst2_hbm, ones_hbm, z_hbm, out_hbm, didx2, ones_v, acc):
    c = lax.axis_index("c")
    s = lax.axis_index("s")
    wid = c * _NS + s

    @pl.when(s == 0)
    def _():
        pltpu.sync_copy(z_hbm, acc)

    pltpu.sync_copy(dst2_hbm.at[wid], didx2)
    pltpu.sync_copy(ones_hbm, ones_v)
    plsc.subcore_barrier()

    def body(j, carry):
        pltpu.sync_copy(ones_v, acc.at[didx2.at[j]], add=True)
        return carry

    lax.fori_loop(0, _NCH, body, 0)
    plsc.subcore_barrier()

    @pl.when(s == 0)
    def _():
        pltpu.sync_copy(acc, out_hbm.at[c])


@functools.partial(
    pl.kernel,
    mesh=_sc_mesh,
    out_type=jax.ShapeDtypeStruct((_NC, _NPAD, _H), jnp.float32),
    scratch_types=[
        [pltpu.VMEM((_ECH,), jnp.int32)] * 3,
        [pltpu.VMEM((_ECH,), jnp.int32)] * 3,
        [pltpu.VMEM((_ECH, _H), jnp.float32)] * 3,
        pltpu.VMEM_SHARED((_NPAD, _H), jnp.float32),
        [pltpu.SemaphoreType.DMA] * 3,
    ],
)
def _sc_edge(g_hbm, src_hbm, dst_hbm, z_hbm, out_hbm, sidx, didx, rows, acc,
             sem):
    c = lax.axis_index("c")
    s = lax.axis_index("s")
    wid = c * _NS + s

    @pl.when(s == 0)
    def _():
        pltpu.sync_copy(z_hbm, acc)

    plsc.subcore_barrier()
    base = wid * _REPW

    for b in range(3):
        pltpu.sync_copy(src_hbm.at[pl.ds(base + b * _ECH, _ECH)], sidx[b])
        pltpu.async_copy(g_hbm.at[sidx[b]], rows[b], sem[b])

    def body(t, carry):
        for b in range(3):
            j = 3 * t + b
            e0 = base + j * _ECH
            pltpu.sync_copy(dst_hbm.at[pl.ds(e0, _ECH)], didx[b])
            pltpu.make_async_copy(g_hbm.at[sidx[b]], rows[b], sem[b]).wait()
            pltpu.sync_copy(rows[b], acc.at[didx[b]], add=True)

            @pl.when(j + 3 < _ENCH)
            def _():
                pltpu.sync_copy(src_hbm.at[pl.ds(e0 + 3 * _ECH, _ECH)],
                                sidx[b])
                pltpu.async_copy(g_hbm.at[sidx[b]], rows[b], sem[b])
        return carry

    lax.fori_loop(0, _ENCH // 3, body, 0)
    for b in range(_ENCH - 3 * (_ENCH // 3)):
        e0 = base + (3 * (_ENCH // 3) + b) * _ECH
        pltpu.sync_copy(dst_hbm.at[pl.ds(e0, _ECH)], didx[b])
        pltpu.make_async_copy(g_hbm.at[sidx[b]], rows[b], sem[b]).wait()
        pltpu.sync_copy(rows[b], acc.at[didx[b]], add=True)
    plsc.subcore_barrier()

    @pl.when(s == 0)
    def _():
        pltpu.sync_copy(acc, out_hbm.at[c])


def _tc1_body(x_r, te_r, d2_r, w1_r, wt_r, bt_r, g1_o, te_o, dv_o):
    d2 = d2_r[...]
    deg = jnp.sum(d2[0] + d2[1], axis=1) * (1.0 / _H) + 1.0
    dinv = lax.rsqrt(deg)[:, None]
    g1_o[...] = jnp.dot(x_r[...], w1_r[...],
                        preferred_element_type=jnp.float32) * dinv
    te_o[...] = jnp.maximum(
        jnp.dot(te_r[...], wt_r[...], preferred_element_type=jnp.float32)
        + bt_r[...], 0.0)
    dv_o[...] = dinv


def _tc_mid_temb_body(s_r, g_r, dv_r, b_r, w_r, te_r, gn_o):
    sr = s_r[...]
    dv = dv_r[...]
    h = jnp.maximum((sr[0] + sr[1] + g_r[...]) * dv + b_r[...], 0.0) + te_r[...]
    gn_o[...] = jnp.dot(h, w_r[...], preferred_element_type=jnp.float32) * dv


def _tc_mid_body(s_r, g_r, dv_r, b_r, w_r, gn_o):
    sr = s_r[...]
    dv = dv_r[...]
    h = jnp.maximum((sr[0] + sr[1] + g_r[...]) * dv + b_r[...], 0.0)
    gn_o[...] = jnp.dot(h, w_r[...], preferred_element_type=jnp.float32) * dv


def _tc_pool_body(s_r, g_r, dv_r, b_r, ba_r, ms_o, mc_o):
    i = pl.program_id(0)
    sr = s_r[...]
    h = jnp.maximum((sr[0] + sr[1] + g_r[...]) * dv_r[...] + b_r[...], 0.0)
    bb = ba_r[0]
    gids = lax.broadcasted_iota(jnp.int32, (_G, _BN), 0)
    mask = (gids == bb).astype(jnp.float32)
    ps = jnp.dot(mask, h, preferred_element_type=jnp.float32)
    pc = jnp.broadcast_to(jnp.sum(mask, axis=1, keepdims=True), (_G, _H))

    @pl.when(i == 0)
    def _():
        ms_o[...] = ps
        mc_o[...] = pc

    @pl.when(i != 0)
    def _():
        ms_o[...] = ms_o[...] + ps
        mc_o[...] = mc_o[...] + pc


def _tc_out_body(ms_r, mc_r, wo_r, bo_r, o_r):
    pooled = ms_r[...] / jnp.maximum(mc_r[...], 1.0)
    o_r[...] = jnp.dot(pooled, wo_r[...],
                       preferred_element_type=jnp.float32) + bo_r[...]


def _row_spec(i):
    return (i, 0)


def kernel(x, edge_index, t_embedding, batch, Wt, bt, W1, b1, W2, b2, W3, b3,
           Wo, bo):
    src = edge_index[0]
    dst = edge_index[1]
    rpw = _E // _NW
    ppw = _EPW - rpw
    pad_d = jnp.broadcast_to(_N + jnp.arange(ppw, dtype=jnp.int32),
                             (_NW, ppw))
    dst2 = jnp.concatenate(
        [dst.reshape(_NW, rpw), pad_d], axis=1).reshape(_NW, _NCH, _CH)
    zacc = jnp.zeros((_NPAD, _H), jnp.float32)
    onesr = jnp.ones((_CH, _H), jnp.float32)

    deg2 = _sc_deg(dst2, onesr, zacc)

    grid = (_N // _BN,)
    row = pl.BlockSpec((_BN, _H), _row_spec)
    col1 = pl.BlockSpec((_BN, 1), _row_spec)
    wsp = pl.BlockSpec((_H, _H), lambda i: (0, 0))
    bsp = pl.BlockSpec((1, _H), lambda i: (0, 0))
    ssp = pl.BlockSpec((_NC, _BN, _H), lambda i: (0, i, 0))

    g1, temb, dinv = pl.pallas_call(
        _tc1_body,
        grid=grid,
        in_specs=[row, row, ssp, wsp, wsp, bsp],
        out_specs=[row, row, col1],
        out_shape=[jax.ShapeDtypeStruct((_N, _H), jnp.float32),
                   jax.ShapeDtypeStruct((_N, _H), jnp.float32),
                   jax.ShapeDtypeStruct((_N, 1), jnp.float32)],
    )(x, t_embedding, deg2, W1, Wt, bt.reshape(1, _H))

    s1 = _sc_edge(g1, src, dst, zacc)

    g2 = pl.pallas_call(
        _tc_mid_temb_body,
        grid=grid,
        in_specs=[ssp, row, col1, bsp, wsp, row],
        out_specs=row,
        out_shape=jax.ShapeDtypeStruct((_N, _H), jnp.float32),
    )(s1, g1, dinv, b1.reshape(1, _H), W2, temb)

    s2 = _sc_edge(g2, src, dst, zacc)

    g3 = pl.pallas_call(
        _tc_mid_body,
        grid=grid,
        in_specs=[ssp, row, col1, bsp, wsp],
        out_specs=row,
        out_shape=jax.ShapeDtypeStruct((_N, _H), jnp.float32),
    )(s2, g2, dinv, b2.reshape(1, _H), W3)

    s3 = _sc_edge(g3, src, dst, zacc)

    msum, mcnt = pl.pallas_call(
        _tc_pool_body,
        grid=grid,
        in_specs=[ssp, row, col1, bsp,
                  pl.BlockSpec((1, 1, _BN), lambda i: (i, 0, 0))],
        out_specs=[pl.BlockSpec((_G, _H), lambda i: (0, 0)),
                   pl.BlockSpec((_G, _H), lambda i: (0, 0))],
        out_shape=[jax.ShapeDtypeStruct((_G, _H), jnp.float32),
                   jax.ShapeDtypeStruct((_G, _H), jnp.float32)],
    )(s3, g3, dinv, b3.reshape(1, _H),
      batch.reshape(_N // _BN, 1, _BN))

    wo_pad = jnp.zeros((_H, _H), jnp.float32).at[:, :_NT].set(Wo)
    bo_pad = jnp.zeros((1, _H), jnp.float32).at[0, :_NT].set(bo)

    out = pl.pallas_call(
        _tc_out_body,
        grid=(1,),
        in_specs=[pl.BlockSpec((_G, _H), lambda i: (0, 0)),
                  pl.BlockSpec((_G, _H), lambda i: (0, 0)),
                  wsp, bsp],
        out_specs=pl.BlockSpec((_G, _H), lambda i: (0, 0)),
        out_shape=jax.ShapeDtypeStruct((_G, _H), jnp.float32),
    )(msum, mcnt, wo_pad, bo_pad)

    return out[:, :_NT]

# --- scband reference (transcript-rebuilt; emitter-appended) ---
"""Pipeline reference for scband-gnn-18391049961554 (READ-ONLY COPY).

The authoritative reference and input builder live on the scoring server;
editing this copy changes nothing except your own understanding.
"""

import jax, jax.numpy as jnp
import numpy as np

N = 10000
E = 320000
D = 128
H = 128
NT = 10
G = 64


def gcn_conv(x, src, dst, norm, W, b, n):
    # PyG GCNConv: x' = D^{-1/2} (A + I) D^{-1/2} X W + b (self-loops already appended to src/dst)
    h = x @ W
    msg = h[src] * norm[:, None]
    out = jnp.zeros((n, W.shape[1]), dtype=h.dtype).at[dst].add(msg)
    return out + b


def setup_inputs(seed: int = 0):
    key = jax.random.key(seed)
    ks = jax.random.split(key, 16)
    x = jax.random.normal(ks[0], (N, D), dtype=jnp.float32)
    edge_index = jax.random.randint(ks[1], (2, E), 0, N, dtype=jnp.int32)
    t_embedding = jax.random.normal(ks[2], (N, 128), dtype=jnp.float32)
    batch = jnp.sort(jax.random.randint(ks[3], (N,), 0, G, dtype=jnp.int32))
    s = 1.0 / np.sqrt(H)
    Wt = jax.random.normal(ks[4], (128, H), dtype=jnp.float32) * s
    bt = jnp.zeros((H,), dtype=jnp.float32)
    W1 = jax.random.normal(ks[5], (D, H), dtype=jnp.float32) * (1.0 / np.sqrt(D))
    b1 = jnp.zeros((H,), dtype=jnp.float32)
    W2 = jax.random.normal(ks[6], (H, H), dtype=jnp.float32) * s
    b2 = jnp.zeros((H,), dtype=jnp.float32)
    W3 = jax.random.normal(ks[7], (H, H), dtype=jnp.float32) * s
    b3 = jnp.zeros((H,), dtype=jnp.float32)
    Wo = jax.random.normal(ks[8], (H, NT), dtype=jnp.float32) * s
    bo = jnp.zeros((NT,), dtype=jnp.float32)
    return {"x": x, "edge_index": edge_index, "t_embedding": t_embedding, "batch": batch,
            "Wt": Wt, "bt": bt, "W1": W1, "b1": b1, "W2": W2, "b2": b2,
            "W3": W3, "b3": b3, "Wo": Wo, "bo": bo}


def reference(x, edge_index, t_embedding, batch, Wt, bt, W1, b1, W2, b2, W3, b3, Wo, bo):
    n = x.shape[0]
    loop = jnp.arange(n, dtype=edge_index.dtype)
    src = jnp.concatenate([edge_index[0], loop])
    dst = jnp.concatenate([edge_index[1], loop])
    deg = jnp.zeros((n,), dtype=jnp.float32).at[dst].add(1.0)
    dinv = jnp.where(deg > 0, 1.0 / jnp.sqrt(deg), 0.0)
    norm = dinv[src] * dinv[dst]
    t_emb = jax.nn.relu(t_embedding @ Wt + bt)
    h = jax.nn.relu(gcn_conv(x, src, dst, norm, W1, b1, n))
    h = h + t_emb
    h = jax.nn.relu(gcn_conv(h, src, dst, norm, W2, b2, n))
    h = jax.nn.relu(gcn_conv(h, src, dst, norm, W3, b3, n))
    sums = jax.ops.segment_sum(h, batch, num_segments=G)
    cnts = jax.ops.segment_sum(jnp.ones((n, 1), dtype=jnp.float32), batch, num_segments=G)
    pooled = sums / jnp.maximum(cnts, 1.0)
    return pooled @ Wo + bo

if __name__ == "__main__":
    import jax
    _d = setup_inputs()
    print(jax.jit(kernel)(*tuple(_d.values())))

</pallas_src>

<mosaic_0001>
#map = affine_map<(d0, d1) -> (0, 0)>
#map1 = affine_map<(d0, d1) -> (0)>
#map2 = affine_map<(d0, d1) -> (0, 0, 0)>
module attributes {stable_mosaic.version = 14 : i64} {
  func.func @_sc_edge(%arg0: i32, %arg1: i32, %arg2: memref<10000x128xf32, #tpu.memory_space<hbm>>, %arg3: memref<320000xi32, #tpu.memory_space<hbm>>, %arg4: memref<320000xi32, #tpu.memory_space<hbm>>, %arg5: memref<10240x128xf32, #tpu.memory_space<hbm>>, %arg6: memref<2x10240x128xf32, #tpu.memory_space<hbm>>, %arg7: memref<80xi32, #tpu.memory_space<vmem>>, %arg8: memref<80xi32, #tpu.memory_space<vmem>>, %arg9: memref<80xi32, #tpu.memory_space<vmem>>, %arg10: memref<80xi32, #tpu.memory_space<vmem>>, %arg11: memref<80xi32, #tpu.memory_space<vmem>>, %arg12: memref<80xi32, #tpu.memory_space<vmem>>, %arg13: memref<80x128xf32, #tpu.memory_space<vmem>>, %arg14: memref<80x128xf32, #tpu.memory_space<vmem>>, %arg15: memref<80x128xf32, #tpu.memory_space<vmem>>, %arg16: memref<10240x128xf32, #tpu.memory_space<vmem_shared>>, %arg17: memref<!tpu.dma_semaphore, #tpu.memory_space<semaphore_mem>>, %arg18: memref<!tpu.dma_semaphore, #tpu.memory_space<semaphore_mem>>, %arg19: memref<!tpu.dma_semaphore, #tpu.memory_space<semaphore_mem>>) attributes {dimension_semantics = [#tpu.dimension_semantics<core_parallel>, #tpu.dimension_semantics<subcore_parallel>], iteration_bounds = array<i64: 2, 16>, scalar_prefetch = 0 : i64, scratch_operands = 13 : i64, tpu.core_type = #tpu.core_type<sc_vector_subcore>, window_params = [{transform_indices = #map}, {transform_indices = #map1}, {transform_indices = #map1}, {transform_indices = #map}, {transform_indices = #map2}]} {
    %mul3A = arith.constant 16 : i32
    %mul3A_0 = arith.muli %arg0, %mul3A : i32
    %add3A = arith.addi %mul3A_0, %arg1 : i32
    %eq3A = arith.constant 0 : i32
    %eq3A_1 = arith.cmpi eq, %arg1, %eq3A : i32
    %convert_element_type3A = arith.extui %eq3A_1 : i1 to i32
    %cond3A = arith.constant 0 : i32
    %cond3A_2 = arith.cmpi ne, %convert_element_type3A, %cond3A : i32
    scf.if %cond3A_2 {
      "tpu.region"() ({
        %run_scoped3A = tpu.sem_alloc : memref<!tpu.dma_semaphore, #tpu.memory_space<semaphore_mem>>
        tpu.enqueue_dma source(%arg5 : memref<10240x128xf32, #tpu.memory_space<hbm>>) target(%arg16 : memref<10240x128xf32, #tpu.memory_space<vmem_shared>>) target_semaphore(%run_scoped3A : memref<!tpu.dma_semaphore, #tpu.memory_space<semaphore_mem>>)
        tpu.wait_dma2 semaphore(%run_scoped3A : memref<!tpu.dma_semaphore, #tpu.memory_space<semaphore_mem>>) src(%arg5 : memref<10240x128xf32, #tpu.memory_space<hbm>>) dst(%arg16 : memref<10240x128xf32, #tpu.memory_space<vmem_shared>>)
        tpu.yield
      }) : () -> ()
    } else {
    }
    %barrier3A = arith.constant 0 : index
    tpu.barrier barrier_id(%barrier3A)
    %mul3A_3 = arith.constant 10000 : i32
    %mul3A_4 = arith.muli %add3A, %mul3A_3 : i32
    %add3A_5 = arith.constant 0 : i32
    %add3A_6 = arith.addi %mul3A_4, %add3A_5 : i32
    "tpu.region"() ({
      %run_scoped3A = tpu.sem_alloc : memref<!tpu.dma_semaphore, #tpu.memory_space<semaphore_mem>>
      %dma_start3A_39 = tpu.memref_slice %arg3[%add3A_6] : memref<320000xi32, #tpu.memory_space<hbm>> -> memref<80xi32, #tpu.memory_space<hbm>>
      %dma_start3A_40 = tpu.memref_slice %arg3[%add3A_6] : memref<320000xi32, #tpu.memory_space<hbm>> -> memref<80xi32, #tpu.memory_space<hbm>>
      tpu.enqueue_dma source(%dma_start3A_40 : memref<80xi32, #tpu.memory_space<hbm>>) target(%arg7 : memref<80xi32, #tpu.memory_space<vmem>>) target_semaphore(%run_scoped3A : memref<!tpu.dma_semaphore, #tpu.memory_space<semaphore_mem>>)
      %dma_wait3A_41 = tpu.memref_slice %arg3[%add3A_6] : memref<320000xi32, #tpu.memory_space<hbm>> -> memref<80xi32, #tpu.memory_space<hbm>>
      %dma_wait3A_42 = tpu.memref_slice %arg3[%add3A_6] : memref<320000xi32, #tpu.memory_space<hbm>> -> memref<80xi32, #tpu.memory_space<hbm>>
      tpu.wait_dma2 semaphore(%run_scoped3A : memref<!tpu.dma_semaphore, #tpu.memory_space<semaphore_mem>>) src(%dma_wait3A_42 : memref<80xi32, #tpu.memory_space<hbm>>) dst(%arg7 : memref<80xi32, #tpu.memory_space<vmem>>)
      tpu.yield
    }) : () -> ()
    %dma_start3A = arith.constant 0 : i32
    %dma_start3A_7 = arith.constant 0 : i32
    %dma_start3A_8 = tpu.memref_slice %arg2[%dma_start3A, %dma_start3A_7] : memref<10000x128xf32, #tpu.memory_space<hbm>> -> memref<10000x128xf32, #tpu.memory_space<hbm>>
    tpu.enqueue_indirect_dma source(%dma_start3A_8 : memref<10000x128xf32, #tpu.memory_space<hbm>>) target(%arg13 : memref<80x128xf32, #tpu.memory_space<vmem>>) offsets(%arg7 : memref<80xi32, #tpu.memory_space<vmem>>) semaphore(%arg17 : memref<!tpu.dma_semaphore, #tpu.memory_space<semaphore_mem>>)
    %add3A_9 = arith.constant 80 : i32
    %add3A_10 = arith.addi %mul3A_4, %add3A_9 : i32
    "tpu.region"() ({
      %run_scoped3A = tpu.sem_alloc : memref<!tpu.dma_semaphore, #tpu.memory_space<semaphore_mem>>
      %dma_start3A_39 = tpu.memref_slice %arg3[%add3A_10] : memref<320000xi32, #tpu.memory_space<hbm>> -> memref<80xi32, #tpu.memory_space<hbm>>
      %dma_start3A_40 = tpu.memref_slice %arg3[%add3A_10] : memref<320000xi32, #tpu.memory_space<hbm>> -> memref<80xi32, #tpu.memory_space<hbm>>
      tpu.enqueue_dma source(%dma_start3A_40 : memref<80xi32, #tpu.memory_space<hbm>>) target(%arg8 : memref<80xi32, #tpu.memory_space<vmem>>) target_semaphore(%run_scoped3A : memref<!tpu.dma_semaphore, #tpu.memory_space<semaphore_mem>>)
      %dma_wait3A_41 = tpu.memref_slice %arg3[%add3A_10] : memref<320000xi32, #tpu.memory_space<hbm>> -> memref<80xi32, #tpu.memory_space<hbm>>
      %dma_wait3A_42 = tpu.memref_slice %arg3[%add3A_10] : memref<320000xi32, #tpu.memory_space<hbm>> -> memref<80xi32, #tpu.memory_space<hbm>>
      tpu.wait_dma2 semaphore(%run_scoped3A : memref<!tpu.dma_semaphore, #tpu.memory_space<semaphore_mem>>) src(%dma_wait3A_42 : memref<80xi32, #tpu.memory_space<hbm>>) dst(%arg8 : memref<80xi32, #tpu.memory_space<vmem>>)
      tpu.yield
    }) : () -> ()
    %dma_start3A_11 = arith.constant 0 : i32
    %dma_start3A_12 = arith.constant 0 : i32
    %dma_start3A_13 = tpu.memref_slice %arg2[%dma_start3A_11, %dma_start3A_12] : memref<10000x128xf32, #tpu.memory_space<hbm>> -> memref<10000x128xf32, #tpu.memory_space<hbm>>
    tpu.enqueue_indirect_dma source(%dma_start3A_13 : memref<10000x128xf32, #tpu.memory_space<hbm>>) target(%arg14 : memref<80x128xf32, #tpu.memory_space<vmem>>) offsets(%arg8 : memref<80xi32, #tpu.memory_space<vmem>>) semaphore(%arg18 : memref<!tpu.dma_semaphore, #tpu.memory_space<semaphore_mem>>)
    %add3A_14 = arith.constant 160 : i32
    %add3A_15 = arith.addi %mul3A_4, %add3A_14 : i32
    "tpu.region"() ({
      %run_scoped3A = tpu.sem_alloc : memref<!tpu.dma_semaphore, #tpu.memory_space<semaphore_mem>>
      %dma_start3A_39 = tpu.memref_slice %arg3[%add3A_15] : memref<320000xi32, #tpu.memory_space<hbm>> -> memref<80xi32, #tpu.memory_space<hbm>>
      %dma_start3A_40 = tpu.memref_slice %arg3[%add3A_15] : memref<320000xi32, #tpu.memory_space<hbm>> -> memref<80xi32, #tpu.memory_space<hbm>>
      tpu.enqueue_dma source(%dma_start3A_40 : memref<80xi32, #tpu.memory_space<hbm>>) target(%arg9 : memref<80xi32, #tpu.memory_space<vmem>>) target_semaphore(%run_scoped3A : memref<!tpu.dma_semaphore, #tpu.memory_space<semaphore_mem>>)
      %dma_wait3A_41 = tpu.memref_slice %arg3[%add3A_15] : memref<320000xi32, #tpu.memory_space<hbm>> -> memref<80xi32, #tpu.memory_space<hbm>>
      %dma_wait3A_42 = tpu.memref_slice %arg3[%add3A_15] : memref<320000xi32, #tpu.memory_space<hbm>> -> memref<80xi32, #tpu.memory_space<hbm>>
      tpu.wait_dma2 semaphore(%run_scoped3A : memref<!tpu.dma_semaphore, #tpu.memory_space<semaphore_mem>>) src(%dma_wait3A_42 : memref<80xi32, #tpu.memory_space<hbm>>) dst(%arg9 : memref<80xi32, #tpu.memory_space<vmem>>)
      tpu.yield
    }) : () -> ()
    %dma_start3A_16 = arith.constant 0 : i32
    %dma_start3A_17 = arith.constant 0 : i32
    %dma_start3A_18 = tpu.memref_slice %arg2[%dma_start3A_16, %dma_start3A_17] : memref<10000x128xf32, #tpu.memory_space<hbm>> -> memref<10000x128xf32, #tpu.memory_space<hbm>>
    tpu.enqueue_indirect_dma source(%dma_start3A_18 : memref<10000x128xf32, #tpu.memory_space<hbm>>) target(%arg15 : memref<80x128xf32, #tpu.memory_space<vmem>>) offsets(%arg9 : memref<80xi32, #tpu.memory_space<vmem>>) semaphore(%arg19 : memref<!tpu.dma_semaphore, #tpu.memory_space<semaphore_mem>>)
    %scan3A = arith.constant 0 : i32
    %scan3A_19 = arith.constant 0 : i32
    %scan3A_20 = arith.constant 41 : i32
    %scan3A_21 = arith.addi %scan3A_19, %scan3A_20 : i32
    %scan3A_22 = arith.constant 1 : i32
    scf.for %scan3A_39 = %scan3A_19 to %scan3A_21 step %scan3A_22  : i32 {
      %mul3A_40 = arith.constant 3 : i32
      %mul3A_41 = arith.muli %mul3A_40, %scan3A_39 : i32
      %add3A_42 = arith.constant 0 : i32
      %add3A_43 = arith.addi %mul3A_41, %add3A_42 : i32
      %mul3A_44 = arith.constant 80 : i32
      %mul3A_45 = arith.muli %add3A_43, %mul3A_44 : i32
      %add3A_46 = arith.addi %mul3A_4, %mul3A_45 : i32
      "tpu.region"() ({
        %run_scoped3A = tpu.sem_alloc : memref<!tpu.dma_semaphore, #tpu.memory_space<semaphore_mem>>
        %dma_start3A_90 = tpu.memref_slice %arg4[%add3A_46] : memref<320000xi32, #tpu.memory_space<hbm>> -> memref<80xi32, #tpu.memory_space<hbm>>
        %dma_start3A_91 = tpu.memref_slice %arg4[%add3A_46] : memref<320000xi32, #tpu.memory_space<hbm>> -> memref<80xi32, #tpu.memory_space<hbm>>
        tpu.enqueue_dma source(%dma_start3A_91 : memref<80xi32, #tpu.memory_space<hbm>>) target(%arg10 : memref<80xi32, #tpu.memory_space<vmem>>) target_semaphore(%run_scoped3A : memref<!tpu.dma_semaphore, #tpu.memory_space<semaphore_mem>>)
        %dma_wait3A_92 = tpu.memref_slice %arg4[%add3A_46] : memref<320000xi32, #tpu.memory_space<hbm>> -> memref<80xi32, #tpu.memory_space<hbm>>
        %dma_wait3A_93 = tpu.memref_slice %arg4[%add3A_46] : memref<320000xi32, #tpu.memory_space<hbm>> -> memref<80xi32, #tpu.memory_space<hbm>>
        tpu.wait_dma2 semaphore(%run_scoped3A : memref<!tpu.dma_semaphore, #tpu.memory_space<semaphore_mem>>) src(%dma_wait3A_93 : memref<80xi32, #tpu.memory_space<hbm>>) dst(%arg10 : memref<80xi32, #tpu.memory_space<vmem>>)
        tpu.yield
      }) : () -> ()
      %dma_wait3A_47 = arith.constant 0 : i32
      %dma_wait3A_48 = arith.constant 0 : i32
      %dma_wait3A_49 = tpu.memref_slice %arg2[%dma_wait3A_47, %dma_wait3A_48] : memref<10000x128xf32, #tpu.memory_space<hbm>> -> memref<10000x128xf32, #tpu.memory_space<hbm>>
      tpu.wait_indirect_dma semaphore(%arg17 : memref<!tpu.dma_semaphore, #tpu.memory_space<semaphore_mem>>) src(%dma_wait3A_49 : memref<10000x128xf32, #tpu.memory_space<hbm>>) dst(%arg13 : memref<80x128xf32, #tpu.memory_space<vmem>>)
      "tpu.region"() ({
        %run_scoped3A = tpu.sem_alloc : memref<!tpu.dma_semaphore, #tpu.memory_space<semaphore_mem>>
        %dma_start3A_90 = arith.constant 0 : i32
        %dma_start3A_91 = arith.constant 0 : i32
        %dma_start3A_92 = tpu.memref_slice %arg16[%dma_start3A_90, %dma_start3A_91] : memref<10240x128xf32, #tpu.memory_space<vmem_shared>> -> memref<10240x128xf32, #tpu.memory_space<vmem_shared>>
        tpu.enqueue_indirect_dma source(%arg13 : memref<80x128xf32, #tpu.memory_space<vmem>>) target(%dma_start3A_92 : memref<10240x128xf32, #tpu.memory_space<vmem_shared>>) offsets(%arg10 : memref<80xi32, #tpu.memory_space<vmem>>) semaphore(%run_scoped3A : memref<!tpu.dma_semaphore, #tpu.memory_space<semaphore_mem>>) {add = true}
        %dma_wait3A_93 = arith.constant 0 : i32
        %dma_wait3A_94 = arith.constant 0 : i32
        %dma_wait3A_95 = tpu.memref_slice %arg16[%dma_wait3A_93, %dma_wait3A_94] : memref<10240x128xf32, #tpu.memory_space<vmem_shared>> -> memref<10240x128xf32, #tpu.memory_space<vmem_shared>>
        tpu.wait_indirect_dma semaphore(%run_scoped3A : memref<!tpu.dma_semaphore, #tpu.memory_space<semaphore_mem>>) src(%arg13 : memref<80x128xf32, #tpu.memory_space<vmem>>) dst(%dma_wait3A_95 : memref<10240x128xf32, #tpu.memory_space<vmem_shared>>)
        tpu.yield
      }) : () -> ()
      %add3A_50 = arith.constant 3 : i32
      %add3A_51 = arith.addi %add3A_43, %add3A_50 : i32
      %lt3A = arith.constant 125 : i32
      %lt3A_52 = arith.cmpi slt, %add3A_51, %lt3A : i32
      %convert_element_type3A_53 = arith.extui %lt3A_52 : i1 to i32
      %cond3A_54 = arith.constant 0 : i32
      %cond3A_55 = arith.cmpi ne, %convert_element_type3A_53, %cond3A_54 : i32
      scf.if %cond3A_55 {
        %add3A_90 = arith.constant 240 : i32
        %add3A_91 = arith.addi %add3A_46, %add3A_90 : i32
        "tpu.region"() ({
          %run_scoped3A = tpu.sem_alloc : memref<!tpu.dma_semaphore, #tpu.memory_space<semaphore_mem>>
          %dma_start3A_95 = tpu.memref_slice %arg3[%add3A_91] : memref<320000xi32, #tpu.memory_space<hbm>> -> memref<80xi32, #tpu.memory_space<hbm>>
          %dma_start3A_96 = tpu.memref_slice %arg3[%add3A_91] : memref<320000xi32, #tpu.memory_space<hbm>> -> memref<80xi32, #tpu.memory_space<hbm>>
          tpu.enqueue_dma source(%dma_start3A_96 : memref<80xi32, #tpu.memory_space<hbm>>) target(%arg7 : memref<80xi32, #tpu.memory_space<vmem>>) target_semaphore(%run_scoped3A : memref<!tpu.dma_semaphore, #tpu.memory_space<semaphore_mem>>)
          %dma_wait3A_97 = tpu.memref_slice %arg3[%add3A_91] : memref<320000xi32, #tpu.memory_space<hbm>> -> memref<80xi32, #tpu.memory_space<hbm>>
          %dma_wait3A_98 = tpu.memref_slice %arg3[%add3A_91] : memref<320000xi32, #tpu.memory_space<hbm>> -> memref<80xi32, #tpu.memory_space<hbm>>
          tpu.wait_dma2 semaphore(%run_scoped3A : memref<!tpu.dma_semaphore, #tpu.memory_space<semaphore_mem>>) src(%dma_wait3A_98 : memref<80xi32, #tpu.memory_space<hbm>>) dst(%arg7 : memref<80xi32, #tpu.memory_space<vmem>>)
          tpu.yield
        }) : () -> ()
        %dma_start3A_92 = arith.constant 0 : i32
        %dma_start3A_93 = arith.constant 0 : i32
        %dma_start3A_94 = tpu.memref_slice %arg2[%dma_start3A_92, %dma_start3A_93] : memref<10000x128xf32, #tpu.memory_space<hbm>> -> memref<10000x128xf32, #tpu.memory_space<hbm>>
        tpu.enqueue_indirect_dma source(%dma_start3A_94 : memref<10000x128xf32, #tpu.memory_space<hbm>>) target(%arg13 : memref<80x128xf32, #tpu.memory_space<vmem>>) offsets(%arg7 : memref<80xi32, #tpu.memory_space<vmem>>) semaphore(%arg17 : memref<!tpu.dma_semaphore, #tpu.memory_space<semaphore_mem>>)
      } else {
      }
      %mul3A_56 = arith.constant 3 : i32
      %mul3A_57 = arith.muli %mul3A_56, %scan3A_39 : i32
      %add3A_58 = arith.constant 1 : i32
      %add3A_59 = arith.addi %mul3A_57, %add3A_58 : i32
      %mul3A_60 = arith.constant 80 : i32
      %mul3A_61 = arith.muli %add3A_59, %mul3A_60 : i32
      %add3A_62 = arith.addi %mul3A_4, %mul3A_61 : i32
      "tpu.region"() ({
        %run_scoped3A = tpu.sem_alloc : memref<!tpu.dma_semaphore, #tpu.memory_space<semaphore_mem>>
        %dma_start3A_90 = tpu.memref_slice %arg4[%add3A_62] : memref<320000xi32, #tpu.memory_space<hbm>> -> memref<80xi32, #tpu.memory_space<hbm>>
        %dma_start3A_91 = tpu.memref_slice %arg4[%add3A_62] : memref<320000xi32, #tpu.memory_space<hbm>> -> memref<80xi32, #tpu.memory_space<hbm>>
        tpu.enqueue_dma source(%dma_start3A_91 : memref<80xi32, #tpu.memory_space<hbm>>) target(%arg11 : memref<80xi32, #tpu.memory_space<vmem>>) target_semaphore(%run_scoped3A : memref<!tpu.dma_semaphore, #tpu.memory_space<semaphore_mem>>)
        %dma_wait3A_92 = tpu.memref_slice %arg4[%add3A_62] : memref<320000xi32, #tpu.memory_space<hbm>> -> memref<80xi32, #tpu.memory_space<hbm>>
        %dma_wait3A_93 = tpu.memref_slice %arg4[%add3A_62] : memref<320000xi32, #tpu.memory_space<hbm>> -> memref<80xi32, #tpu.memory_space<hbm>>
        tpu.wait_dma2 semaphore(%run_scoped3A : memref<!tpu.dma_semaphore, #tpu.memory_space<semaphore_mem>>) src(%dma_wait3A_93 : memref<80xi32, #tpu.memory_space<hbm>>) dst(%arg11 : memref<80xi32, #tpu.memory_space<vmem>>)
        tpu.yield
      }) : () -> ()
      %dma_wait3A_63 = arith.constant 0 : i32
      %dma_wait3A_64 = arith.constant 0 : i32
      %dma_wait3A_65 = tpu.memref_slice %arg2[%dma_wait3A_63, %dma_wait3A_64] : memref<10000x128xf32, #tpu.memory_space<hbm>> -> memref<10000x128xf32, #tpu.memory_space<hbm>>
      tpu.wait_indirect_dma semaphore(%arg18 : memref<!tpu.dma_semaphore, #tpu.memory_space<semaphore_mem>>) src(%dma_wait3A_65 : memref<10000x128xf32, #tpu.memory_space<hbm>>) dst(%arg14 : memref<80x128xf32, #tpu.memory_space<vmem>>)
      "tpu.region"() ({
        %run_scoped3A = tpu.sem_alloc : memref<!tpu.dma_semaphore, #tpu.memory_space<semaphore_mem>>
        %dma_start3A_90 = arith.constant 0 : i32
        %dma_start3A_91 = arith.constant 0 : i32
        %dma_start3A_92 = tpu.memref_slice %arg16[%dma_start3A_90, %dma_start3A_91] : memref<10240x128xf32, #tpu.memory_space<vmem_shared>> -> memref<10240x128xf32, #tpu.memory_space<vmem_shared>>
        tpu.enqueue_indirect_dma source(%arg14 : memref<80x128xf32, #tpu.memory_space<vmem>>) target(%dma_start3A_92 : memref<10240x128xf32, #tpu.memory_space<vmem_shared>>) offsets(%arg11 : memref<80xi32, #tpu.memory_space<vmem>>) semaphore(%run_scoped3A : memref<!tpu.dma_semaphore, #tpu.memory_space<semaphore_mem>>) {add = true}
        %dma_wait3A_93 = arith.constant 0 : i32
        %dma_wait3A_94 = arith.constant 0 : i32
        %dma_wait3A_95 = tpu.memref_slice %arg16[%dma_wait3A_93, %dma_wait3A_94] : memref<10240x128xf32, #tpu.memory_space<vmem_shared>> -> memref<10240x128xf32, #tpu.memory_space<vmem_shared>>
        tpu.wait_indirect_dma semaphore(%run_scoped3A : memref<!tpu.dma_semaphore, #tpu.memory_space<semaphore_mem>>) src(%arg14 : memref<80x128xf32, #tpu.memory_space<vmem>>) dst(%dma_wait3A_95 : memref<10240x128xf32, #tpu.memory_space<vmem_shared>>)
        tpu.yield
      }) : () -> ()
      %add3A_66 = arith.constant 3 : i32
      %add3A_67 = arith.addi %add3A_59, %add3A_66 : i32
      %lt3A_68 = arith.constant 125 : i32
      %lt3A_69 = arith.cmpi slt, %add3A_67, %lt3A_68 : i32
      %convert_element_type3A_70 = arith.extui %lt3A_69 : i1 to i32
      %cond3A_71 = arith.constant 0 : i32
      %cond3A_72 = arith.cmpi ne, %convert_element_type3A_70, %cond3A_71 : i32
      scf.if %cond3A_72 {
        %add3A_90 = arith.constant 240 : i32
        %add3A_91 = arith.addi %add3A_62, %add3A_90 : i32
        "tpu.region"() ({
          %run_scoped3A = tpu.sem_alloc : memref<!tpu.dma_semaphore, #tpu.memory_space<semaphore_mem>>
          %dma_start3A_95 = tpu.memref_slice %arg3[%add3A_91] : memref<320000xi32, #tpu.memory_space<hbm>> -> memref<80xi32, #tpu.memory_space<hbm>>
          %dma_start3A_96 = tpu.memref_slice %arg3[%add3A_91] : memref<320000xi32, #tpu.memory_space<hbm>> -> memref<80xi32, #tpu.memory_space<hbm>>
          tpu.enqueue_dma source(%dma_start3A_96 : memref<80xi32, #tpu.memory_space<hbm>>) target(%arg8 : memref<80xi32, #tpu.memory_space<vmem>>) target_semaphore(%run_scoped3A : memref<!tpu.dma_semaphore, #tpu.memory_space<semaphore_mem>>)
          %dma_wait3A_97 = tpu.memref_slice %arg3[%add3A_91] : memref<320000xi32, #tpu.memory_space<hbm>> -> memref<80xi32, #tpu.memory_space<hbm>>
          %dma_wait3A_98 = tpu.memref_slice %arg3[%add3A_91] : memref<320000xi32, #tpu.memory_space<hbm>> -> memref<80xi32, #tpu.memory_space<hbm>>
          tpu.wait_dma2 semaphore(%run_scoped3A : memref<!tpu.dma_semaphore, #tpu.memory_space<semaphore_mem>>) src(%dma_wait3A_98 : memref<80xi32, #tpu.memory_space<hbm>>) dst(%arg8 : memref<80xi32, #tpu.memory_space<vmem>>)
          tpu.yield
        }) : () -> ()
        %dma_start3A_92 = arith.constant 0 : i32
        %dma_start3A_93 = arith.constant 0 : i32
        %dma_start3A_94 = tpu.memref_slice %arg2[%dma_start3A_92, %dma_start3A_93] : memref<10000x128xf32, #tpu.memory_space<hbm>> -> memref<10000x128xf32, #tpu.memory_space<hbm>>
        tpu.enqueue_indirect_dma source(%dma_start3A_94 : memref<10000x128xf32, #tpu.memory_space<hbm>>) target(%arg14 : memref<80x128xf32, #tpu.memory_space<vmem>>) offsets(%arg8 : memref<80xi32, #tpu.memory_space<vmem>>) semaphore(%arg18 : memref<!tpu.dma_semaphore, #tpu.memory_space<semaphore_mem>>)
      } else {
      }
      %mul3A_73 = arith.constant 3 : i32
      %mul3A_74 = arith.muli %mul3A_73, %scan3A_39 : i32
      %add3A_75 = arith.constant 2 : i32
      %add3A_76 = arith.addi %mul3A_74, %add3A_75 : i32
      %mul3A_77 = arith.constant 80 : i32
      %mul3A_78 = arith.muli %add3A_76, %mul3A_77 : i32
      %add3A_79 = arith.addi %mul3A_4, %mul3A_78 : i32
      "tpu.region"() ({
        %run_scoped3A = tpu.sem_alloc : memref<!tpu.dma_semaphore, #tpu.memory_space<semaphore_mem>>
        %dma_start3A_90 = tpu.memref_slice %arg4[%add3A_79] : memref<320000xi32, #tpu.memory_space<hbm>> -> memref<80xi32, #tpu.memory_space<hbm>>
        %dma_start3A_91 = tpu.memref_slice %arg4[%add3A_79] : memref<320000xi32, #tpu.memory_space<hbm>> -> memref<80xi32, #tpu.memory_space<hbm>>
        tpu.enqueue_dma source(%dma_start3A_91 : memref<80xi32, #tpu.memory_space<hbm>>) target(%arg12 : memref<80xi32, #tpu.memory_space<vmem>>) target_semaphore(%run_scoped3A : memref<!tpu.dma_semaphore, #tpu.memory_space<semaphore_mem>>)
        %dma_wait3A_92 = tpu.memref_slice %arg4[%add3A_79] : memref<320000xi32, #tpu.memory_space<hbm>> -> memref<80xi32, #tpu.memory_space<hbm>>
        %dma_wait3A_93 = tpu.memref_slice %arg4[%add3A_79] : memref<320000xi32, #tpu.memory_space<hbm>> -> memref<80xi32, #tpu.memory_space<hbm>>
        tpu.wait_dma2 semaphore(%run_scoped3A : memref<!tpu.dma_semaphore, #tpu.memory_space<semaphore_mem>>) src(%dma_wait3A_93 : memref<80xi32, #tpu.memory_space<hbm>>) dst(%arg12 : memref<80xi32, #tpu.memory_space<vmem>>)
        tpu.yield
      }) : () -> ()
      %dma_wait3A_80 = arith.constant 0 : i32
      %dma_wait3A_81 = arith.constant 0 : i32
      %dma_wait3A_82 = tpu.memref_slice %arg2[%dma_wait3A_80, %dma_wait3A_81] : memref<10000x128xf32, #tpu.memory_space<hbm>> -> memref<10000x128xf32, #tpu.memory_space<hbm>>
      tpu.wait_indirect_dma semaphore(%arg19 : memref<!tpu.dma_semaphore, #tpu.memory_space<semaphore_mem>>) src(%dma_wait3A_82 : memref<10000x128xf32, #tpu.memory_space<hbm>>) dst(%arg15 : memref<80x128xf32, #tpu.memory_space<vmem>>)
      "tpu.region"() ({
        %run_scoped3A = tpu.sem_alloc : memref<!tpu.dma_semaphore, #tpu.memory_space<semaphore_mem>>
        %dma_start3A_90 = arith.constant 0 : i32
        %dma_start3A_91 = arith.constant 0 : i32
        %dma_start3A_92 = tpu.memref_slice %arg16[%dma_start3A_90, %dma_start3A_91] : memref<10240x128xf32, #tpu.memory_space<vmem_shared>> -> memref<10240x128xf32, #tpu.memory_space<vmem_shared>>
        tpu.enqueue_indirect_dma source(%arg15 : memref<80x128xf32, #tpu.memory_space<vmem>>) target(%dma_start3A_92 : memref<10240x128xf32, #tpu.memory_space<vmem_shared>>) offsets(%arg12 : memref<80xi32, #tpu.memory_space<vmem>>) semaphore(%run_scoped3A : memref<!tpu.dma_semaphore, #tpu.memory_space<semaphore_mem>>) {add = true}
        %dma_wait3A_93 = arith.constant 0 : i32
        %dma_wait3A_94 = arith.constant 0 : i32
        %dma_wait3A_95 = tpu.memref_slice %arg16[%dma_wait3A_93, %dma_wait3A_94] : memref<10240x128xf32, #tpu.memory_space<vmem_shared>> -> memref<10240x128xf32, #tpu.memory_space<vmem_shared>>
        tpu.wait_indirect_dma semaphore(%run_scoped3A : memref<!tpu.dma_semaphore, #tpu.memory_space<semaphore_mem>>) src(%arg15 : memref<80x128xf32, #tpu.memory_space<vmem>>) dst(%dma_wait3A_95 : memref<10240x128xf32, #tpu.memory_space<vmem_shared>>)
        tpu.yield
      }) : () -> ()
      %add3A_83 = arith.constant 3 : i32
      %add3A_84 = arith.addi %add3A_76, %add3A_83 : i32
      %lt3A_85 = arith.constant 125 : i32
      %lt3A_86 = arith.cmpi slt, %add3A_84, %lt3A_85 : i32
      %convert_element_type3A_87 = arith.extui %lt3A_86 : i1 to i32
      %cond3A_88 = arith.constant 0 : i32
      %cond3A_89 = arith.cmpi ne, %convert_element_type3A_87, %cond3A_88 : i32
      scf.if %cond3A_89 {
        %add3A_90 = arith.constant 240 : i32
        %add3A_91 = arith.addi %add3A_79, %add3A_90 : i32
        "tpu.region"() ({
          %run_scoped3A = tpu.sem_alloc : memref<!tpu.dma_semaphore, #tpu.memory_space<semaphore_mem>>
          %dma_start3A_95 = tpu.memref_slice %arg3[%add3A_91] : memref<320000xi32, #tpu.memory_space<hbm>> -> memref<80xi32, #tpu.memory_space<hbm>>
          %dma_start3A_96 = tpu.memref_slice %arg3[%add3A_91] : memref<320000xi32, #tpu.memory_space<hbm>> -> memref<80xi32, #tpu.memory_space<hbm>>
          tpu.enqueue_dma source(%dma_start3A_96 : memref<80xi32, #tpu.memory_space<hbm>>) target(%arg9 : memref<80xi32, #tpu.memory_space<vmem>>) target_semaphore(%run_scoped3A : memref<!tpu.dma_semaphore, #tpu.memory_space<semaphore_mem>>)
          %dma_wait3A_97 = tpu.memref_slice %arg3[%add3A_91] : memref<320000xi32, #tpu.memory_space<hbm>> -> memref<80xi32, #tpu.memory_space<hbm>>
          %dma_wait3A_98 = tpu.memref_slice %arg3[%add3A_91] : memref<320000xi32, #tpu.memory_space<hbm>> -> memref<80xi32, #tpu.memory_space<hbm>>
          tpu.wait_dma2 semaphore(%run_scoped3A : memref<!tpu.dma_semaphore, #tpu.memory_space<semaphore_mem>>) src(%dma_wait3A_98 : memref<80xi32, #tpu.memory_space<hbm>>) dst(%arg9 : memref<80xi32, #tpu.memory_space<vmem>>)
          tpu.yield
        }) : () -> ()
        %dma_start3A_92 = arith.constant 0 : i32
        %dma_start3A_93 = arith.constant 0 : i32
        %dma_start3A_94 = tpu.memref_slice %arg2[%dma_start3A_92, %dma_start3A_93] : memref<10000x128xf32, #tpu.memory_space<hbm>> -> memref<10000x128xf32, #tpu.memory_space<hbm>>
        tpu.enqueue_indirect_dma source(%dma_start3A_94 : memref<10000x128xf32, #tpu.memory_space<hbm>>) target(%arg15 : memref<80x128xf32, #tpu.memory_space<vmem>>) offsets(%arg9 : memref<80xi32, #tpu.memory_space<vmem>>) semaphore(%arg19 : memref<!tpu.dma_semaphore, #tpu.memory_space<semaphore_mem>>)
      } else {
      }
    }
    %scan3A_23 = arith.constant 41 : i32
    %add3A_24 = arith.constant 9840 : i32
    %add3A_25 = arith.addi %mul3A_4, %add3A_24 : i32
    "tpu.region"() ({
      %run_scoped3A = tpu.sem_alloc : memref<!tpu.dma_semaphore, #tpu.memory_space<semaphore_mem>>
      %dma_start3A_39 = tpu.memref_slice %arg4[%add3A_25] : memref<320000xi32, #tpu.memory_space<hbm>> -> memref<80xi32, #tpu.memory_space<hbm>>
      %dma_start3A_40 = tpu.memref_slice %arg4[%add3A_25] : memref<320000xi32, #tpu.memory_space<hbm>> -> memref<80xi32, #tpu.memory_space<hbm>>
      tpu.enqueue_dma source(%dma_start3A_40 : memref<80xi32, #tpu.memory_space<hbm>>) target(%arg10 : memref<80xi32, #tpu.memory_space<vmem>>) target_semaphore(%run_scoped3A : memref<!tpu.dma_semaphore, #tpu.memory_space<semaphore_mem>>)
      %dma_wait3A_41 = tpu.memref_slice %arg4[%add3A_25] : memref<320000xi32, #tpu.memory_space<hbm>> -> memref<80xi32, #tpu.memory_space<hbm>>
      %dma_wait3A_42 = tpu.memref_slice %arg4[%add3A_25] : memref<320000xi32, #tpu.memory_space<hbm>> -> memref<80xi32, #tpu.memory_space<hbm>>
      tpu.wait_dma2 semaphore(%run_scoped3A : memref<!tpu.dma_semaphore, #tpu.memory_space<semaphore_mem>>) src(%dma_wait3A_42 : memref<80xi32, #tpu.memory_space<hbm>>) dst(%arg10 : memref<80xi32, #tpu.memory_space<vmem>>)
      tpu.yield
    }) : () -> ()
    %dma_wait3A = arith.constant 0 : i32
    %dma_wait3A_26 = arith.constant 0 : i32
    %dma_wait3A_27 = tpu.memref_slice %arg2[%dma_wait3A, %dma_wait3A_26] : memref<10000x128xf32, #tpu.memory_space<hbm>> -> memref<10000x128xf32, #tpu.memory_space<hbm>>
    tpu.wait_indirect_dma semaphore(%arg17 : memref<!tpu.dma_semaphore, #tpu.memory_space<semaphore_mem>>) src(%dma_wait3A_27 : memref<10000x128xf32, #tpu.memory_space<hbm>>) dst(%arg13 : memref<80x128xf32, #tpu.memory_space<vmem>>)
    "tpu.region"() ({
      %run_scoped3A = tpu.sem_alloc : memref<!tpu.dma_semaphore, #tpu.memory_space<semaphore_mem>>
      %dma_start3A_39 = arith.constant 0 : i32
      %dma_start3A_40 = arith.constant 0 : i32
      %dma_start3A_41 = tpu.memref_slice %arg16[%dma_start3A_39, %dma_start3A_40] : memref<10240x128xf32, #tpu.memory_space<vmem_shared>> -> memref<10240x128xf32, #tpu.memory_space<vmem_shared>>
      tpu.enqueue_indirect_dma source(%arg13 : memref<80x128xf32, #tpu.memory_space<vmem>>) target(%dma_start3A_41 : memref<10240x128xf32, #tpu.memory_space<vmem_shared>>) offsets(%arg10 : memref<80xi32, #tpu.memory_space<vmem>>) semaphore(%run_scoped3A : memref<!tpu.dma_semaphore, #tpu.memory_space<semaphore_mem>>) {add = true}
      %dma_wait3A_42 = arith.constant 0 : i32
      %dma_wait3A_43 = arith.constant 0 : i32
      %dma_wait3A_44 = tpu.memref_slice %arg16[%dma_wait3A_42, %dma_wait3A_43] : memref<10240x128xf32, #tpu.memory_space<vmem_shared>> -> memref<10240x128xf32, #tpu.memory_space<vmem_shared>>
      tpu.wait_indirect_dma semaphore(%run_scoped3A : memref<!tpu.dma_semaphore, #tpu.memory_space<semaphore_mem>>) src(%arg13 : memref<80x128xf32, #tpu.memory_space<vmem>>) dst(%dma_wait3A_44 : memref<10240x128xf32, #tpu.memory_space<vmem_shared>>)
      tpu.yield
    }) : () -> ()
    %add3A_28 = arith.constant 9920 : i32
    %add3A_29 = arith.addi %mul3A_4, %add3A_28 : i32
    "tpu.region"() ({
      %run_scoped3A = tpu.sem_alloc : memref<!tpu.dma_semaphore, #tpu.memory_space<semaphore_mem>>
      %dma_start3A_39 = tpu.memref_slice %arg4[%add3A_29] : memref<320000xi32, #tpu.memory_space<hbm>> -> memref<80xi32, #tpu.memory_space<hbm>>
      %dma_start3A_40 = tpu.memref_slice %arg4[%add3A_29] : memref<320000xi32, #tpu.memory_space<hbm>> -> memref<80xi32, #tpu.memory_space<hbm>>
      tpu.enqueue_dma source(%dma_start3A_40 : memref<80xi32, #tpu.memory_space<hbm>>) target(%arg11 : memref<80xi32, #tpu.memory_space<vmem>>) target_semaphore(%run_scoped3A : memref<!tpu.dma_semaphore, #tpu.memory_space<semaphore_mem>>)
      %dma_wait3A_41 = tpu.memref_slice %arg4[%add3A_29] : memref<320000xi32, #tpu.memory_space<hbm>> -> memref<80xi32, #tpu.memory_space<hbm>>
      %dma_wait3A_42 = tpu.memref_slice %arg4[%add3A_29] : memref<320000xi32, #tpu.memory_space<hbm>> -> memref<80xi32, #tpu.memory_space<hbm>>
      tpu.wait_dma2 semaphore(%run_scoped3A : memref<!tpu.dma_semaphore, #tpu.memory_space<semaphore_mem>>) src(%dma_wait3A_42 : memref<80xi32, #tpu.memory_space<hbm>>) dst(%arg11 : memref<80xi32, #tpu.memory_space<vmem>>)
      tpu.yield
    }) : () -> ()
    %dma_wait3A_30 = arith.constant 0 : i32
    %dma_wait3A_31 = arith.constant 0 : i32
    %dma_wait3A_32 = tpu.memref_slice %arg2[%dma_wait3A_30, %dma_wait3A_31] : memref<10000x128xf32, #tpu.memory_space<hbm>> -> memref<10000x128xf32, #tpu.memory_space<hbm>>
    tpu.wait_indirect_dma semaphore(%arg18 : memref<!tpu.dma_semaphore, #tpu.memory_space<semaphore_mem>>) src(%dma_wait3A_32 : memref<10000x128xf32, #tpu.memory_space<hbm>>) dst(%arg14 : memref<80x128xf32, #tpu.memory_space<vmem>>)
    "tpu.region"() ({
      %run_scoped3A = tpu.sem_alloc : memref<!tpu.dma_semaphore, #tpu.memory_space<semaphore_mem>>
      %dma_start3A_39 = arith.constant 0 : i32
      %dma_start3A_40 = arith.constant 0 : i32
      %dma_start3A_41 = tpu.memref_slice %arg16[%dma_start3A_39, %dma_start3A_40] : memref<10240x128xf32, #tpu.memory_space<vmem_shared>> -> memref<10240x128xf32, #tpu.memory_space<vmem_shared>>
      tpu.enqueue_indirect_dma source(%arg14 : memref<80x128xf32, #tpu.memory_space<vmem>>) target(%dma_start3A_41 : memref<10240x128xf32, #tpu.memory_space<vmem_shared>>) offsets(%arg11 : memref<80xi32, #tpu.memory_space<vmem>>) semaphore(%run_scoped3A : memref<!tpu.dma_semaphore, #tpu.memory_space<semaphore_mem>>) {add = true}
      %dma_wait3A_42 = arith.constant 0 : i32
      %dma_wait3A_43 = arith.constant 0 : i32
      %dma_wait3A_44 = tpu.memref_slice %arg16[%dma_wait3A_42, %dma_wait3A_43] : memref<10240x128xf32, #tpu.memory_space<vmem_shared>> -> memref<10240x128xf32, #tpu.memory_space<vmem_shared>>
      tpu.wait_indirect_dma semaphore(%run_scoped3A : memref<!tpu.dma_semaphore, #tpu.memory_space<semaphore_mem>>) src(%arg14 : memref<80x128xf32, #tpu.memory_space<vmem>>) dst(%dma_wait3A_44 : memref<10240x128xf32, #tpu.memory_space<vmem_shared>>)
      tpu.yield
    }) : () -> ()
    %barrier3A_33 = arith.constant 0 : index
    tpu.barrier barrier_id(%barrier3A_33)
    %eq3A_34 = arith.constant 0 : i32
    %eq3A_35 = arith.cmpi eq, %arg1, %eq3A_34 : i32
    %convert_element_type3A_36 = arith.extui %eq3A_35 : i1 to i32
    %cond3A_37 = arith.constant 0 : i32
    %cond3A_38 = arith.cmpi ne, %convert_element_type3A_36, %cond3A_37 : i32
    scf.if %cond3A_38 {
      "tpu.region"() ({
        %run_scoped3A = tpu.sem_alloc : memref<!tpu.dma_semaphore, #tpu.memory_space<semaphore_mem>>
        %dma_start3A_39 = arith.constant 0 : i32
        %dma_start3A_40 = arith.constant 0 : i32
        %dma_start3A_41 = tpu.memref_slice %arg6[%arg0, %dma_start3A_39, %dma_start3A_40] : memref<2x10240x128xf32, #tpu.memory_space<hbm>> -> memref<1x10240x128xf32, #tpu.memory_space<hbm>>
        %dma_start3A_42 = tpu.memref_squeeze %dma_start3A_41 : memref<1x10240x128xf32, #tpu.memory_space<hbm>> -> memref<10240x128xf32, #tpu.memory_space<hbm>>
        tpu.enqueue_dma source(%arg16 : memref<10240x128xf32, #tpu.memory_space<vmem_shared>>) target(%dma_start3A_42 : memref<10240x128xf32, #tpu.memory_space<hbm>>) target_semaphore(%run_scoped3A : memref<!tpu.dma_semaphore, #tpu.memory_space<semaphore_mem>>)
        %dma_wait3A_43 = arith.constant 0 : i32
        %dma_wait3A_44 = arith.constant 0 : i32
        %dma_wait3A_45 = tpu.memref_slice %arg6[%arg0, %dma_wait3A_43, %dma_wait3A_44] : memref<2x10240x128xf32, #tpu.memory_space<hbm>> -> memref<1x10240x128xf32, #tpu.memory_space<hbm>>
        %dma_wait3A_46 = tpu.memref_squeeze %dma_wait3A_45 : memref<1x10240x128xf32, #tpu.memory_space<hbm>> -> memref<10240x128xf32, #tpu.memory_space<hbm>>
        tpu.wait_dma2 semaphore(%run_scoped3A : memref<!tpu.dma_semaphore, #tpu.memory_space<semaphore_mem>>) src(%arg16 : memref<10240x128xf32, #tpu.memory_space<vmem_shared>>) dst(%dma_wait3A_46 : memref<10240x128xf32, #tpu.memory_space<hbm>>)
        tpu.yield
      }) : () -> ()
    } else {
    }
    return
  }
}

#map = affine_map<(d0, d1) -> (0, 0)>
#map1 = affine_map<(d0, d1) -> (0)>
#map2 = affine_map<(d0, d1) -> (0, 0, 0)>
module attributes {stable_mosaic.version = 14 : i64} {
  func.func @_sc_edge(%arg0: i32, %arg1: i32, %arg2: memref<10000x128xf32, #tpu.memory_space<hbm>>, %arg3: memref<320000xi32, #tpu.memory_space<hbm>>, %arg4: memref<320000xi32, #tpu.memory_space<hbm>>, %arg5: memref<10240x128xf32, #tpu.memory_space<hbm>>, %arg6: memref<2x10240x128xf32, #tpu.memory_space<hbm>>, %arg7: memref<80xi32, #tpu.memory_space<vmem>>, %arg8: memref<80xi32, #tpu.memory_space<vmem>>, %arg9: memref<80xi32, #tpu.memory_space<vmem>>, %arg10: memref<80xi32, #tpu.memory_space<vmem>>, %arg11: memref<80xi32, #tpu.memory_space<vmem>>, %arg12: memref<80xi32, #tpu.memory_space<vmem>>, %arg13: memref<80x128xf32, #tpu.memory_space<vmem>>, %arg14: memref<80x128xf32, #tpu.memory_space<vmem>>, %arg15: memref<80x128xf32, #tpu.memory_space<vmem>>, %arg16: memref<10240x128xf32, #tpu.memory_space<vmem_shared>>, %arg17: memref<!tpu.dma_semaphore, #tpu.memory_space<semaphore_mem>>, %arg18: memref<!tpu.dma_semaphore, #tpu.memory_space<semaphore_mem>>, %arg19: memref<!tpu.dma_semaphore, #tpu.memory_space<semaphore_mem>>) attributes {dimension_semantics = [#tpu.dimension_semantics<core_parallel>, #tpu.dimension_semantics<subcore_parallel>], iteration_bounds = array<i64: 2, 16>, scalar_prefetch = 0 : i64, scratch_operands = 13 : i64, tpu.core_type = #tpu.core_type<sc_vector_subcore>, window_params = [{transform_indices = #map}, {transform_indices = #map1}, {transform_indices = #map1}, {transform_indices = #map}, {transform_indices = #map2}]} {
    %mul3A = arith.constant 16 : i32
    %mul3A_0 = arith.muli %arg0, %mul3A : i32
    %add3A = arith.addi %mul3A_0, %arg1 : i32
    %eq3A = arith.constant 0 : i32
    %eq3A_1 = arith.cmpi eq, %arg1, %eq3A : i32
    %convert_element_type3A = arith.extui %eq3A_1 : i1 to i32
    %cond3A = arith.constant 0 : i32
    %cond3A_2 = arith.cmpi ne, %convert_element_type3A, %cond3A : i32
    scf.if %cond3A_2 {
      "tpu.region"() ({
        %run_scoped3A = tpu.sem_alloc : memref<!tpu.dma_semaphore, #tpu.memory_space<semaphore_mem>>
        tpu.enqueue_dma source(%arg5 : memref<10240x128xf32, #tpu.memory_space<hbm>>) target(%arg16 : memref<10240x128xf32, #tpu.memory_space<vmem_shared>>) target_semaphore(%run_scoped3A : memref<!tpu.dma_semaphore, #tpu.memory_space<semaphore_mem>>)
        tpu.wait_dma2 semaphore(%run_scoped3A : memref<!tpu.dma_semaphore, #tpu.memory_space<semaphore_mem>>) src(%arg5 : memref<10240x128xf32, #tpu.memory_space<hbm>>) dst(%arg16 : memref<10240x128xf32, #tpu.memory_space<vmem_shared>>)
        tpu.yield
      }) : () -> ()
    } else {
    }
    %barrier3A = arith.constant 0 : index
    tpu.barrier barrier_id(%barrier3A)
    %mul3A_3 = arith.constant 10000 : i32
    %mul3A_4 = arith.muli %add3A, %mul3A_3 : i32
    %add3A_5 = arith.constant 0 : i32
    %add3A_6 = arith.addi %mul3A_4, %add3A_5 : i32
    "tpu.region"() ({
      %run_scoped3A = tpu.sem_alloc : memref<!tpu.dma_semaphore, #tpu.memory_space<semaphore_mem>>
      %dma_start3A_39 = tpu.memref_slice %arg3[%add3A_6] : memref<320000xi32, #tpu.memory_space<hbm>> -> memref<80xi32, #tpu.memory_space<hbm>>
      %dma_start3A_40 = tpu.memref_slice %arg3[%add3A_6] : memref<320000xi32, #tpu.memory_space<hbm>> -> memref<80xi32, #tpu.memory_space<hbm>>
      tpu.enqueue_dma source(%dma_start3A_40 : memref<80xi32, #tpu.memory_space<hbm>>) target(%arg7 : memref<80xi32, #tpu.memory_space<vmem>>) target_semaphore(%run_scoped3A : memref<!tpu.dma_semaphore, #tpu.memory_space<semaphore_mem>>)
      %dma_wait3A_41 = tpu.memref_slice %arg3[%add3A_6] : memref<320000xi32, #tpu.memory_space<hbm>> -> memref<80xi32, #tpu.memory_space<hbm>>
      %dma_wait3A_42 = tpu.memref_slice %arg3[%add3A_6] : memref<320000xi32, #tpu.memory_space<hbm>> -> memref<80xi32, #tpu.memory_space<hbm>>
      tpu.wait_dma2 semaphore(%run_scoped3A : memref<!tpu.dma_semaphore, #tpu.memory_space<semaphore_mem>>) src(%dma_wait3A_42 : memref<80xi32, #tpu.memory_space<hbm>>) dst(%arg7 : memref<80xi32, #tpu.memory_space<vmem>>)
      tpu.yield
    }) : () -> ()
    %dma_start3A = arith.constant 0 : i32
    %dma_start3A_7 = arith.constant 0 : i32
    %dma_start3A_8 = tpu.memref_slice %arg2[%dma_start3A, %dma_start3A_7] : memref<10000x128xf32, #tpu.memory_space<hbm>> -> memref<10000x128xf32, #tpu.memory_space<hbm>>
    tpu.enqueue_indirect_dma source(%dma_start3A_8 : memref<10000x128xf32, #tpu.memory_space<hbm>>) target(%arg13 : memref<80x128xf32, #tpu.memory_space<vmem>>) offsets(%arg7 : memref<80xi32, #tpu.memory_space<vmem>>) semaphore(%arg17 : memref<!tpu.dma_semaphore, #tpu.memory_space<semaphore_mem>>)
    %add3A_9 = arith.constant 80 : i32
    %add3A_10 = arith.addi %mul3A_4, %add3A_9 : i32
    "tpu.region"() ({
      %run_scoped3A = tpu.sem_alloc : memref<!tpu.dma_semaphore, #tpu.memory_space<semaphore_mem>>
      %dma_start3A_39 = tpu.memref_slice %arg3[%add3A_10] : memref<320000xi32, #tpu.memory_space<hbm>> -> memref<80xi32, #tpu.memory_space<hbm>>
      %dma_start3A_40 = tpu.memref_slice %arg3[%add3A_10] : memref<320000xi32, #tpu.memory_space<hbm>> -> memref<80xi32, #tpu.memory_space<hbm>>
      tpu.enqueue_dma source(%dma_start3A_40 : memref<80xi32, #tpu.memory_space<hbm>>) target(%arg8 : memref<80xi32, #tpu.memory_space<vmem>>) target_semaphore(%run_scoped3A : memref<!tpu.dma_semaphore, #tpu.memory_space<semaphore_mem>>)
      %dma_wait3A_41 = tpu.memref_slice %arg3[%add3A_10] : memref<320000xi32, #tpu.memory_space<hbm>> -> memref<80xi32, #tpu.memory_space<hbm>>
      %dma_wait3A_42 = tpu.memref_slice %arg3[%add3A_10] : memref<320000xi32, #tpu.memory_space<hbm>> -> memref<80xi32, #tpu.memory_space<hbm>>
      tpu.wait_dma2 semaphore(%run_scoped3A : memref<!tpu.dma_semaphore, #tpu.memory_space<semaphore_mem>>) src(%dma_wait3A_42 : memref<80xi32, #tpu.memory_space<hbm>>) dst(%arg8 : memref<80xi32, #tpu.memory_space<vmem>>)
      tpu.yield
    }) : () -> ()
    %dma_start3A_11 = arith.constant 0 : i32
    %dma_start3A_12 = arith.constant 0 : i32
    %dma_start3A_13 = tpu.memref_slice %arg2[%dma_start3A_11, %dma_start3A_12] : memref<10000x128xf32, #tpu.memory_space<hbm>> -> memref<10000x128xf32, #tpu.memory_space<hbm>>
    tpu.enqueue_indirect_dma source(%dma_start3A_13 : memref<10000x128xf32, #tpu.memory_space<hbm>>) target(%arg14 : memref<80x128xf32, #tpu.memory_space<vmem>>) offsets(%arg8 : memref<80xi32, #tpu.memory_space<vmem>>) semaphore(%arg18 : memref<!tpu.dma_semaphore, #tpu.memory_space<semaphore_mem>>)
    %add3A_14 = arith.constant 160 : i32
    %add3A_15 = arith.addi %mul3A_4, %add3A_14 : i32
    "tpu.region"() ({
      %run_scoped3A = tpu.sem_alloc : memref<!tpu.dma_semaphore, #tpu.memory_space<semaphore_mem>>
      %dma_start3A_39 = tpu.memref_slice %arg3[%add3A_15] : memref<320000xi32, #tpu.memory_space<hbm>> -> memref<80xi32, #tpu.memory_space<hbm>>
      %dma_start3A_40 = tpu.memref_slice %arg3[%add3A_15] : memref<320000xi32, #tpu.memory_space<hbm>> -> memref<80xi32, #tpu.memory_space<hbm>>
      tpu.enqueue_dma source(%dma_start3A_40 : memref<80xi32, #tpu.memory_space<hbm>>) target(%arg9 : memref<80xi32, #tpu.memory_space<vmem>>) target_semaphore(%run_scoped3A : memref<!tpu.dma_semaphore, #tpu.memory_space<semaphore_mem>>)
      %dma_wait3A_41 = tpu.memref_slice %arg3[%add3A_15] : memref<320000xi32, #tpu.memory_space<hbm>> -> memref<80xi32, #tpu.memory_space<hbm>>
      %dma_wait3A_42 = tpu.memref_slice %arg3[%add3A_15] : memref<320000xi32, #tpu.memory_space<hbm>> -> memref<80xi32, #tpu.memory_space<hbm>>
      tpu.wait_dma2 semaphore(%run_scoped3A : memref<!tpu.dma_semaphore, #tpu.memory_space<semaphore_mem>>) src(%dma_wait3A_42 : memref<80xi32, #tpu.memory_space<hbm>>) dst(%arg9 : memref<80xi32, #tpu.memory_space<vmem>>)
      tpu.yield
    }) : () -> ()
    %dma_start3A_16 = arith.constant 0 : i32
    %dma_start3A_17 = arith.constant 0 : i32
    %dma_start3A_18 = tpu.memref_slice %arg2[%dma_start3A_16, %dma_start3A_17] : memref<10000x128xf32, #tpu.memory_space<hbm>> -> memref<10000x128xf32, #tpu.memory_space<hbm>>
    tpu.enqueue_indirect_dma source(%dma_start3A_18 : memref<10000x128xf32, #tpu.memory_space<hbm>>) target(%arg15 : memref<80x128xf32, #tpu.memory_space<vmem>>) offsets(%arg9 : memref<80xi32, #tpu.memory_space<vmem>>) semaphore(%arg19 : memref<!tpu.dma_semaphore, #tpu.memory_space<semaphore_mem>>)
    %scan3A = arith.constant 0 : i32
    %scan3A_19 = arith.constant 0 : i32
    %scan3A_20 = arith.constant 41 : i32
    %scan3A_21 = arith.addi %scan3A_19, %scan3A_20 : i32
    %scan3A_22 = arith.constant 1 : i32
    scf.for %scan3A_39 = %scan3A_19 to %scan3A_21 step %scan3A_22  : i32 {
      %mul3A_40 = arith.constant 3 : i32
      %mul3A_41 = arith.muli %mul3A_40, %scan3A_39 : i32
      %add3A_42 = arith.constant 0 : i32
      %add3A_43 = arith.addi %mul3A_41, %add3A_42 : i32
      %mul3A_44 = arith.constant 80 : i32
      %mul3A_45 = arith.muli %add3A_43, %mul3A_44 : i32
      %add3A_46 = arith.addi %mul3A_4, %mul3A_45 : i32
      "tpu.region"() ({
        %run_scoped3A = tpu.sem_alloc : memref<!tpu.dma_semaphore, #tpu.memory_space<semaphore_mem>>
        %dma_start3A_90 = tpu.memref_slice %arg4[%add3A_46] : memref<320000xi32, #tpu.memory_space<hbm>> -> memref<80xi32, #tpu.memory_space<hbm>>
        %dma_start3A_91 = tpu.memref_slice %arg4[%add3A_46] : memref<320000xi32, #tpu.memory_space<hbm>> -> memref<80xi32, #tpu.memory_space<hbm>>
        tpu.enqueue_dma source(%dma_start3A_91 : memref<80xi32, #tpu.memory_space<hbm>>) target(%arg10 : memref<80xi32, #tpu.memory_space<vmem>>) target_semaphore(%run_scoped3A : memref<!tpu.dma_semaphore, #tpu.memory_space<semaphore_mem>>)
        %dma_wait3A_92 = tpu.memref_slice %arg4[%add3A_46] : memref<320000xi32, #tpu.memory_space<hbm>> -> memref<80xi32, #tpu.memory_space<hbm>>
        %dma_wait3A_93 = tpu.memref_slice %arg4[%add3A_46] : memref<320000xi32, #tpu.memory_space<hbm>> -> memref<80xi32, #tpu.memory_space<hbm>>
        tpu.wait_dma2 semaphore(%run_scoped3A : memref<!tpu.dma_semaphore, #tpu.memory_space<semaphore_mem>>) src(%dma_wait3A_93 : memref<80xi32, #tpu.memory_space<hbm>>) dst(%arg10 : memref<80xi32, #tpu.memory_space<vmem>>)
        tpu.yield
      }) : () -> ()
      %dma_wait3A_47 = arith.constant 0 : i32
      %dma_wait3A_48 = arith.constant 0 : i32
      %dma_wait3A_49 = tpu.memref_slice %arg2[%dma_wait3A_47, %dma_wait3A_48] : memref<10000x128xf32, #tpu.memory_space<hbm>> -> memref<10000x128xf32, #tpu.memory_space<hbm>>
      tpu.wait_indirect_dma semaphore(%arg17 : memref<!tpu.dma_semaphore, #tpu.memory_space<semaphore_mem>>) src(%dma_wait3A_49 : memref<10000x128xf32, #tpu.memory_space<hbm>>) dst(%arg13 : memref<80x128xf32, #tpu.memory_space<vmem>>)
      "tpu.region"() ({
        %run_scoped3A = tpu.sem_alloc : memref<!tpu.dma_semaphore, #tpu.memory_space<semaphore_mem>>
        %dma_start3A_90 = arith.constant 0 : i32
        %dma_start3A_91 = arith.constant 0 : i32
        %dma_start3A_92 = tpu.memref_slice %arg16[%dma_start3A_90, %dma_start3A_91] : memref<10240x128xf32, #tpu.memory_space<vmem_shared>> -> memref<10240x128xf32, #tpu.memory_space<vmem_shared>>
        tpu.enqueue_indirect_dma source(%arg13 : memref<80x128xf32, #tpu.memory_space<vmem>>) target(%dma_start3A_92 : memref<10240x128xf32, #tpu.memory_space<vmem_shared>>) offsets(%arg10 : memref<80xi32, #tpu.memory_space<vmem>>) semaphore(%run_scoped3A : memref<!tpu.dma_semaphore, #tpu.memory_space<semaphore_mem>>) {add = true}
        %dma_wait3A_93 = arith.constant 0 : i32
        %dma_wait3A_94 = arith.constant 0 : i32
        %dma_wait3A_95 = tpu.memref_slice %arg16[%dma_wait3A_93, %dma_wait3A_94] : memref<10240x128xf32, #tpu.memory_space<vmem_shared>> -> memref<10240x128xf32, #tpu.memory_space<vmem_shared>>
        tpu.wait_indirect_dma semaphore(%run_scoped3A : memref<!tpu.dma_semaphore, #tpu.memory_space<semaphore_mem>>) src(%arg13 : memref<80x128xf32, #tpu.memory_space<vmem>>) dst(%dma_wait3A_95 : memref<10240x128xf32, #tpu.memory_space<vmem_shared>>)
        tpu.yield
      }) : () -> ()
      %add3A_50 = arith.constant 3 : i32
      %add3A_51 = arith.addi %add3A_43, %add3A_50 : i32
      %lt3A = arith.constant 125 : i32
      %lt3A_52 = arith.cmpi slt, %add3A_51, %lt3A : i32
      %convert_element_type3A_53 = arith.extui %lt3A_52 : i1 to i32
      %cond3A_54 = arith.constant 0 : i32
      %cond3A_55 = arith.cmpi ne, %convert_element_type3A_53, %cond3A_54 : i32
      scf.if %cond3A_55 {
        %add3A_90 = arith.constant 240 : i32
        %add3A_91 = arith.addi %add3A_46, %add3A_90 : i32
        "tpu.region"() ({
          %run_scoped3A = tpu.sem_alloc : memref<!tpu.dma_semaphore, #tpu.memory_space<semaphore_mem>>
          %dma_start3A_95 = tpu.memref_slice %arg3[%add3A_91] : memref<320000xi32, #tpu.memory_space<hbm>> -> memref<80xi32, #tpu.memory_space<hbm>>
          %dma_start3A_96 = tpu.memref_slice %arg3[%add3A_91] : memref<320000xi32, #tpu.memory_space<hbm>> -> memref<80xi32, #tpu.memory_space<hbm>>
          tpu.enqueue_dma source(%dma_start3A_96 : memref<80xi32, #tpu.memory_space<hbm>>) target(%arg7 : memref<80xi32, #tpu.memory_space<vmem>>) target_semaphore(%run_scoped3A : memref<!tpu.dma_semaphore, #tpu.memory_space<semaphore_mem>>)
          %dma_wait3A_97 = tpu.memref_slice %arg3[%add3A_91] : memref<320000xi32, #tpu.memory_space<hbm>> -> memref<80xi32, #tpu.memory_space<hbm>>
          %dma_wait3A_98 = tpu.memref_slice %arg3[%add3A_91] : memref<320000xi32, #tpu.memory_space<hbm>> -> memref<80xi32, #tpu.memory_space<hbm>>
          tpu.wait_dma2 semaphore(%run_scoped3A : memref<!tpu.dma_semaphore, #tpu.memory_space<semaphore_mem>>) src(%dma_wait3A_98 : memref<80xi32, #tpu.memory_space<hbm>>) dst(%arg7 : memref<80xi32, #tpu.memory_space<vmem>>)
          tpu.yield
        }) : () -> ()
        %dma_start3A_92 = arith.constant 0 : i32
        %dma_start3A_93 = arith.constant 0 : i32
        %dma_start3A_94 = tpu.memref_slice %arg2[%dma_start3A_92, %dma_start3A_93] : memref<10000x128xf32, #tpu.memory_space<hbm>> -> memref<10000x128xf32, #tpu.memory_space<hbm>>
        tpu.enqueue_indirect_dma source(%dma_start3A_94 : memref<10000x128xf32, #tpu.memory_space<hbm>>) target(%arg13 : memref<80x128xf32, #tpu.memory_space<vmem>>) offsets(%arg7 : memref<80xi32, #tpu.memory_space<vmem>>) semaphore(%arg17 : memref<!tpu.dma_semaphore, #tpu.memory_space<semaphore_mem>>)
      } else {
      }
      %mul3A_56 = arith.constant 3 : i32
      %mul3A_57 = arith.muli %mul3A_56, %scan3A_39 : i32
      %add3A_58 = arith.constant 1 : i32
      %add3A_59 = arith.addi %mul3A_57, %add3A_58 : i32
      %mul3A_60 = arith.constant 80 : i32
      %mul3A_61 = arith.muli %add3A_59, %mul3A_60 : i32
      %add3A_62 = arith.addi %mul3A_4, %mul3A_61 : i32
      "tpu.region"() ({
        %run_scoped3A = tpu.sem_alloc : memref<!tpu.dma_semaphore, #tpu.memory_space<semaphore_mem>>
        %dma_start3A_90 = tpu.memref_slice %arg4[%add3A_62] : memref<320000xi32, #tpu.memory_space<hbm>> -> memref<80xi32, #tpu.memory_space<hbm>>
        %dma_start3A_91 = tpu.memref_slice %arg4[%add3A_62] : memref<320000xi32, #tpu.memory_space<hbm>> -> memref<80xi32, #tpu.memory_space<hbm>>
        tpu.enqueue_dma source(%dma_start3A_91 : memref<80xi32, #tpu.memory_space<hbm>>) target(%arg11 : memref<80xi32, #tpu.memory_space<vmem>>) target_semaphore(%run_scoped3A : memref<!tpu.dma_semaphore, #tpu.memory_space<semaphore_mem>>)
        %dma_wait3A_92 = tpu.memref_slice %arg4[%add3A_62] : memref<320000xi32, #tpu.memory_space<hbm>> -> memref<80xi32, #tpu.memory_space<hbm>>
        %dma_wait3A_93 = tpu.memref_slice %arg4[%add3A_62] : memref<320000xi32, #tpu.memory_space<hbm>> -> memref<80xi32, #tpu.memory_space<hbm>>
        tpu.wait_dma2 semaphore(%run_scoped3A : memref<!tpu.dma_semaphore, #tpu.memory_space<semaphore_mem>>) src(%dma_wait3A_93 : memref<80xi32, #tpu.memory_space<hbm>>) dst(%arg11 : memref<80xi32, #tpu.memory_space<vmem>>)
        tpu.yield
      }) : () -> ()
      %dma_wait3A_63 = arith.constant 0 : i32
      %dma_wait3A_64 = arith.constant 0 : i32
      %dma_wait3A_65 = tpu.memref_slice %arg2[%dma_wait3A_63, %dma_wait3A_64] : memref<10000x128xf32, #tpu.memory_space<hbm>> -> memref<10000x128xf32, #tpu.memory_space<hbm>>
      tpu.wait_indirect_dma semaphore(%arg18 : memref<!tpu.dma_semaphore, #tpu.memory_space<semaphore_mem>>) src(%dma_wait3A_65 : memref<10000x128xf32, #tpu.memory_space<hbm>>) dst(%arg14 : memref<80x128xf32, #tpu.memory_space<vmem>>)
      "tpu.region"() ({
        %run_scoped3A = tpu.sem_alloc : memref<!tpu.dma_semaphore, #tpu.memory_space<semaphore_mem>>
        %dma_start3A_90 = arith.constant 0 : i32
        %dma_start3A_91 = arith.constant 0 : i32
        %dma_start3A_92 = tpu.memref_slice %arg16[%dma_start3A_90, %dma_start3A_91] : memref<10240x128xf32, #tpu.memory_space<vmem_shared>> -> memref<10240x128xf32, #tpu.memory_space<vmem_shared>>
        tpu.enqueue_indirect_dma source(%arg14 : memref<80x128xf32, #tpu.memory_space<vmem>>) target(%dma_start3A_92 : memref<10240x128xf32, #tpu.memory_space<vmem_shared>>) offsets(%arg11 : memref<80xi32, #tpu.memory_space<vmem>>) semaphore(%run_scoped3A : memref<!tpu.dma_semaphore, #tpu.memory_space<semaphore_mem>>) {add = true}
        %dma_wait3A_93 = arith.constant 0 : i32
        %dma_wait3A_94 = arith.constant 0 : i32
        %dma_wait3A_95 = tpu.memref_slice %arg16[%dma_wait3A_93, %dma_wait3A_94] : memref<10240x128xf32, #tpu.memory_space<vmem_shared>> -> memref<10240x128xf32, #tpu.memory_space<vmem_shared>>
        tpu.wait_indirect_dma semaphore(%run_scoped3A : memref<!tpu.dma_semaphore, #tpu.memory_space<semaphore_mem>>) src(%arg14 : memref<80x128xf32, #tpu.memory_space<vmem>>) dst(%dma_wait3A_95 : memref<10240x128xf32, #tpu.memory_space<vmem_shared>>)
        tpu.yield
      }) : () -> ()
      %add3A_66 = arith.constant 3 : i32
      %add3A_67 = arith.addi %add3A_59, %add3A_66 : i32
      %lt3A_68 = arith.constant 125 : i32
      %lt3A_69 = arith.cmpi slt, %add3A_67, %lt3A_68 : i32
      %convert_element_type3A_70 = arith.extui %lt3A_69 : i1 to i32
      %cond3A_71 = arith.constant 0 : i32
      %cond3A_72 = arith.cmpi ne, %convert_element_type3A_70, %cond3A_71 : i32
      scf.if %cond3A_72 {
        %add3A_90 = arith.constant 240 : i32
        %add3A_91 = arith.addi %add3A_62, %add3A_90 : i32
        "tpu.region"() ({
          %run_scoped3A = tpu.sem_alloc : memref<!tpu.dma_semaphore, #tpu.memory_space<semaphore_mem>>
          %dma_start3A_95 = tpu.memref_slice %arg3[%add3A_91] : memref<320000xi32, #tpu.memory_space<hbm>> -> memref<80xi32, #tpu.memory_space<hbm>>
          %dma_start3A_96 = tpu.memref_slice %arg3[%add3A_91] : memref<320000xi32, #tpu.memory_space<hbm>> -> memref<80xi32, #tpu.memory_space<hbm>>
          tpu.enqueue_dma source(%dma_start3A_96 : memref<80xi32, #tpu.memory_space<hbm>>) target(%arg8 : memref<80xi32, #tpu.memory_space<vmem>>) target_semaphore(%run_scoped3A : memref<!tpu.dma_semaphore, #tpu.memory_space<semaphore_mem>>)
          %dma_wait3A_97 = tpu.memref_slice %arg3[%add3A_91] : memref<320000xi32, #tpu.memory_space<hbm>> -> memref<80xi32, #tpu.memory_space<hbm>>
          %dma_wait3A_98 = tpu.memref_slice %arg3[%add3A_91] : memref<320000xi32, #tpu.memory_space<hbm>> -> memref<80xi32, #tpu.memory_space<hbm>>
          tpu.wait_dma2 semaphore(%run_scoped3A : memref<!tpu.dma_semaphore, #tpu.memory_space<semaphore_mem>>) src(%dma_wait3A_98 : memref<80xi32, #tpu.memory_space<hbm>>) dst(%arg8 : memref<80xi32, #tpu.memory_space<vmem>>)
          tpu.yield
        }) : () -> ()
        %dma_start3A_92 = arith.constant 0 : i32
        %dma_start3A_93 = arith.constant 0 : i32
        %dma_start3A_94 = tpu.memref_slice %arg2[%dma_start3A_92, %dma_start3A_93] : memref<10000x128xf32, #tpu.memory_space<hbm>> -> memref<10000x128xf32, #tpu.memory_space<hbm>>
        tpu.enqueue_indirect_dma source(%dma_start3A_94 : memref<10000x128xf32, #tpu.memory_space<hbm>>) target(%arg14 : memref<80x128xf32, #tpu.memory_space<vmem>>) offsets(%arg8 : memref<80xi32, #tpu.memory_space<vmem>>) semaphore(%arg18 : memref<!tpu.dma_semaphore, #tpu.memory_space<semaphore_mem>>)
      } else {
      }
      %mul3A_73 = arith.constant 3 : i32
      %mul3A_74 = arith.muli %mul3A_73, %scan3A_39 : i32
      %add3A_75 = arith.constant 2 : i32
      %add3A_76 = arith.addi %mul3A_74, %add3A_75 : i32
      %mul3A_77 = arith.constant 80 : i32
      %mul3A_78 = arith.muli %add3A_76, %mul3A_77 : i32
      %add3A_79 = arith.addi %mul3A_4, %mul3A_78 : i32
      "tpu.region"() ({
        %run_scoped3A = tpu.sem_alloc : memref<!tpu.dma_semaphore, #tpu.memory_space<semaphore_mem>>
        %dma_start3A_90 = tpu.memref_slice %arg4[%add3A_79] : memref<320000xi32, #tpu.memory_space<hbm>> -> memref<80xi32, #tpu.memory_space<hbm>>
        %dma_start3A_91 = tpu.memref_slice %arg4[%add3A_79] : memref<320000xi32, #tpu.memory_space<hbm>> -> memref<80xi32, #tpu.memory_space<hbm>>
        tpu.enqueue_dma source(%dma_start3A_91 : memref<80xi32, #tpu.memory_space<hbm>>) target(%arg12 : memref<80xi32, #tpu.memory_space<vmem>>) target_semaphore(%run_scoped3A : memref<!tpu.dma_semaphore, #tpu.memory_space<semaphore_mem>>)
        %dma_wait3A_92 = tpu.memref_slice %arg4[%add3A_79] : memref<320000xi32, #tpu.memory_space<hbm>> -> memref<80xi32, #tpu.memory_space<hbm>>
        %dma_wait3A_93 = tpu.memref_slice %arg4[%add3A_79] : memref<320000xi32, #tpu.memory_space<hbm>> -> memref<80xi32, #tpu.memory_space<hbm>>
        tpu.wait_dma2 semaphore(%run_scoped3A : memref<!tpu.dma_semaphore, #tpu.memory_space<semaphore_mem>>) src(%dma_wait3A_93 : memref<80xi32, #tpu.memory_space<hbm>>) dst(%arg12 : memref<80xi32, #tpu.memory_space<vmem>>)
        tpu.yield
      }) : () -> ()
      %dma_wait3A_80 = arith.constant 0 : i32
      %dma_wait3A_81 = arith.constant 0 : i32
      %dma_wait3A_82 = tpu.memref_slice %arg2[%dma_wait3A_80, %dma_wait3A_81] : memref<10000x128xf32, #tpu.memory_space<hbm>> -> memref<10000x128xf32, #tpu.memory_space<hbm>>
      tpu.wait_indirect_dma semaphore(%arg19 : memref<!tpu.dma_semaphore, #tpu.memory_space<semaphore_mem>>) src(%dma_wait3A_82 : memref<10000x128xf32, #tpu.memory_space<hbm>>) dst(%arg15 : memref<80x128xf32, #tpu.memory_space<vmem>>)
      "tpu.region"() ({
        %run_scoped3A = tpu.sem_alloc : memref<!tpu.dma_semaphore, #tpu.memory_space<semaphore_mem>>
        %dma_start3A_90 = arith.constant 0 : i32
        %dma_start3A_91 = arith.constant 0 : i32
        %dma_start3A_92 = tpu.memref_slice %arg16[%dma_start3A_90, %dma_start3A_91] : memref<10240x128xf32, #tpu.memory_space<vmem_shared>> -> memref<10240x128xf32, #tpu.memory_space<vmem_shared>>
        tpu.enqueue_indirect_dma source(%arg15 : memref<80x128xf32, #tpu.memory_space<vmem>>) target(%dma_start3A_92 : memref<10240x128xf32, #tpu.memory_space<vmem_shared>>) offsets(%arg12 : memref<80xi32, #tpu.memory_space<vmem>>) semaphore(%run_scoped3A : memref<!tpu.dma_semaphore, #tpu.memory_space<semaphore_mem>>) {add = true}
        %dma_wait3A_93 = arith.constant 0 : i32
        %dma_wait3A_94 = arith.constant 0 : i32
        %dma_wait3A_95 = tpu.memref_slice %arg16[%dma_wait3A_93, %dma_wait3A_94] : memref<10240x128xf32, #tpu.memory_space<vmem_shared>> -> memref<10240x128xf32, #tpu.memory_space<vmem_shared>>
        tpu.wait_indirect_dma semaphore(%run_scoped3A : memref<!tpu.dma_semaphore, #tpu.memory_space<semaphore_mem>>) src(%arg15 : memref<80x128xf32, #tpu.memory_space<vmem>>) dst(%dma_wait3A_95 : memref<10240x128xf32, #tpu.memory_space<vmem_shared>>)
        tpu.yield
      }) : () -> ()
      %add3A_83 = arith.constant 3 : i32
      %add3A_84 = arith.addi %add3A_76, %add3A_83 : i32
      %lt3A_85 = arith.constant 125 : i32
      %lt3A_86 = arith.cmpi slt, %add3A_84, %lt3A_85 : i32
      %convert_element_type3A_87 = arith.extui %lt3A_86 : i1 to i32
      %cond3A_88 = arith.constant 0 : i32
      %cond3A_89 = arith.cmpi ne, %convert_element_type3A_87, %cond3A_88 : i32
      scf.if %cond3A_89 {
        %add3A_90 = arith.constant 240 : i32
        %add3A_91 = arith.addi %add3A_79, %add3A_90 : i32
        "tpu.region"() ({
          %run_scoped3A = tpu.sem_alloc : memref<!tpu.dma_semaphore, #tpu.memory_space<semaphore_mem>>
          %dma_start3A_95 = tpu.memref_slice %arg3[%add3A_91] : memref<320000xi32, #tpu.memory_space<hbm>> -> memref<80xi32, #tpu.memory_space<hbm>>
          %dma_start3A_96 = tpu.memref_slice %arg3[%add3A_91] : memref<320000xi32, #tpu.memory_space<hbm>> -> memref<80xi32, #tpu.memory_space<hbm>>
          tpu.enqueue_dma source(%dma_start3A_96 : memref<80xi32, #tpu.memory_space<hbm>>) target(%arg9 : memref<80xi32, #tpu.memory_space<vmem>>) target_semaphore(%run_scoped3A : memref<!tpu.dma_semaphore, #tpu.memory_space<semaphore_mem>>)
          %dma_wait3A_97 = tpu.memref_slice %arg3[%add3A_91] : memref<320000xi32, #tpu.memory_space<hbm>> -> memref<80xi32, #tpu.memory_space<hbm>>
          %dma_wait3A_98 = tpu.memref_slice %arg3[%add3A_91] : memref<320000xi32, #tpu.memory_space<hbm>> -> memref<80xi32, #tpu.memory_space<hbm>>
          tpu.wait_dma2 semaphore(%run_scoped3A : memref<!tpu.dma_semaphore, #tpu.memory_space<semaphore_mem>>) src(%dma_wait3A_98 : memref<80xi32, #tpu.memory_space<hbm>>) dst(%arg9 : memref<80xi32, #tpu.memory_space<vmem>>)
          tpu.yield
        }) : () -> ()
        %dma_start3A_92 = arith.constant 0 : i32
        %dma_start3A_93 = arith.constant 0 : i32
        %dma_start3A_94 = tpu.memref_slice %arg2[%dma_start3A_92, %dma_start3A_93] : memref<10000x128xf32, #tpu.memory_space<hbm>> -> memref<10000x128xf32, #tpu.memory_space<hbm>>
        tpu.enqueue_indirect_dma source(%dma_start3A_94 : memref<10000x128xf32, #tpu.memory_space<hbm>>) target(%arg15 : memref<80x128xf32, #tpu.memory_space<vmem>>) offsets(%arg9 : memref<80xi32, #tpu.memory_space<vmem>>) semaphore(%arg19 : memref<!tpu.dma_semaphore, #tpu.memory_space<semaphore_mem>>)
      } else {
      }
    }
    %scan3A_23 = arith.constant 41 : i32
    %add3A_24 = arith.constant 9840 : i32
    %add3A_25 = arith.addi %mul3A_4, %add3A_24 : i32
    "tpu.region"() ({
      %run_scoped3A = tpu.sem_alloc : memref<!tpu.dma_semaphore, #tpu.memory_space<semaphore_mem>>
      %dma_start3A_39 = tpu.memref_slice %arg4[%add3A_25] : memref<320000xi32, #tpu.memory_space<hbm>> -> memref<80xi32, #tpu.memory_space<hbm>>
      %dma_start3A_40 = tpu.memref_slice %arg4[%add3A_25] : memref<320000xi32, #tpu.memory_space<hbm>> -> memref<80xi32, #tpu.memory_space<hbm>>
      tpu.enqueue_dma source(%dma_start3A_40 : memref<80xi32, #tpu.memory_space<hbm>>) target(%arg10 : memref<80xi32, #tpu.memory_space<vmem>>) target_semaphore(%run_scoped3A : memref<!tpu.dma_semaphore, #tpu.memory_space<semaphore_mem>>)
      %dma_wait3A_41 = tpu.memref_slice %arg4[%add3A_25] : memref<320000xi32, #tpu.memory_space<hbm>> -> memref<80xi32, #tpu.memory_space<hbm>>
      %dma_wait3A_42 = tpu.memref_slice %arg4[%add3A_25] : memref<320000xi32, #tpu.memory_space<hbm>> -> memref<80xi32, #tpu.memory_space<hbm>>
      tpu.wait_dma2 semaphore(%run_scoped3A : memref<!tpu.dma_semaphore, #tpu.memory_space<semaphore_mem>>) src(%dma_wait3A_42 : memref<80xi32, #tpu.memory_space<hbm>>) dst(%arg10 : memref<80xi32, #tpu.memory_space<vmem>>)
      tpu.yield
    }) : () -> ()
    %dma_wait3A = arith.constant 0 : i32
    %dma_wait3A_26 = arith.constant 0 : i32
    %dma_wait3A_27 = tpu.memref_slice %arg2[%dma_wait3A, %dma_wait3A_26] : memref<10000x128xf32, #tpu.memory_space<hbm>> -> memref<10000x128xf32, #tpu.memory_space<hbm>>
    tpu.wait_indirect_dma semaphore(%arg17 : memref<!tpu.dma_semaphore, #tpu.memory_space<semaphore_mem>>) src(%dma_wait3A_27 : memref<10000x128xf32, #tpu.memory_space<hbm>>) dst(%arg13 : memref<80x128xf32, #tpu.memory_space<vmem>>)
    "tpu.region"() ({
      %run_scoped3A = tpu.sem_alloc : memref<!tpu.dma_semaphore, #tpu.memory_space<semaphore_mem>>
      %dma_start3A_39 = arith.constant 0 : i32
      %dma_start3A_40 = arith.constant 0 : i32
      %dma_start3A_41 = tpu.memref_slice %arg16[%dma_start3A_39, %dma_start3A_40] : memref<10240x128xf32, #tpu.memory_space<vmem_shared>> -> memref<10240x128xf32, #tpu.memory_space<vmem_shared>>
      tpu.enqueue_indirect_dma source(%arg13 : memref<80x128xf32, #tpu.memory_space<vmem>>) target(%dma_start3A_41 : memref<10240x128xf32, #tpu.memory_space<vmem_shared>>) offsets(%arg10 : memref<80xi32, #tpu.memory_space<vmem>>) semaphore(%run_scoped3A : memref<!tpu.dma_semaphore, #tpu.memory_space<semaphore_mem>>) {add = true}
      %dma_wait3A_42 = arith.constant 0 : i32
      %dma_wait3A_43 = arith.constant 0 : i32
      %dma_wait3A_44 = tpu.memref_slice %arg16[%dma_wait3A_42, %dma_wait3A_43] : memref<10240x128xf32, #tpu.memory_space<vmem_shared>> -> memref<10240x128xf32, #tpu.memory_space<vmem_shared>>
      tpu.wait_indirect_dma semaphore(%run_scoped3A : memref<!tpu.dma_semaphore, #tpu.memory_space<semaphore_mem>>) src(%arg13 : memref<80x128xf32, #tpu.memory_space<vmem>>) dst(%dma_wait3A_44 : memref<10240x128xf32, #tpu.memory_space<vmem_shared>>)
      tpu.yield
    }) : () -> ()
    %add3A_28 = arith.constant 9920 : i32
    %add3A_29 = arith.addi %mul3A_4, %add3A_28 : i32
    "tpu.region"() ({
      %run_scoped3A = tpu.sem_alloc : memref<!tpu.dma_semaphore, #tpu.memory_space<semaphore_mem>>
      %dma_start3A_39 = tpu.memref_slice %arg4[%add3A_29] : memref<320000xi32, #tpu.memory_space<hbm>> -> memref<80xi32, #tpu.memory_space<hbm>>
      %dma_start3A_40 = tpu.memref_slice %arg4[%add3A_29] : memref<320000xi32, #tpu.memory_space<hbm>> -> memref<80xi32, #tpu.memory_space<hbm>>
      tpu.enqueue_dma source(%dma_start3A_40 : memref<80xi32, #tpu.memory_space<hbm>>) target(%arg11 : memref<80xi32, #tpu.memory_space<vmem>>) target_semaphore(%run_scoped3A : memref<!tpu.dma_semaphore, #tpu.memory_space<semaphore_mem>>)
      %dma_wait3A_41 = tpu.memref_slice %arg4[%add3A_29] : memref<320000xi32, #tpu.memory_space<hbm>> -> memref<80xi32, #tpu.memory_space<hbm>>
      %dma_wait3A_42 = tpu.memref_slice %arg4[%add3A_29] : memref<320000xi32, #tpu.memory_space<hbm>> -> memref<80xi32, #tpu.memory_space<hbm>>
      tpu.wait_dma2 semaphore(%run_scoped3A : memref<!tpu.dma_semaphore, #tpu.memory_space<semaphore_mem>>) src(%dma_wait3A_42 : memref<80xi32, #tpu.memory_space<hbm>>) dst(%arg11 : memref<80xi32, #tpu.memory_space<vmem>>)
      tpu.yield
    }) : () -> ()
    %dma_wait3A_30 = arith.constant 0 : i32
    %dma_wait3A_31 = arith.constant 0 : i32
    %dma_wait3A_32 = tpu.memref_slice %arg2[%dma_wait3A_30, %dma_wait3A_31] : memref<10000x128xf32, #tpu.memory_space<hbm>> -> memref<10000x128xf32, #tpu.memory_space<hbm>>
    tpu.wait_indirect_dma semaphore(%arg18 : memref<!tpu.dma_semaphore, #tpu.memory_space<semaphore_mem>>) src(%dma_wait3A_32 : memref<10000x128xf32, #tpu.memory_space<hbm>>) dst(%arg14 : memref<80x128xf32, #tpu.memory_space<vmem>>)
    "tpu.region"() ({
      %run_scoped3A = tpu.sem_alloc : memref<!tpu.dma_semaphore, #tpu.memory_space<semaphore_mem>>
      %dma_start3A_39 = arith.constant 0 : i32
      %dma_start3A_40 = arith.constant 0 : i32
      %dma_start3A_41 = tpu.memref_slice %arg16[%dma_start3A_39, %dma_start3A_40] : memref<10240x128xf32, #tpu.memory_space<vmem_shared>> -> memref<10240x128xf32, #tpu.memory_space<vmem_shared>>
      tpu.enqueue_indirect_dma source(%arg14 : memref<80x128xf32, #tpu.memory_space<vmem>>) target(%dma_start3A_41 : memref<10240x128xf32, #tpu.memory_space<vmem_shared>>) offsets(%arg11 : memref<80xi32, #tpu.memory_space<vmem>>) semaphore(%run_scoped3A : memref<!tpu.dma_semaphore, #tpu.memory_space<semaphore_mem>>) {add = true}
      %dma_wait3A_42 = arith.constant 0 : i32
      %dma_wait3A_43 = arith.constant 0 : i32
      %dma_wait3A_44 = tpu.memref_slice %arg16[%dma_wait3A_42, %dma_wait3A_43] : memref<10240x128xf32, #tpu.memory_space<vmem_shared>> -> memref<10240x128xf32, #tpu.memory_space<vmem_shared>>
      tpu.wait_indirect_dma semaphore(%run_scoped3A : memref<!tpu.dma_semaphore, #tpu.memory_space<semaphore_mem>>) src(%arg14 : memref<80x128xf32, #tpu.memory_space<vmem>>) dst(%dma_wait3A_44 : memref<10240x128xf32, #tpu.memory_space<vmem_shared>>)
      tpu.yield
    }) : () -> ()
    %barrier3A_33 = arith.constant 0 : index
    tpu.barrier barrier_id(%barrier3A_33)
    %eq3A_34 = arith.constant 0 : i32
    %eq3A_35 = arith.cmpi eq, %arg1, %eq3A_34 : i32
    %convert_element_type3A_36 = arith.extui %eq3A_35 : i1 to i32
    %cond3A_37 = arith.constant 0 : i32
    %cond3A_38 = arith.cmpi ne, %convert_element_type3A_36, %cond3A_37 : i32
    scf.if %cond3A_38 {
      "tpu.region"() ({
        %run_scoped3A = tpu.sem_alloc : memref<!tpu.dma_semaphore, #tpu.memory_space<semaphore_mem>>
        %dma_start3A_39 = arith.constant 0 : i32
        %dma_start3A_40 = arith.constant 0 : i32
        %dma_start3A_41 = tpu.memref_slice %arg6[%arg0, %dma_start3A_39, %dma_start3A_40] : memref<2x10240x128xf32, #tpu.memory_space<hbm>> -> memref<1x10240x128xf32, #tpu.memory_space<hbm>>
        %dma_start3A_42 = tpu.memref_squeeze %dma_start3A_41 : memref<1x10240x128xf32, #tpu.memory_space<hbm>> -> memref<10240x128xf32, #tpu.memory_space<hbm>>
        tpu.enqueue_dma source(%arg16 : memref<10240x128xf32, #tpu.memory_space<vmem_shared>>) target(%dma_start3A_42 : memref<10240x128xf32, #tpu.memory_space<hbm>>) target_semaphore(%run_scoped3A : memref<!tpu.dma_semaphore, #tpu.memory_space<semaphore_mem>>)
        %dma_wait3A_43 = arith.constant 0 : i32
        %dma_wait3A_44 = arith.constant 0 : i32
        %dma_wait3A_45 = tpu.memref_slice %arg6[%arg0, %dma_wait3A_43, %dma_wait3A_44] : memref<2x10240x128xf32, #tpu.memory_space<hbm>> -> memref<1x10240x128xf32, #tpu.memory_space<hbm>>
        %dma_wait3A_46 = tpu.memref_squeeze %dma_wait3A_45 : memref<1x10240x128xf32, #tpu.memory_space<hbm>> -> memref<10240x128xf32, #tpu.memory_space<hbm>>
        tpu.wait_dma2 semaphore(%run_scoped3A : memref<!tpu.dma_semaphore, #tpu.memory_space<semaphore_mem>>) src(%arg16 : memref<10240x128xf32, #tpu.memory_space<vmem_shared>>) dst(%dma_wait3A_46 : memref<10240x128xf32, #tpu.memory_space<hbm>>)
        tpu.yield
      }) : () -> ()
    } else {
    }
    return
  }
}

#map = affine_map<(d0, d1) -> (0, 0, 0)>
#map1 = affine_map<(d0, d1) -> (0, 0)>
module attributes {stable_mosaic.version = 14 : i64} {
  func.func @_sc_deg(%arg0: i32, %arg1: i32, %arg2: memref<32x80x128xi32, #tpu.memory_space<hbm>>, %arg3: memref<128x128xf32, #tpu.memory_space<hbm>>, %arg4: memref<10240x128xf32, #tpu.memory_space<hbm>>, %arg5: memref<2x10240x128xf32, #tpu.memory_space<hbm>>, %arg6: memref<80x128xi32, #tpu.memory_space<vmem>>, %arg7: memref<128x128xf32, #tpu.memory_space<vmem>>, %arg8: memref<10240x128xf32, #tpu.memory_space<vmem_shared>>) attributes {dimension_semantics = [#tpu.dimension_semantics<core_parallel>, #tpu.dimension_semantics<subcore_parallel>], iteration_bounds = array<i64: 2, 16>, scalar_prefetch = 0 : i64, scratch_operands = 3 : i64, tpu.core_type = #tpu.core_type<sc_vector_subcore>, window_params = [{transform_indices = #map}, {transform_indices = #map1}, {transform_indices = #map1}, {transform_indices = #map}]} {
    %mul3A = arith.constant 16 : i32
    %mul3A_0 = arith.muli %arg0, %mul3A : i32
    %add3A = arith.addi %mul3A_0, %arg1 : i32
    %eq3A = arith.constant 0 : i32
    %eq3A_1 = arith.cmpi eq, %arg1, %eq3A : i32
    %convert_element_type3A = arith.extui %eq3A_1 : i1 to i32
    %cond3A = arith.constant 0 : i32
    %cond3A_2 = arith.cmpi ne, %convert_element_type3A, %cond3A : i32
    scf.if %cond3A_2 {
      "tpu.region"() ({
        %run_scoped3A = tpu.sem_alloc : memref<!tpu.dma_semaphore, #tpu.memory_space<semaphore_mem>>
        tpu.enqueue_dma source(%arg4 : memref<10240x128xf32, #tpu.memory_space<hbm>>) target(%arg8 : memref<10240x128xf32, #tpu.memory_space<vmem_shared>>) target_semaphore(%run_scoped3A : memref<!tpu.dma_semaphore, #tpu.memory_space<semaphore_mem>>)
        tpu.wait_dma2 semaphore(%run_scoped3A : memref<!tpu.dma_semaphore, #tpu.memory_space<semaphore_mem>>) src(%arg4 : memref<10240x128xf32, #tpu.memory_space<hbm>>) dst(%arg8 : memref<10240x128xf32, #tpu.memory_space<vmem_shared>>)
        tpu.yield
      }) : () -> ()
    } else {
    }
    "tpu.region"() ({
      %run_scoped3A = tpu.sem_alloc : memref<!tpu.dma_semaphore, #tpu.memory_space<semaphore_mem>>
      %dma_start3A = arith.constant 0 : i32
      %dma_start3A_14 = arith.constant 0 : i32
      %dma_start3A_15 = tpu.memref_slice %arg2[%add3A, %dma_start3A, %dma_start3A_14] : memref<32x80x128xi32, #tpu.memory_space<hbm>> -> memref<1x80x128xi32, #tpu.memory_space<hbm>>
      %dma_start3A_16 = tpu.memref_squeeze %dma_start3A_15 : memref<1x80x128xi32, #tpu.memory_space<hbm>> -> memref<80x128xi32, #tpu.memory_space<hbm>>
      %dma_start3A_17 = arith.constant 0 : i32
      %dma_start3A_18 = arith.constant 0 : i32
      %dma_start3A_19 = tpu.memref_slice %arg2[%add3A, %dma_start3A_17, %dma_start3A_18] : memref<32x80x128xi32, #tpu.memory_space<hbm>> -> memref<1x80x128xi32, #tpu.memory_space<hbm>>
      %dma_start3A_20 = tpu.memref_squeeze %dma_start3A_19 : memref<1x80x128xi32, #tpu.memory_space<hbm>> -> memref<80x128xi32, #tpu.memory_space<hbm>>
      tpu.enqueue_dma source(%dma_start3A_20 : memref<80x128xi32, #tpu.memory_space<hbm>>) target(%arg6 : memref<80x128xi32, #tpu.memory_space<vmem>>) target_semaphore(%run_scoped3A : memref<!tpu.dma_semaphore, #tpu.memory_space<semaphore_mem>>)
      %dma_wait3A = arith.constant 0 : i32
      %dma_wait3A_21 = arith.constant 0 : i32
      %dma_wait3A_22 = tpu.memref_slice %arg2[%add3A, %dma_wait3A, %dma_wait3A_21] : memref<32x80x128xi32, #tpu.memory_space<hbm>> -> memref<1x80x128xi32, #tpu.memory_space<hbm>>
      %dma_wait3A_23 = tpu.memref_squeeze %dma_wait3A_22 : memref<1x80x128xi32, #tpu.memory_space<hbm>> -> memref<80x128xi32, #tpu.memory_space<hbm>>
      %dma_wait3A_24 = arith.constant 0 : i32
      %dma_wait3A_25 = arith.constant 0 : i32
      %dma_wait3A_26 = tpu.memref_slice %arg2[%add3A, %dma_wait3A_24, %dma_wait3A_25] : memref<32x80x128xi32, #tpu.memory_space<hbm>> -> memref<1x80x128xi32, #tpu.memory_space<hbm>>
      %dma_wait3A_27 = tpu.memref_squeeze %dma_wait3A_26 : memref<1x80x128xi32, #tpu.memory_space<hbm>> -> memref<80x128xi32, #tpu.memory_space<hbm>>
      tpu.wait_dma2 semaphore(%run_scoped3A : memref<!tpu.dma_semaphore, #tpu.memory_space<semaphore_mem>>) src(%dma_wait3A_27 : memref<80x128xi32, #tpu.memory_space<hbm>>) dst(%arg6 : memref<80x128xi32, #tpu.memory_space<vmem>>)
      tpu.yield
    }) : () -> ()
    "tpu.region"() ({
      %run_scoped3A = tpu.sem_alloc : memref<!tpu.dma_semaphore, #tpu.memory_space<semaphore_mem>>
      tpu.enqueue_dma source(%arg3 : memref<128x128xf32, #tpu.memory_space<hbm>>) target(%arg7 : memref<128x128xf32, #tpu.memory_space<vmem>>) target_semaphore(%run_scoped3A : memref<!tpu.dma_semaphore, #tpu.memory_space<semaphore_mem>>)
      tpu.wait_dma2 semaphore(%run_scoped3A : memref<!tpu.dma_semaphore, #tpu.memory_space<semaphore_mem>>) src(%arg3 : memref<128x128xf32, #tpu.memory_space<hbm>>) dst(%arg7 : memref<128x128xf32, #tpu.memory_space<vmem>>)
      tpu.yield
    }) : () -> ()
    %barrier3A = arith.constant 0 : index
    tpu.barrier barrier_id(%barrier3A)
    %scan3A = arith.constant 0 : i32
    %scan3A_3 = arith.constant 0 : i32
    %scan3A_4 = arith.constant 80 : i32
    %scan3A_5 = arith.addi %scan3A_3, %scan3A_4 : i32
    %scan3A_6 = arith.constant 1 : i32
    scf.for %scan3A_14 = %scan3A_3 to %scan3A_5 step %scan3A_6  : i32 {
      "tpu.region"() ({
        %run_scoped3A = tpu.sem_alloc : memref<!tpu.dma_semaphore, #tpu.memory_space<semaphore_mem>>
        %dma_start3A = arith.constant 0 : i32
        %dma_start3A_15 = tpu.memref_slice %arg6[%scan3A_14, %dma_start3A] : memref<80x128xi32, #tpu.memory_space<vmem>> -> memref<1x128xi32, #tpu.memory_space<vmem>>
        %dma_start3A_16 = tpu.memref_squeeze %dma_start3A_15 : memref<1x128xi32, #tpu.memory_space<vmem>> -> memref<128xi32, #tpu.memory_space<vmem>>
        %dma_start3A_17 = arith.constant 0 : i32
        %dma_start3A_18 = arith.constant 0 : i32
        %dma_start3A_19 = tpu.memref_slice %arg8[%dma_start3A_17, %dma_start3A_18] : memref<10240x128xf32, #tpu.memory_space<vmem_shared>> -> memref<10240x128xf32, #tpu.memory_space<vmem_shared>>
        tpu.enqueue_indirect_dma source(%arg7 : memref<128x128xf32, #tpu.memory_space<vmem>>) target(%dma_start3A_19 : memref<10240x128xf32, #tpu.memory_space<vmem_shared>>) offsets(%dma_start3A_16 : memref<128xi32, #tpu.memory_space<vmem>>) semaphore(%run_scoped3A : memref<!tpu.dma_semaphore, #tpu.memory_space<semaphore_mem>>) {add = true}
        %dma_wait3A = arith.constant 0 : i32
        %dma_wait3A_20 = tpu.memref_slice %arg6[%scan3A_14, %dma_wait3A] : memref<80x128xi32, #tpu.memory_space<vmem>> -> memref<1x128xi32, #tpu.memory_space<vmem>>
        %dma_wait3A_21 = tpu.memref_squeeze %dma_wait3A_20 : memref<1x128xi32, #tpu.memory_space<vmem>> -> memref<128xi32, #tpu.memory_space<vmem>>
        %dma_wait3A_22 = arith.constant 0 : i32
        %dma_wait3A_23 = arith.constant 0 : i32
        %dma_wait3A_24 = tpu.memref_slice %arg8[%dma_wait3A_22, %dma_wait3A_23] : memref<10240x128xf32, #tpu.memory_space<vmem_shared>> -> memref<10240x128xf32, #tpu.memory_space<vmem_shared>>
        tpu.wait_indirect_dma semaphore(%run_scoped3A : memref<!tpu.dma_semaphore, #tpu.memory_space<semaphore_mem>>) src(%arg7 : memref<128x128xf32, #tpu.memory_space<vmem>>) dst(%dma_wait3A_24 : memref<10240x128xf32, #tpu.memory_space<vmem_shared>>)
        tpu.yield
      }) : () -> ()
    }
    %scan3A_7 = arith.constant 80 : i32
    %barrier3A_8 = arith.constant 0 : index
    tpu.barrier barrier_id(%barrier3A_8)
    %eq3A_9 = arith.constant 0 : i32
    %eq3A_10 = arith.cmpi eq, %arg1, %eq3A_9 : i32
    %convert_element_type3A_11 = arith.extui %eq3A_10 : i1 to i32
    %cond3A_12 = arith.constant 0 : i32
    %cond3A_13 = arith.cmpi ne, %convert_element_type3A_11, %cond3A_12 : i32
    scf.if %cond3A_13 {
      "tpu.region"() ({
        %run_scoped3A = tpu.sem_alloc : memref<!tpu.dma_semaphore, #tpu.memory_space<semaphore_mem>>
        %dma_start3A = arith.constant 0 : i32
        %dma_start3A_14 = arith.constant 0 : i32
        %dma_start3A_15 = tpu.memref_slice %arg5[%arg0, %dma_start3A, %dma_start3A_14] : memref<2x10240x128xf32, #tpu.memory_space<hbm>> -> memref<1x10240x128xf32, #tpu.memory_space<hbm>>
        %dma_start3A_16 = tpu.memref_squeeze %dma_start3A_15 : memref<1x10240x128xf32, #tpu.memory_space<hbm>> -> memref<10240x128xf32, #tpu.memory_space<hbm>>
        tpu.enqueue_dma source(%arg8 : memref<10240x128xf32, #tpu.memory_space<vmem_shared>>) target(%dma_start3A_16 : memref<10240x128xf32, #tpu.memory_space<hbm>>) target_semaphore(%run_scoped3A : memref<!tpu.dma_semaphore, #tpu.memory_space<semaphore_mem>>)
        %dma_wait3A = arith.constant 0 : i32
        %dma_wait3A_17 = arith.constant 0 : i32
        %dma_wait3A_18 = tpu.memref_slice %arg5[%arg0, %dma_wait3A, %dma_wait3A_17] : memref<2x10240x128xf32, #tpu.memory_space<hbm>> -> memref<1x10240x128xf32, #tpu.memory_space<hbm>>
        %dma_wait3A_19 = tpu.memref_squeeze %dma_wait3A_18 : memref<1x10240x128xf32, #tpu.memory_space<hbm>> -> memref<10240x128xf32, #tpu.memory_space<hbm>>
        tpu.wait_dma2 semaphore(%run_scoped3A : memref<!tpu.dma_semaphore, #tpu.memory_space<semaphore_mem>>) src(%arg8 : memref<10240x128xf32, #tpu.memory_space<vmem_shared>>) dst(%dma_wait3A_19 : memref<10240x128xf32, #tpu.memory_space<hbm>>)
        tpu.yield
      }) : () -> ()
    } else {
    }
    return
  }
}

#map = affine_map<(d0, d1) -> (0, 0)>
#map1 = affine_map<(d0, d1) -> (0)>
#map2 = affine_map<(d0, d1) -> (0, 0, 0)>
module attributes {stable_mosaic.version = 14 : i64} {
  func.func @_sc_edge(%arg0: i32, %arg1: i32, %arg2: memref<10000x128xf32, #tpu.memory_space<hbm>>, %arg3: memref<320000xi32, #tpu.memory_space<hbm>>, %arg4: memref<320000xi32, #tpu.memory_space<hbm>>, %arg5: memref<10240x128xf32, #tpu.memory_space<hbm>>, %arg6: memref<2x10240x128xf32, #tpu.memory_space<hbm>>, %arg7: memref<80xi32, #tpu.memory_space<vmem>>, %arg8: memref<80xi32, #tpu.memory_space<vmem>>, %arg9: memref<80xi32, #tpu.memory_space<vmem>>, %arg10: memref<80xi32, #tpu.memory_space<vmem>>, %arg11: memref<80xi32, #tpu.memory_space<vmem>>, %arg12: memref<80xi32, #tpu.memory_space<vmem>>, %arg13: memref<80x128xf32, #tpu.memory_space<vmem>>, %arg14: memref<80x128xf32, #tpu.memory_space<vmem>>, %arg15: memref<80x128xf32, #tpu.memory_space<vmem>>, %arg16: memref<10240x128xf32, #tpu.memory_space<vmem_shared>>, %arg17: memref<!tpu.dma_semaphore, #tpu.memory_space<semaphore_mem>>, %arg18: memref<!tpu.dma_semaphore, #tpu.memory_space<semaphore_mem>>, %arg19: memref<!tpu.dma_semaphore, #tpu.memory_space<semaphore_mem>>) attributes {dimension_semantics = [#tpu.dimension_semantics<core_parallel>, #tpu.dimension_semantics<subcore_parallel>], iteration_bounds = array<i64: 2, 16>, scalar_prefetch = 0 : i64, scratch_operands = 13 : i64, tpu.core_type = #tpu.core_type<sc_vector_subcore>, window_params = [{transform_indices = #map}, {transform_indices = #map1}, {transform_indices = #map1}, {transform_indices = #map}, {transform_indices = #map2}]} {
    %mul3A = arith.constant 16 : i32
    %mul3A_0 = arith.muli %arg0, %mul3A : i32
    %add3A = arith.addi %mul3A_0, %arg1 : i32
    %eq3A = arith.constant 0 : i32
    %eq3A_1 = arith.cmpi eq, %arg1, %eq3A : i32
    %convert_element_type3A = arith.extui %eq3A_1 : i1 to i32
    %cond3A = arith.constant 0 : i32
    %cond3A_2 = arith.cmpi ne, %convert_element_type3A, %cond3A : i32
    scf.if %cond3A_2 {
      "tpu.region"() ({
        %run_scoped3A = tpu.sem_alloc : memref<!tpu.dma_semaphore, #tpu.memory_space<semaphore_mem>>
        tpu.enqueue_dma source(%arg5 : memref<10240x128xf32, #tpu.memory_space<hbm>>) target(%arg16 : memref<10240x128xf32, #tpu.memory_space<vmem_shared>>) target_semaphore(%run_scoped3A : memref<!tpu.dma_semaphore, #tpu.memory_space<semaphore_mem>>)
        tpu.wait_dma2 semaphore(%run_scoped3A : memref<!tpu.dma_semaphore, #tpu.memory_space<semaphore_mem>>) src(%arg5 : memref<10240x128xf32, #tpu.memory_space<hbm>>) dst(%arg16 : memref<10240x128xf32, #tpu.memory_space<vmem_shared>>)
        tpu.yield
      }) : () -> ()
    } else {
    }
    %barrier3A = arith.constant 0 : index
    tpu.barrier barrier_id(%barrier3A)
    %mul3A_3 = arith.constant 10000 : i32
    %mul3A_4 = arith.muli %add3A, %mul3A_3 : i32
    %add3A_5 = arith.constant 0 : i32
    %add3A_6 = arith.addi %mul3A_4, %add3A_5 : i32
    "tpu.region"() ({
      %run_scoped3A = tpu.sem_alloc : memref<!tpu.dma_semaphore, #tpu.memory_space<semaphore_mem>>
      %dma_start3A_39 = tpu.memref_slice %arg3[%add3A_6] : memref<320000xi32, #tpu.memory_space<hbm>> -> memref<80xi32, #tpu.memory_space<hbm>>
      %dma_start3A_40 = tpu.memref_slice %arg3[%add3A_6] : memref<320000xi32, #tpu.memory_space<hbm>> -> memref<80xi32, #tpu.memory_space<hbm>>
      tpu.enqueue_dma source(%dma_start3A_40 : memref<80xi32, #tpu.memory_space<hbm>>) target(%arg7 : memref<80xi32, #tpu.memory_space<vmem>>) target_semaphore(%run_scoped3A : memref<!tpu.dma_semaphore, #tpu.memory_space<semaphore_mem>>)
      %dma_wait3A_41 = tpu.memref_slice %arg3[%add3A_6] : memref<320000xi32, #tpu.memory_space<hbm>> -> memref<80xi32, #tpu.memory_space<hbm>>
      %dma_wait3A_42 = tpu.memref_slice %arg3[%add3A_6] : memref<320000xi32, #tpu.memory_space<hbm>> -> memref<80xi32, #tpu.memory_space<hbm>>
      tpu.wait_dma2 semaphore(%run_scoped3A : memref<!tpu.dma_semaphore, #tpu.memory_space<semaphore_mem>>) src(%dma_wait3A_42 : memref<80xi32, #tpu.memory_space<hbm>>) dst(%arg7 : memref<80xi32, #tpu.memory_space<vmem>>)
      tpu.yield
    }) : () -> ()
    %dma_start3A = arith.constant 0 : i32
    %dma_start3A_7 = arith.constant 0 : i32
    %dma_start3A_8 = tpu.memref_slice %arg2[%dma_start3A, %dma_start3A_7] : memref<10000x128xf32, #tpu.memory_space<hbm>> -> memref<10000x128xf32, #tpu.memory_space<hbm>>
    tpu.enqueue_indirect_dma source(%dma_start3A_8 : memref<10000x128xf32, #tpu.memory_space<hbm>>) target(%arg13 : memref<80x128xf32, #tpu.memory_space<vmem>>) offsets(%arg7 : memref<80xi32, #tpu.memory_space<vmem>>) semaphore(%arg17 : memref<!tpu.dma_semaphore, #tpu.memory_space<semaphore_mem>>)
    %add3A_9 = arith.constant 80 : i32
    %add3A_10 = arith.addi %mul3A_4, %add3A_9 : i32
    "tpu.region"() ({
      %run_scoped3A = tpu.sem_alloc : memref<!tpu.dma_semaphore, #tpu.memory_space<semaphore_mem>>
      %dma_start3A_39 = tpu.memref_slice %arg3[%add3A_10] : memref<320000xi32, #tpu.memory_space<hbm>> -> memref<80xi32, #tpu.memory_space<hbm>>
      %dma_start3A_40 = tpu.memref_slice %arg3[%add3A_10] : memref<320000xi32, #tpu.memory_space<hbm>> -> memref<80xi32, #tpu.memory_space<hbm>>
      tpu.enqueue_dma source(%dma_start3A_40 : memref<80xi32, #tpu.memory_space<hbm>>) target(%arg8 : memref<80xi32, #tpu.memory_space<vmem>>) target_semaphore(%run_scoped3A : memref<!tpu.dma_semaphore, #tpu.memory_space<semaphore_mem>>)
      %dma_wait3A_41 = tpu.memref_slice %arg3[%add3A_10] : memref<320000xi32, #tpu.memory_space<hbm>> -> memref<80xi32, #tpu.memory_space<hbm>>
      %dma_wait3A_42 = tpu.memref_slice %arg3[%add3A_10] : memref<320000xi32, #tpu.memory_space<hbm>> -> memref<80xi32, #tpu.memory_space<hbm>>
      tpu.wait_dma2 semaphore(%run_scoped3A : memref<!tpu.dma_semaphore, #tpu.memory_space<semaphore_mem>>) src(%dma_wait3A_42 : memref<80xi32, #tpu.memory_space<hbm>>) dst(%arg8 : memref<80xi32, #tpu.memory_space<vmem>>)
      tpu.yield
    }) : () -> ()
    %dma_start3A_11 = arith.constant 0 : i32
    %dma_start3A_12 = arith.constant 0 : i32
    %dma_start3A_13 = tpu.memref_slice %arg2[%dma_start3A_11, %dma_start3A_12] : memref<10000x128xf32, #tpu.memory_space<hbm>> -> memref<10000x128xf32, #tpu.memory_space<hbm>>
    tpu.enqueue_indirect_dma source(%dma_start3A_13 : memref<10000x128xf32, #tpu.memory_space<hbm>>) target(%arg14 : memref<80x128xf32, #tpu.memory_space<vmem>>) offsets(%arg8 : memref<80xi32, #tpu.memory_space<vmem>>) semaphore(%arg18 : memref<!tpu.dma_semaphore, #tpu.memory_space<semaphore_mem>>)
    %add3A_14 = arith.constant 160 : i32
    %add3A_15 = arith.addi %mul3A_4, %add3A_14 : i32
    "tpu.region"() ({
      %run_scoped3A = tpu.sem_alloc : memref<!tpu.dma_semaphore, #tpu.memory_space<semaphore_mem>>
      %dma_start3A_39 = tpu.memref_slice %arg3[%add3A_15] : memref<320000xi32, #tpu.memory_space<hbm>> -> memref<80xi32, #tpu.memory_space<hbm>>
      %dma_start3A_40 = tpu.memref_slice %arg3[%add3A_15] : memref<320000xi32, #tpu.memory_space<hbm>> -> memref<80xi32, #tpu.memory_space<hbm>>
      tpu.enqueue_dma source(%dma_start3A_40 : memref<80xi32, #tpu.memory_space<hbm>>) target(%arg9 : memref<80xi32, #tpu.memory_space<vmem>>) target_semaphore(%run_scoped3A : memref<!tpu.dma_semaphore, #tpu.memory_space<semaphore_mem>>)
      %dma_wait3A_41 = tpu.memref_slice %arg3[%add3A_15] : memref<320000xi32, #tpu.memory_space<hbm>> -> memref<80xi32, #tpu.memory_space<hbm>>
      %dma_wait3A_42 = tpu.memref_slice %arg3[%add3A_15] : memref<320000xi32, #tpu.memory_space<hbm>> -> memref<80xi32, #tpu.memory_space<hbm>>
      tpu.wait_dma2 semaphore(%run_scoped3A : memref<!tpu.dma_semaphore, #tpu.memory_space<semaphore_mem>>) src(%dma_wait3A_42 : memref<80xi32, #tpu.memory_space<hbm>>) dst(%arg9 : memref<80xi32, #tpu.memory_space<vmem>>)
      tpu.yield
    }) : () -> ()
    %dma_start3A_16 = arith.constant 0 : i32
    %dma_start3A_17 = arith.constant 0 : i32
    %dma_start3A_18 = tpu.memref_slice %arg2[%dma_start3A_16, %dma_start3A_17] : memref<10000x128xf32, #tpu.memory_space<hbm>> -> memref<10000x128xf32, #tpu.memory_space<hbm>>
    tpu.enqueue_indirect_dma source(%dma_start3A_18 : memref<10000x128xf32, #tpu.memory_space<hbm>>) target(%arg15 : memref<80x128xf32, #tpu.memory_space<vmem>>) offsets(%arg9 : memref<80xi32, #tpu.memory_space<vmem>>) semaphore(%arg19 : memref<!tpu.dma_semaphore, #tpu.memory_space<semaphore_mem>>)
    %scan3A = arith.constant 0 : i32
    %scan3A_19 = arith.constant 0 : i32
    %scan3A_20 = arith.constant 41 : i32
    %scan3A_21 = arith.addi %scan3A_19, %scan3A_20 : i32
    %scan3A_22 = arith.constant 1 : i32
    scf.for %scan3A_39 = %scan3A_19 to %scan3A_21 step %scan3A_22  : i32 {
      %mul3A_40 = arith.constant 3 : i32
      %mul3A_41 = arith.muli %mul3A_40, %scan3A_39 : i32
      %add3A_42 = arith.constant 0 : i32
      %add3A_43 = arith.addi %mul3A_41, %add3A_42 : i32
      %mul3A_44 = arith.constant 80 : i32
      %mul3A_45 = arith.muli %add3A_43, %mul3A_44 : i32
      %add3A_46 = arith.addi %mul3A_4, %mul3A_45 : i32
      "tpu.region"() ({
        %run_scoped3A = tpu.sem_alloc : memref<!tpu.dma_semaphore, #tpu.memory_space<semaphore_mem>>
        %dma_start3A_90 = tpu.memref_slice %arg4[%add3A_46] : memref<320000xi32, #tpu.memory_space<hbm>> -> memref<80xi32, #tpu.memory_space<hbm>>
        %dma_start3A_91 = tpu.memref_slice %arg4[%add3A_46] : memref<320000xi32, #tpu.memory_space<hbm>> -> memref<80xi32, #tpu.memory_space<hbm>>
        tpu.enqueue_dma source(%dma_start3A_91 : memref<80xi32, #tpu.memory_space<hbm>>) target(%arg10 : memref<80xi32, #tpu.memory_space<vmem>>) target_semaphore(%run_scoped3A : memref<!tpu.dma_semaphore, #tpu.memory_space<semaphore_mem>>)
        %dma_wait3A_92 = tpu.memref_slice %arg4[%add3A_46] : memref<320000xi32, #tpu.memory_space<hbm>> -> memref<80xi32, #tpu.memory_space<hbm>>
        %dma_wait3A_93 = tpu.memref_slice %arg4[%add3A_46] : memref<320000xi32, #tpu.memory_space<hbm>> -> memref<80xi32, #tpu.memory_space<hbm>>
        tpu.wait_dma2 semaphore(%run_scoped3A : memref<!tpu.dma_semaphore, #tpu.memory_space<semaphore_mem>>) src(%dma_wait3A_93 : memref<80xi32, #tpu.memory_space<hbm>>) dst(%arg10 : memref<80xi32, #tpu.memory_space<vmem>>)
        tpu.yield
      }) : () -> ()
      %dma_wait3A_47 = arith.constant 0 : i32
      %dma_wait3A_48 = arith.constant 0 : i32
      %dma_wait3A_49 = tpu.memref_slice %arg2[%dma_wait3A_47, %dma_wait3A_48] : memref<10000x128xf32, #tpu.memory_space<hbm>> -> memref<10000x128xf32, #tpu.memory_space<hbm>>
      tpu.wait_indirect_dma semaphore(%arg17 : memref<!tpu.dma_semaphore, #tpu.memory_space<semaphore_mem>>) src(%dma_wait3A_49 : memref<10000x128xf32, #tpu.memory_space<hbm>>) dst(%arg13 : memref<80x128xf32, #tpu.memory_space<vmem>>)
      "tpu.region"() ({
        %run_scoped3A = tpu.sem_alloc : memref<!tpu.dma_semaphore, #tpu.memory_space<semaphore_mem>>
        %dma_start3A_90 = arith.constant 0 : i32
        %dma_start3A_91 = arith.constant 0 : i32
        %dma_start3A_92 = tpu.memref_slice %arg16[%dma_start3A_90, %dma_start3A_91] : memref<10240x128xf32, #tpu.memory_space<vmem_shared>> -> memref<10240x128xf32, #tpu.memory_space<vmem_shared>>
        tpu.enqueue_indirect_dma source(%arg13 : memref<80x128xf32, #tpu.memory_space<vmem>>) target(%dma_start3A_92 : memref<10240x128xf32, #tpu.memory_space<vmem_shared>>) offsets(%arg10 : memref<80xi32, #tpu.memory_space<vmem>>) semaphore(%run_scoped3A : memref<!tpu.dma_semaphore, #tpu.memory_space<semaphore_mem>>) {add = true}
        %dma_wait3A_93 = arith.constant 0 : i32
        %dma_wait3A_94 = arith.constant 0 : i32
        %dma_wait3A_95 = tpu.memref_slice %arg16[%dma_wait3A_93, %dma_wait3A_94] : memref<10240x128xf32, #tpu.memory_space<vmem_shared>> -> memref<10240x128xf32, #tpu.memory_space<vmem_shared>>
        tpu.wait_indirect_dma semaphore(%run_scoped3A : memref<!tpu.dma_semaphore, #tpu.memory_space<semaphore_mem>>) src(%arg13 : memref<80x128xf32, #tpu.memory_space<vmem>>) dst(%dma_wait3A_95 : memref<10240x128xf32, #tpu.memory_space<vmem_shared>>)
        tpu.yield
      }) : () -> ()
      %add3A_50 = arith.constant 3 : i32
      %add3A_51 = arith.addi %add3A_43, %add3A_50 : i32
      %lt3A = arith.constant 125 : i32
      %lt3A_52 = arith.cmpi slt, %add3A_51, %lt3A : i32
      %convert_element_type3A_53 = arith.extui %lt3A_52 : i1 to i32
      %cond3A_54 = arith.constant 0 : i32
      %cond3A_55 = arith.cmpi ne, %convert_element_type3A_53, %cond3A_54 : i32
      scf.if %cond3A_55 {
        %add3A_90 = arith.constant 240 : i32
        %add3A_91 = arith.addi %add3A_46, %add3A_90 : i32
        "tpu.region"() ({
          %run_scoped3A = tpu.sem_alloc : memref<!tpu.dma_semaphore, #tpu.memory_space<semaphore_mem>>
          %dma_start3A_95 = tpu.memref_slice %arg3[%add3A_91] : memref<320000xi32, #tpu.memory_space<hbm>> -> memref<80xi32, #tpu.memory_space<hbm>>
          %dma_start3A_96 = tpu.memref_slice %arg3[%add3A_91] : memref<320000xi32, #tpu.memory_space<hbm>> -> memref<80xi32, #tpu.memory_space<hbm>>
          tpu.enqueue_dma source(%dma_start3A_96 : memref<80xi32, #tpu.memory_space<hbm>>) target(%arg7 : memref<80xi32, #tpu.memory_space<vmem>>) target_semaphore(%run_scoped3A : memref<!tpu.dma_semaphore, #tpu.memory_space<semaphore_mem>>)
          %dma_wait3A_97 = tpu.memref_slice %arg3[%add3A_91] : memref<320000xi32, #tpu.memory_space<hbm>> -> memref<80xi32, #tpu.memory_space<hbm>>
          %dma_wait3A_98 = tpu.memref_slice %arg3[%add3A_91] : memref<320000xi32, #tpu.memory_space<hbm>> -> memref<80xi32, #tpu.memory_space<hbm>>
          tpu.wait_dma2 semaphore(%run_scoped3A : memref<!tpu.dma_semaphore, #tpu.memory_space<semaphore_mem>>) src(%dma_wait3A_98 : memref<80xi32, #tpu.memory_space<hbm>>) dst(%arg7 : memref<80xi32, #tpu.memory_space<vmem>>)
          tpu.yield
        }) : () -> ()
        %dma_start3A_92 = arith.constant 0 : i32
        %dma_start3A_93 = arith.constant 0 : i32
        %dma_start3A_94 = tpu.memref_slice %arg2[%dma_start3A_92, %dma_start3A_93] : memref<10000x128xf32, #tpu.memory_space<hbm>> -> memref<10000x128xf32, #tpu.memory_space<hbm>>
        tpu.enqueue_indirect_dma source(%dma_start3A_94 : memref<10000x128xf32, #tpu.memory_space<hbm>>) target(%arg13 : memref<80x128xf32, #tpu.memory_space<vmem>>) offsets(%arg7 : memref<80xi32, #tpu.memory_space<vmem>>) semaphore(%arg17 : memref<!tpu.dma_semaphore, #tpu.memory_space<semaphore_mem>>)
      } else {
      }
      %mul3A_56 = arith.constant 3 : i32
      %mul3A_57 = arith.muli %mul3A_56, %scan3A_39 : i32
      %add3A_58 = arith.constant 1 : i32
      %add3A_59 = arith.addi %mul3A_57, %add3A_58 : i32
      %mul3A_60 = arith.constant 80 : i32
      %mul3A_61 = arith.muli %add3A_59, %mul3A_60 : i32
      %add3A_62 = arith.addi %mul3A_4, %mul3A_61 : i32
      "tpu.region"() ({
        %run_scoped3A = tpu.sem_alloc : memref<!tpu.dma_semaphore, #tpu.memory_space<semaphore_mem>>
        %dma_start3A_90 = tpu.memref_slice %arg4[%add3A_62] : memref<320000xi32, #tpu.memory_space<hbm>> -> memref<80xi32, #tpu.memory_space<hbm>>
        %dma_start3A_91 = tpu.memref_slice %arg4[%add3A_62] : memref<320000xi32, #tpu.memory_space<hbm>> -> memref<80xi32, #tpu.memory_space<hbm>>
        tpu.enqueue_dma source(%dma_start3A_91 : memref<80xi32, #tpu.memory_space<hbm>>) target(%arg11 : memref<80xi32, #tpu.memory_space<vmem>>) target_semaphore(%run_scoped3A : memref<!tpu.dma_semaphore, #tpu.memory_space<semaphore_mem>>)
        %dma_wait3A_92 = tpu.memref_slice %arg4[%add3A_62] : memref<320000xi32, #tpu.memory_space<hbm>> -> memref<80xi32, #tpu.memory_space<hbm>>
        %dma_wait3A_93 = tpu.memref_slice %arg4[%add3A_62] : memref<320000xi32, #tpu.memory_space<hbm>> -> memref<80xi32, #tpu.memory_space<hbm>>
        tpu.wait_dma2 semaphore(%run_scoped3A : memref<!tpu.dma_semaphore, #tpu.memory_space<semaphore_mem>>) src(%dma_wait3A_93 : memref<80xi32, #tpu.memory_space<hbm>>) dst(%arg11 : memref<80xi32, #tpu.memory_space<vmem>>)
        tpu.yield
      }) : () -> ()
      %dma_wait3A_63 = arith.constant 0 : i32
      %dma_wait3A_64 = arith.constant 0 : i32
      %dma_wait3A_65 = tpu.memref_slice %arg2[%dma_wait3A_63, %dma_wait3A_64] : memref<10000x128xf32, #tpu.memory_space<hbm>> -> memref<10000x128xf32, #tpu.memory_space<hbm>>
      tpu.wait_indirect_dma semaphore(%arg18 : memref<!tpu.dma_semaphore, #tpu.memory_space<semaphore_mem>>) src(%dma_wait3A_65 : memref<10000x128xf32, #tpu.memory_space<hbm>>) dst(%arg14 : memref<80x128xf32, #tpu.memory_space<vmem>>)
      "tpu.region"() ({
        %run_scoped3A = tpu.sem_alloc : memref<!tpu.dma_semaphore, #tpu.memory_space<semaphore_mem>>
        %dma_start3A_90 = arith.constant 0 : i32
        %dma_start3A_91 = arith.constant 0 : i32
        %dma_start3A_92 = tpu.memref_slice %arg16[%dma_start3A_90, %dma_start3A_91] : memref<10240x128xf32, #tpu.memory_space<vmem_shared>> -> memref<10240x128xf32, #tpu.memory_space<vmem_shared>>
        tpu.enqueue_indirect_dma source(%arg14 : memref<80x128xf32, #tpu.memory_space<vmem>>) target(%dma_start3A_92 : memref<10240x128xf32, #tpu.memory_space<vmem_shared>>) offsets(%arg11 : memref<80xi32, #tpu.memory_space<vmem>>) semaphore(%run_scoped3A : memref<!tpu.dma_semaphore, #tpu.memory_space<semaphore_mem>>) {add = true}
        %dma_wait3A_93 = arith.constant 0 : i32
        %dma_wait3A_94 = arith.constant 0 : i32
        %dma_wait3A_95 = tpu.memref_slice %arg16[%dma_wait3A_93, %dma_wait3A_94] : memref<10240x128xf32, #tpu.memory_space<vmem_shared>> -> memref<10240x128xf32, #tpu.memory_space<vmem_shared>>
        tpu.wait_indirect_dma semaphore(%run_scoped3A : memref<!tpu.dma_semaphore, #tpu.memory_space<semaphore_mem>>) src(%arg14 : memref<80x128xf32, #tpu.memory_space<vmem>>) dst(%dma_wait3A_95 : memref<10240x128xf32, #tpu.memory_space<vmem_shared>>)
        tpu.yield
      }) : () -> ()
      %add3A_66 = arith.constant 3 : i32
      %add3A_67 = arith.addi %add3A_59, %add3A_66 : i32
      %lt3A_68 = arith.constant 125 : i32
      %lt3A_69 = arith.cmpi slt, %add3A_67, %lt3A_68 : i32
      %convert_element_type3A_70 = arith.extui %lt3A_69 : i1 to i32
      %cond3A_71 = arith.constant 0 : i32
      %cond3A_72 = arith.cmpi ne, %convert_element_type3A_70, %cond3A_71 : i32
      scf.if %cond3A_72 {
        %add3A_90 = arith.constant 240 : i32
        %add3A_91 = arith.addi %add3A_62, %add3A_90 : i32
        "tpu.region"() ({
          %run_scoped3A = tpu.sem_alloc : memref<!tpu.dma_semaphore, #tpu.memory_space<semaphore_mem>>
          %dma_start3A_95 = tpu.memref_slice %arg3[%add3A_91] : memref<320000xi32, #tpu.memory_space<hbm>> -> memref<80xi32, #tpu.memory_space<hbm>>
          %dma_start3A_96 = tpu.memref_slice %arg3[%add3A_91] : memref<320000xi32, #tpu.memory_space<hbm>> -> memref<80xi32, #tpu.memory_space<hbm>>
          tpu.enqueue_dma source(%dma_start3A_96 : memref<80xi32, #tpu.memory_space<hbm>>) target(%arg8 : memref<80xi32, #tpu.memory_space<vmem>>) target_semaphore(%run_scoped3A : memref<!tpu.dma_semaphore, #tpu.memory_space<semaphore_mem>>)
          %dma_wait3A_97 = tpu.memref_slice %arg3[%add3A_91] : memref<320000xi32, #tpu.memory_space<hbm>> -> memref<80xi32, #tpu.memory_space<hbm>>
          %dma_wait3A_98 = tpu.memref_slice %arg3[%add3A_91] : memref<320000xi32, #tpu.memory_space<hbm>> -> memref<80xi32, #tpu.memory_space<hbm>>
          tpu.wait_dma2 semaphore(%run_scoped3A : memref<!tpu.dma_semaphore, #tpu.memory_space<semaphore_mem>>) src(%dma_wait3A_98 : memref<80xi32, #tpu.memory_space<hbm>>) dst(%arg8 : memref<80xi32, #tpu.memory_space<vmem>>)
          tpu.yield
        }) : () -> ()
        %dma_start3A_92 = arith.constant 0 : i32
        %dma_start3A_93 = arith.constant 0 : i32
        %dma_start3A_94 = tpu.memref_slice %arg2[%dma_start3A_92, %dma_start3A_93] : memref<10000x128xf32, #tpu.memory_space<hbm>> -> memref<10000x128xf32, #tpu.memory_space<hbm>>
        tpu.enqueue_indirect_dma source(%dma_start3A_94 : memref<10000x128xf32, #tpu.memory_space<hbm>>) target(%arg14 : memref<80x128xf32, #tpu.memory_space<vmem>>) offsets(%arg8 : memref<80xi32, #tpu.memory_space<vmem>>) semaphore(%arg18 : memref<!tpu.dma_semaphore, #tpu.memory_space<semaphore_mem>>)
      } else {
      }
      %mul3A_73 = arith.constant 3 : i32
      %mul3A_74 = arith.muli %mul3A_73, %scan3A_39 : i32
      %add3A_75 = arith.constant 2 : i32
      %add3A_76 = arith.addi %mul3A_74, %add3A_75 : i32
      %mul3A_77 = arith.constant 80 : i32
      %mul3A_78 = arith.muli %add3A_76, %mul3A_77 : i32
      %add3A_79 = arith.addi %mul3A_4, %mul3A_78 : i32
      "tpu.region"() ({
        %run_scoped3A = tpu.sem_alloc : memref<!tpu.dma_semaphore, #tpu.memory_space<semaphore_mem>>
        %dma_start3A_90 = tpu.memref_slice %arg4[%add3A_79] : memref<320000xi32, #tpu.memory_space<hbm>> -> memref<80xi32, #tpu.memory_space<hbm>>
        %dma_start3A_91 = tpu.memref_slice %arg4[%add3A_79] : memref<320000xi32, #tpu.memory_space<hbm>> -> memref<80xi32, #tpu.memory_space<hbm>>
        tpu.enqueue_dma source(%dma_start3A_91 : memref<80xi32, #tpu.memory_space<hbm>>) target(%arg12 : memref<80xi32, #tpu.memory_space<vmem>>) target_semaphore(%run_scoped3A : memref<!tpu.dma_semaphore, #tpu.memory_space<semaphore_mem>>)
        %dma_wait3A_92 = tpu.memref_slice %arg4[%add3A_79] : memref<320000xi32, #tpu.memory_space<hbm>> -> memref<80xi32, #tpu.memory_space<hbm>>
        %dma_wait3A_93 = tpu.memref_slice %arg4[%add3A_79] : memref<320000xi32, #tpu.memory_space<hbm>> -> memref<80xi32, #tpu.memory_space<hbm>>
        tpu.wait_dma2 semaphore(%run_scoped3A : memref<!tpu.dma_semaphore, #tpu.memory_space<semaphore_mem>>) src(%dma_wait3A_93 : memref<80xi32, #tpu.memory_space<hbm>>) dst(%arg12 : memref<80xi32, #tpu.memory_space<vmem>>)
        tpu.yield
      }) : () -> ()
      %dma_wait3A_80 = arith.constant 0 : i32
      %dma_wait3A_81 = arith.constant 0 : i32
      %dma_wait3A_82 = tpu.memref_slice %arg2[%dma_wait3A_80, %dma_wait3A_81] : memref<10000x128xf32, #tpu.memory_space<hbm>> -> memref<10000x128xf32, #tpu.memory_space<hbm>>
      tpu.wait_indirect_dma semaphore(%arg19 : memref<!tpu.dma_semaphore, #tpu.memory_space<semaphore_mem>>) src(%dma_wait3A_82 : memref<10000x128xf32, #tpu.memory_space<hbm>>) dst(%arg15 : memref<80x128xf32, #tpu.memory_space<vmem>>)
      "tpu.region"() ({
        %run_scoped3A = tpu.sem_alloc : memref<!tpu.dma_semaphore, #tpu.memory_space<semaphore_mem>>
        %dma_start3A_90 = arith.constant 0 : i32
        %dma_start3A_91 = arith.constant 0 : i32
        %dma_start3A_92 = tpu.memref_slice %arg16[%dma_start3A_90, %dma_start3A_91] : memref<10240x128xf32, #tpu.memory_space<vmem_shared>> -> memref<10240x128xf32, #tpu.memory_space<vmem_shared>>
        tpu.enqueue_indirect_dma source(%arg15 : memref<80x128xf32, #tpu.memory_space<vmem>>) target(%dma_start3A_92 : memref<10240x128xf32, #tpu.memory_space<vmem_shared>>) offsets(%arg12 : memref<80xi32, #tpu.memory_space<vmem>>) semaphore(%run_scoped3A : memref<!tpu.dma_semaphore, #tpu.memory_space<semaphore_mem>>) {add = true}
        %dma_wait3A_93 = arith.constant 0 : i32
        %dma_wait3A_94 = arith.constant 0 : i32
        %dma_wait3A_95 = tpu.memref_slice %arg16[%dma_wait3A_93, %dma_wait3A_94] : memref<10240x128xf32, #tpu.memory_space<vmem_shared>> -> memref<10240x128xf32, #tpu.memory_space<vmem_shared>>
        tpu.wait_indirect_dma semaphore(%run_scoped3A : memref<!tpu.dma_semaphore, #tpu.memory_space<semaphore_mem>>) src(%arg15 : memref<80x128xf32, #tpu.memory_space<vmem>>) dst(%dma_wait3A_95 : memref<10240x128xf32, #tpu.memory_space<vmem_shared>>)
        tpu.yield
      }) : () -> ()
      %add3A_83 = arith.constant 3 : i32
      %add3A_84 = arith.addi %add3A_76, %add3A_83 : i32
      %lt3A_85 = arith.constant 125 : i32
      %lt3A_86 = arith.cmpi slt, %add3A_84, %lt3A_85 : i32
      %convert_element_type3A_87 = arith.extui %lt3A_86 : i1 to i32
      %cond3A_88 = arith.constant 0 : i32
      %cond3A_89 = arith.cmpi ne, %convert_element_type3A_87, %cond3A_88 : i32
      scf.if %cond3A_89 {
        %add3A_90 = arith.constant 240 : i32
        %add3A_91 = arith.addi %add3A_79, %add3A_90 : i32
        "tpu.region"() ({
          %run_scoped3A = tpu.sem_alloc : memref<!tpu.dma_semaphore, #tpu.memory_space<semaphore_mem>>
          %dma_start3A_95 = tpu.memref_slice %arg3[%add3A_91] : memref<320000xi32, #tpu.memory_space<hbm>> -> memref<80xi32, #tpu.memory_space<hbm>>
          %dma_start3A_96 = tpu.memref_slice %arg3[%add3A_91] : memref<320000xi32, #tpu.memory_space<hbm>> -> memref<80xi32, #tpu.memory_space<hbm>>
          tpu.enqueue_dma source(%dma_start3A_96 : memref<80xi32, #tpu.memory_space<hbm>>) target(%arg9 : memref<80xi32, #tpu.memory_space<vmem>>) target_semaphore(%run_scoped3A : memref<!tpu.dma_semaphore, #tpu.memory_space<semaphore_mem>>)
          %dma_wait3A_97 = tpu.memref_slice %arg3[%add3A_91] : memref<320000xi32, #tpu.memory_space<hbm>> -> memref<80xi32, #tpu.memory_space<hbm>>
          %dma_wait3A_98 = tpu.memref_slice %arg3[%add3A_91] : memref<320000xi32, #tpu.memory_space<hbm>> -> memref<80xi32, #tpu.memory_space<hbm>>
          tpu.wait_dma2 semaphore(%run_scoped3A : memref<!tpu.dma_semaphore, #tpu.memory_space<semaphore_mem>>) src(%dma_wait3A_98 : memref<80xi32, #tpu.memory_space<hbm>>) dst(%arg9 : memref<80xi32, #tpu.memory_space<vmem>>)
          tpu.yield
        }) : () -> ()
        %dma_start3A_92 = arith.constant 0 : i32
        %dma_start3A_93 = arith.constant 0 : i32
        %dma_start3A_94 = tpu.memref_slice %arg2[%dma_start3A_92, %dma_start3A_93] : memref<10000x128xf32, #tpu.memory_space<hbm>> -> memref<10000x128xf32, #tpu.memory_space<hbm>>
        tpu.enqueue_indirect_dma source(%dma_start3A_94 : memref<10000x128xf32, #tpu.memory_space<hbm>>) target(%arg15 : memref<80x128xf32, #tpu.memory_space<vmem>>) offsets(%arg9 : memref<80xi32, #tpu.memory_space<vmem>>) semaphore(%arg19 : memref<!tpu.dma_semaphore, #tpu.memory_space<semaphore_mem>>)
      } else {
      }
    }
    %scan3A_23 = arith.constant 41 : i32
    %add3A_24 = arith.constant 9840 : i32
    %add3A_25 = arith.addi %mul3A_4, %add3A_24 : i32
    "tpu.region"() ({
      %run_scoped3A = tpu.sem_alloc : memref<!tpu.dma_semaphore, #tpu.memory_space<semaphore_mem>>
      %dma_start3A_39 = tpu.memref_slice %arg4[%add3A_25] : memref<320000xi32, #tpu.memory_space<hbm>> -> memref<80xi32, #tpu.memory_space<hbm>>
      %dma_start3A_40 = tpu.memref_slice %arg4[%add3A_25] : memref<320000xi32, #tpu.memory_space<hbm>> -> memref<80xi32, #tpu.memory_space<hbm>>
      tpu.enqueue_dma source(%dma_start3A_40 : memref<80xi32, #tpu.memory_space<hbm>>) target(%arg10 : memref<80xi32, #tpu.memory_space<vmem>>) target_semaphore(%run_scoped3A : memref<!tpu.dma_semaphore, #tpu.memory_space<semaphore_mem>>)
      %dma_wait3A_41 = tpu.memref_slice %arg4[%add3A_25] : memref<320000xi32, #tpu.memory_space<hbm>> -> memref<80xi32, #tpu.memory_space<hbm>>
      %dma_wait3A_42 = tpu.memref_slice %arg4[%add3A_25] : memref<320000xi32, #tpu.memory_space<hbm>> -> memref<80xi32, #tpu.memory_space<hbm>>
      tpu.wait_dma2 semaphore(%run_scoped3A : memref<!tpu.dma_semaphore, #tpu.memory_space<semaphore_mem>>) src(%dma_wait3A_42 : memref<80xi32, #tpu.memory_space<hbm>>) dst(%arg10 : memref<80xi32, #tpu.memory_space<vmem>>)
      tpu.yield
    }) : () -> ()
    %dma_wait3A = arith.constant 0 : i32
    %dma_wait3A_26 = arith.constant 0 : i32
    %dma_wait3A_27 = tpu.memref_slice %arg2[%dma_wait3A, %dma_wait3A_26] : memref<10000x128xf32, #tpu.memory_space<hbm>> -> memref<10000x128xf32, #tpu.memory_space<hbm>>
    tpu.wait_indirect_dma semaphore(%arg17 : memref<!tpu.dma_semaphore, #tpu.memory_space<semaphore_mem>>) src(%dma_wait3A_27 : memref<10000x128xf32, #tpu.memory_space<hbm>>) dst(%arg13 : memref<80x128xf32, #tpu.memory_space<vmem>>)
    "tpu.region"() ({
      %run_scoped3A = tpu.sem_alloc : memref<!tpu.dma_semaphore, #tpu.memory_space<semaphore_mem>>
      %dma_start3A_39 = arith.constant 0 : i32
      %dma_start3A_40 = arith.constant 0 : i32
      %dma_start3A_41 = tpu.memref_slice %arg16[%dma_start3A_39, %dma_start3A_40] : memref<10240x128xf32, #tpu.memory_space<vmem_shared>> -> memref<10240x128xf32, #tpu.memory_space<vmem_shared>>
      tpu.enqueue_indirect_dma source(%arg13 : memref<80x128xf32, #tpu.memory_space<vmem>>) target(%dma_start3A_41 : memref<10240x128xf32, #tpu.memory_space<vmem_shared>>) offsets(%arg10 : memref<80xi32, #tpu.memory_space<vmem>>) semaphore(%run_scoped3A : memref<!tpu.dma_semaphore, #tpu.memory_space<semaphore_mem>>) {add = true}
      %dma_wait3A_42 = arith.constant 0 : i32
      %dma_wait3A_43 = arith.constant 0 : i32
      %dma_wait3A_44 = tpu.memref_slice %arg16[%dma_wait3A_42, %dma_wait3A_43] : memref<10240x128xf32, #tpu.memory_space<vmem_shared>> -> memref<10240x128xf32, #tpu.memory_space<vmem_shared>>
      tpu.wait_indirect_dma semaphore(%run_scoped3A : memref<!tpu.dma_semaphore, #tpu.memory_space<semaphore_mem>>) src(%arg13 : memref<80x128xf32, #tpu.memory_space<vmem>>) dst(%dma_wait3A_44 : memref<10240x128xf32, #tpu.memory_space<vmem_shared>>)
      tpu.yield
    }) : () -> ()
    %add3A_28 = arith.constant 9920 : i32
    %add3A_29 = arith.addi %mul3A_4, %add3A_28 : i32
    "tpu.region"() ({
      %run_scoped3A = tpu.sem_alloc : memref<!tpu.dma_semaphore, #tpu.memory_space<semaphore_mem>>
      %dma_start3A_39 = tpu.memref_slice %arg4[%add3A_29] : memref<320000xi32, #tpu.memory_space<hbm>> -> memref<80xi32, #tpu.memory_space<hbm>>
      %dma_start3A_40 = tpu.memref_slice %arg4[%add3A_29] : memref<320000xi32, #tpu.memory_space<hbm>> -> memref<80xi32, #tpu.memory_space<hbm>>
      tpu.enqueue_dma source(%dma_start3A_40 : memref<80xi32, #tpu.memory_space<hbm>>) target(%arg11 : memref<80xi32, #tpu.memory_space<vmem>>) target_semaphore(%run_scoped3A : memref<!tpu.dma_semaphore, #tpu.memory_space<semaphore_mem>>)
      %dma_wait3A_41 = tpu.memref_slice %arg4[%add3A_29] : memref<320000xi32, #tpu.memory_space<hbm>> -> memref<80xi32, #tpu.memory_space<hbm>>
      %dma_wait3A_42 = tpu.memref_slice %arg4[%add3A_29] : memref<320000xi32, #tpu.memory_space<hbm>> -> memref<80xi32, #tpu.memory_space<hbm>>
      tpu.wait_dma2 semaphore(%run_scoped3A : memref<!tpu.dma_semaphore, #tpu.memory_space<semaphore_mem>>) src(%dma_wait3A_42 : memref<80xi32, #tpu.memory_space<hbm>>) dst(%arg11 : memref<80xi32, #tpu.memory_space<vmem>>)
      tpu.yield
    }) : () -> ()
    %dma_wait3A_30 = arith.constant 0 : i32
    %dma_wait3A_31 = arith.constant 0 : i32
    %dma_wait3A_32 = tpu.memref_slice %arg2[%dma_wait3A_30, %dma_wait3A_31] : memref<10000x128xf32, #tpu.memory_space<hbm>> -> memref<10000x128xf32, #tpu.memory_space<hbm>>
    tpu.wait_indirect_dma semaphore(%arg18 : memref<!tpu.dma_semaphore, #tpu.memory_space<semaphore_mem>>) src(%dma_wait3A_32 : memref<10000x128xf32, #tpu.memory_space<hbm>>) dst(%arg14 : memref<80x128xf32, #tpu.memory_space<vmem>>)
    "tpu.region"() ({
      %run_scoped3A = tpu.sem_alloc : memref<!tpu.dma_semaphore, #tpu.memory_space<semaphore_mem>>
      %dma_start3A_39 = arith.constant 0 : i32
      %dma_start3A_40 = arith.constant 0 : i32
      %dma_start3A_41 = tpu.memref_slice %arg16[%dma_start3A_39, %dma_start3A_40] : memref<10240x128xf32, #tpu.memory_space<vmem_shared>> -> memref<10240x128xf32, #tpu.memory_space<vmem_shared>>
      tpu.enqueue_indirect_dma source(%arg14 : memref<80x128xf32, #tpu.memory_space<vmem>>) target(%dma_start3A_41 : memref<10240x128xf32, #tpu.memory_space<vmem_shared>>) offsets(%arg11 : memref<80xi32, #tpu.memory_space<vmem>>) semaphore(%run_scoped3A : memref<!tpu.dma_semaphore, #tpu.memory_space<semaphore_mem>>) {add = true}
      %dma_wait3A_42 = arith.constant 0 : i32
      %dma_wait3A_43 = arith.constant 0 : i32
      %dma_wait3A_44 = tpu.memref_slice %arg16[%dma_wait3A_42, %dma_wait3A_43] : memref<10240x128xf32, #tpu.memory_space<vmem_shared>> -> memref<10240x128xf32, #tpu.memory_space<vmem_shared>>
      tpu.wait_indirect_dma semaphore(%run_scoped3A : memref<!tpu.dma_semaphore, #tpu.memory_space<semaphore_mem>>) src(%arg14 : memref<80x128xf32, #tpu.memory_space<vmem>>) dst(%dma_wait3A_44 : memref<10240x128xf32, #tpu.memory_space<vmem_shared>>)
      tpu.yield
    }) : () -> ()
    %barrier3A_33 = arith.constant 0 : index
    tpu.barrier barrier_id(%barrier3A_33)
    %eq3A_34 = arith.constant 0 : i32
    %eq3A_35 = arith.cmpi eq, %arg1, %eq3A_34 : i32
    %convert_element_type3A_36 = arith.extui %eq3A_35 : i1 to i32
    %cond3A_37 = arith.constant 0 : i32
    %cond3A_38 = arith.cmpi ne, %convert_element_type3A_36, %cond3A_37 : i32
    scf.if %cond3A_38 {
      "tpu.region"() ({
        %run_scoped3A = tpu.sem_alloc : memref<!tpu.dma_semaphore, #tpu.memory_space<semaphore_mem>>
        %dma_start3A_39 = arith.constant 0 : i32
        %dma_start3A_40 = arith.constant 0 : i32
        %dma_start3A_41 = tpu.memref_slice %arg6[%arg0, %dma_start3A_39, %dma_start3A_40] : memref<2x10240x128xf32, #tpu.memory_space<hbm>> -> memref<1x10240x128xf32, #tpu.memory_space<hbm>>
        %dma_start3A_42 = tpu.memref_squeeze %dma_start3A_41 : memref<1x10240x128xf32, #tpu.memory_space<hbm>> -> memref<10240x128xf32, #tpu.memory_space<hbm>>
        tpu.enqueue_dma source(%arg16 : memref<10240x128xf32, #tpu.memory_space<vmem_shared>>) target(%dma_start3A_42 : memref<10240x128xf32, #tpu.memory_space<hbm>>) target_semaphore(%run_scoped3A : memref<!tpu.dma_semaphore, #tpu.memory_space<semaphore_mem>>)
        %dma_wait3A_43 = arith.constant 0 : i32
        %dma_wait3A_44 = arith.constant 0 : i32
        %dma_wait3A_45 = tpu.memref_slice %arg6[%arg0, %dma_wait3A_43, %dma_wait3A_44] : memref<2x10240x128xf32, #tpu.memory_space<hbm>> -> memref<1x10240x128xf32, #tpu.memory_space<hbm>>
        %dma_wait3A_46 = tpu.memref_squeeze %dma_wait3A_45 : memref<1x10240x128xf32, #tpu.memory_space<hbm>> -> memref<10240x128xf32, #tpu.memory_space<hbm>>
        tpu.wait_dma2 semaphore(%run_scoped3A : memref<!tpu.dma_semaphore, #tpu.memory_space<semaphore_mem>>) src(%arg16 : memref<10240x128xf32, #tpu.memory_space<vmem_shared>>) dst(%dma_wait3A_46 : memref<10240x128xf32, #tpu.memory_space<hbm>>)
        tpu.yield
      }) : () -> ()
    } else {
    }
    return
  }
}

module attributes {stable_mosaic.version = 14 : i64} {
  func.func @_tc1_body(%arg0: i32, %arg1: memref<1000x128xf32, #tpu.memory_space<vmem>>, %arg2: memref<1000x128xf32, #tpu.memory_space<vmem>>, %arg3: memref<2x1000x128xf32, #tpu.memory_space<vmem>>, %arg4: memref<128x128xf32, #tpu.memory_space<vmem>>, %arg5: memref<128x128xf32, #tpu.memory_space<vmem>>, %arg6: memref<1x128xf32, #tpu.memory_space<vmem>>, %arg7: memref<1000x128xf32, #tpu.memory_space<vmem>>, %arg8: memref<1000x128xf32, #tpu.memory_space<vmem>>, %arg9: memref<1000x1xf32, #tpu.memory_space<vmem>>) attributes {dimension_semantics = [#tpu.dimension_semantics<arbitrary>], iteration_bounds = array<i64: 10>, scalar_prefetch = 0 : i64, scratch_operands = 0 : i64, tpu.core_type = #tpu.core_type<tc>, window_params = [{transform_indices = @transform_0, window_bounds = array<i64: 1000, 128>}, {transform_indices = @transform_1, window_bounds = array<i64: 1000, 128>}, {transform_indices = @transform_2, window_bounds = array<i64: 2, 1000, 128>}, {pipeline_mode = #tpu.pipeline_mode<synchronous>, transform_indices = @transform_3, window_bounds = array<i64: 128, 128>}, {pipeline_mode = #tpu.pipeline_mode<synchronous>, transform_indices = @transform_4, window_bounds = array<i64: 128, 128>}, {pipeline_mode = #tpu.pipeline_mode<synchronous>, transform_indices = @transform_5, window_bounds = array<i64: 1, 128>}, {transform_indices = @transform_6, window_bounds = array<i64: 1000, 128>}, {transform_indices = @transform_7, window_bounds = array<i64: 1000, 128>}, {transform_indices = @transform_8, window_bounds = array<i64: 1000, 1>}]} {
    %get3A = arith.constant 0 : index
    %get3A_0 = arith.constant 0 : index
    %get3A_1 = arith.constant 0 : index
    %get3A_2 = vector.load %arg3[%get3A, %get3A_0, %get3A_1] : memref<2x1000x128xf32, #tpu.memory_space<vmem>>, vector<2x1000x128xf32>
    %slice3A = vector.extract_strided_slice %get3A_2 {offsets = [0, 0, 0], sizes = [1, 1000, 128], strides = [1, 1, 1]} : vector<2x1000x128xf32> to vector<1x1000x128xf32>
    %squeeze3A = vector.shape_cast %slice3A : vector<1x1000x128xf32> to vector<1000x128xf32>
    %slice3A_3 = vector.extract_strided_slice %get3A_2 {offsets = [1, 0, 0], sizes = [1, 1000, 128], strides = [1, 1, 1]} : vector<2x1000x128xf32> to vector<1x1000x128xf32>
    %squeeze3A_4 = vector.shape_cast %slice3A_3 : vector<1x1000x128xf32> to vector<1000x128xf32>
    %add3A = arith.addf %squeeze3A, %squeeze3A_4 : vector<1000x128xf32>
    %reduce_sum3A = arith.constant dense<0.000000e+00> : vector<1000xf32>
    %reduce_sum3A_5 = vector.multi_reduction <add>, %add3A, %reduce_sum3A [1] : vector<1000x128xf32> to vector<1000xf32>
    %mul3A = arith.constant 7.812500e-03 : f32
    %mul3A_6 = vector.broadcast %mul3A : f32 to vector<1000xf32>
    %mul3A_7 = arith.mulf %reduce_sum3A_5, %mul3A_6 : vector<1000xf32>
    %add3A_8 = arith.constant 1.000000e+00 : f32
    %add3A_9 = vector.broadcast %add3A_8 : f32 to vector<1000xf32>
    %add3A_10 = arith.addf %mul3A_7, %add3A_9 : vector<1000xf32>
    %rsqrt3A = math.rsqrt %add3A_10 : vector<1000xf32>
    %broadcast_in_dim3A = vector.shape_cast %rsqrt3A : vector<1000xf32> to vector<1000x1xf32>
    %get3A_11 = arith.constant 0 : index
    %get3A_12 = arith.constant 0 : index
    %get3A_13 = vector.load %arg1[%get3A_11, %get3A_12] : memref<1000x128xf32, #tpu.memory_space<vmem>>, vector<1000x128xf32>
    %get3A_14 = arith.constant 0 : index
    %get3A_15 = arith.constant 0 : index
    %get3A_16 = vector.load %arg4[%get3A_14, %get3A_15] : memref<128x128xf32, #tpu.memory_space<vmem>>, vector<128x128xf32>
    %dot_general3A = arith.constant dense<0.000000e+00> : vector<1000x128xf32>
    %dot_general3A_17 = tpu.matmul %get3A_13, %get3A_16, %dot_general3A {dimension_numbers = #tpu.dot_dimension_numbers<[1], [0], [0], [1], [0, 0, 1, 1], [], []>, transpose_lhs_hint = false} : vector<1000x128xf32>, vector<128x128xf32>, vector<1000x128xf32> -> vector<1000x128xf32>
    %mul3A_18 = vector.broadcast %broadcast_in_dim3A : vector<1000x1xf32> to vector<1000x128xf32>
    %mul3A_19 = arith.mulf %dot_general3A_17, %mul3A_18 : vector<1000x128xf32>
    %swap3A = arith.constant 0 : index
    %swap3A_20 = arith.constant 0 : index
    %swap3A_21 = vector.load %arg7[%swap3A, %swap3A_20] : memref<1000x128xf32, #tpu.memory_space<vmem>>, vector<1000x128xf32>
    tpu.vector_store %arg7[%swap3A, %swap3A_20], %mul3A_19 {strides = array<i32>} : memref<1000x128xf32, #tpu.memory_space<vmem>>, vector<1000x128xf32>,
    %get3A_22 = arith.constant 0 : index
    %get3A_23 = arith.constant 0 : index
    %get3A_24 = vector.load %arg2[%get3A_22, %get3A_23] : memref<1000x128xf32, #tpu.memory_space<vmem>>, vector<1000x128xf32>
    %get3A_25 = arith.constant 0 : index
    %get3A_26 = arith.constant 0 : index
    %get3A_27 = vector.load %arg5[%get3A_25, %get3A_26] : memref<128x128xf32, #tpu.memory_space<vmem>>, vector<128x128xf32>
    %dot_general3A_28 = arith.constant dense<0.000000e+00> : vector<1000x128xf32>
    %dot_general3A_29 = tpu.matmul %get3A_24, %get3A_27, %dot_general3A_28 {dimension_numbers = #tpu.dot_dimension_numbers<[1], [0], [0], [1], [0, 0, 1, 1], [], []>, transpose_lhs_hint = false} : vector<1000x128xf32>, vector<128x128xf32>, vector<1000x128xf32> -> vector<1000x128xf32>
    %get3A_30 = arith.constant 0 : index
    %get3A_31 = arith.constant 0 : index
    %get3A_32 = vector.load %arg6[%get3A_30, %get3A_31] : memref<1x128xf32, #tpu.memory_space<vmem>>, vector<1x128xf32>
    %add3A_33 = vector.broadcast %get3A_32 : vector<1x128xf32> to vector<1000x128xf32>
    %add3A_34 = arith.addf %dot_general3A_29, %add3A_33 : vector<1000x128xf32>
    %max3A = arith.constant 0.000000e+00 : f32
    %max3A_35 = vector.broadcast %max3A : f32 to vector<1000x128xf32>
    %max3A_36 = arith.maximumf %add3A_34, %max3A_35 : vector<1000x128xf32>
    %swap3A_37 = arith.constant 0 : index
    %swap3A_38 = arith.constant 0 : index
    %swap3A_39 = vector.load %arg8[%swap3A_37, %swap3A_38] : memref<1000x128xf32, #tpu.memory_space<vmem>>, vector<1000x128xf32>
    tpu.vector_store %arg8[%swap3A_37, %swap3A_38], %max3A_36 {strides = array<i32>} : memref<1000x128xf32, #tpu.memory_space<vmem>>, vector<1000x128xf32>,
    %swap3A_40 = arith.constant 0 : index
    %swap3A_41 = arith.constant 0 : index
    %swap3A_42 = vector.load %arg9[%swap3A_40, %swap3A_41] : memref<1000x1xf32, #tpu.memory_space<vmem>>, vector<1000x1xf32>
    tpu.vector_store %arg9[%swap3A_40, %swap3A_41], %broadcast_in_dim3A {strides = array<i32>} : memref<1000x1xf32, #tpu.memory_space<vmem>>, vector<1000x1xf32>,
    return
  }
  func.func @transform_0(%arg0: i32) -> (i32, i32) {
    %c0_i32 = arith.constant 0 : i32
    %c0_i32_0 = arith.constant 0 : i32
    return %arg0, %c0_i32 : i32, i32
  }
  func.func @transform_1(%arg0: i32) -> (i32, i32) {
    %c0_i32 = arith.constant 0 : i32
    %c0_i32_0 = arith.constant 0 : i32
    return %arg0, %c0_i32 : i32, i32
  }
  func.func @transform_2(%arg0: i32) -> (i32, i32, i32) {
    %c0_i32 = arith.constant 0 : i32
    %c0_i32_0 = arith.constant 0 : i32
    %c0_i32_1 = arith.constant 0 : i32
    return %c0_i32, %arg0, %c0_i32_0 : i32, i32, i32
  }
  func.func @transform_3(%arg0: i32) -> (i32, i32) {
    %c0_i32 = arith.constant 0 : i32
    %c0_i32_0 = arith.constant 0 : i32
    %c0_i32_1 = arith.constant 0 : i32
    return %c0_i32, %c0_i32_0 : i32, i32
  }
  func.func @transform_4(%arg0: i32) -> (i32, i32) {
    %c0_i32 = arith.constant 0 : i32
    %c0_i32_0 = arith.constant 0 : i32
    %c0_i32_1 = arith.constant 0 : i32
    return %c0_i32, %c0_i32_0 : i32, i32
  }
  func.func @transform_5(%arg0: i32) -> (i32, i32) {
    %c0_i32 = arith.constant 0 : i32
    %c0_i32_0 = arith.constant 0 : i32
    %c0_i32_1 = arith.constant 0 : i32
    return %c0_i32, %c0_i32_0 : i32, i32
  }
  func.func @transform_6(%arg0: i32) -> (i32, i32) {
    %c0_i32 = arith.constant 0 : i32
    %c0_i32_0 = arith.constant 0 : i32
    return %arg0, %c0_i32 : i32, i32
  }
  func.func @transform_7(%arg0: i32) -> (i32, i32) {
    %c0_i32 = arith.constant 0 : i32
    %c0_i32_0 = arith.constant 0 : i32
    return %arg0, %c0_i32 : i32, i32
  }
  func.func @transform_8(%arg0: i32) -> (i32, i32) {
    %c0_i32 = arith.constant 0 : i32
    %c0_i32_0 = arith.constant 0 : i32
    return %arg0, %c0_i32 : i32, i32
  }
}

module attributes {stable_mosaic.version = 14 : i64} {
  func.func @_tc_mid_temb_body(%arg0: i32, %arg1: memref<2x1000x128xf32, #tpu.memory_space<vmem>>, %arg2: memref<1000x128xf32, #tpu.memory_space<vmem>>, %arg3: memref<1000x1xf32, #tpu.memory_space<vmem>>, %arg4: memref<1x128xf32, #tpu.memory_space<vmem>>, %arg5: memref<128x128xf32, #tpu.memory_space<vmem>>, %arg6: memref<1000x128xf32, #tpu.memory_space<vmem>>, %arg7: memref<1000x128xf32, #tpu.memory_space<vmem>>) attributes {dimension_semantics = [#tpu.dimension_semantics<arbitrary>], iteration_bounds = array<i64: 10>, scalar_prefetch = 0 : i64, scratch_operands = 0 : i64, tpu.core_type = #tpu.core_type<tc>, window_params = [{transform_indices = @transform_0, window_bounds = array<i64: 2, 1000, 128>}, {transform_indices = @transform_1, window_bounds = array<i64: 1000, 128>}, {transform_indices = @transform_2, window_bounds = array<i64: 1000, 1>}, {pipeline_mode = #tpu.pipeline_mode<synchronous>, transform_indices = @transform_3, window_bounds = array<i64: 1, 128>}, {pipeline_mode = #tpu.pipeline_mode<synchronous>, transform_indices = @transform_4, window_bounds = array<i64: 128, 128>}, {transform_indices = @transform_5, window_bounds = array<i64: 1000, 128>}, {transform_indices = @transform_6, window_bounds = array<i64: 1000, 128>}]} {
    %get3A = arith.constant 0 : index
    %get3A_0 = arith.constant 0 : index
    %get3A_1 = arith.constant 0 : index
    %get3A_2 = vector.load %arg1[%get3A, %get3A_0, %get3A_1] : memref<2x1000x128xf32, #tpu.memory_space<vmem>>, vector<2x1000x128xf32>
    %get3A_3 = arith.constant 0 : index
    %get3A_4 = arith.constant 0 : index
    %get3A_5 = vector.load %arg3[%get3A_3, %get3A_4] : memref<1000x1xf32, #tpu.memory_space<vmem>>, vector<1000x1xf32>
    %slice3A = vector.extract_strided_slice %get3A_2 {offsets = [0, 0, 0], sizes = [1, 1000, 128], strides = [1, 1, 1]} : vector<2x1000x128xf32> to vector<1x1000x128xf32>
    %squeeze3A = vector.shape_cast %slice3A : vector<1x1000x128xf32> to vector<1000x128xf32>
    %slice3A_6 = vector.extract_strided_slice %get3A_2 {offsets = [1, 0, 0], sizes = [1, 1000, 128], strides = [1, 1, 1]} : vector<2x1000x128xf32> to vector<1x1000x128xf32>
    %squeeze3A_7 = vector.shape_cast %slice3A_6 : vector<1x1000x128xf32> to vector<1000x128xf32>
    %add3A = arith.addf %squeeze3A, %squeeze3A_7 : vector<1000x128xf32>
    %get3A_8 = arith.constant 0 : index
    %get3A_9 = arith.constant 0 : index
    %get3A_10 = vector.load %arg2[%get3A_8, %get3A_9] : memref<1000x128xf32, #tpu.memory_space<vmem>>, vector<1000x128xf32>
    %add3A_11 = arith.addf %add3A, %get3A_10 : vector<1000x128xf32>
    %mul3A = vector.broadcast %get3A_5 : vector<1000x1xf32> to vector<1000x128xf32>
    %mul3A_12 = arith.mulf %add3A_11, %mul3A : vector<1000x128xf32>
    %get3A_13 = arith.constant 0 : index
    %get3A_14 = arith.constant 0 : index
    %get3A_15 = vector.load %arg4[%get3A_13, %get3A_14] : memref<1x128xf32, #tpu.memory_space<vmem>>, vector<1x128xf32>
    %add3A_16 = vector.broadcast %get3A_15 : vector<1x128xf32> to vector<1000x128xf32>
    %add3A_17 = arith.addf %mul3A_12, %add3A_16 : vector<1000x128xf32>
    %max3A = arith.constant 0.000000e+00 : f32
    %max3A_18 = vector.broadcast %max3A : f32 to vector<1000x128xf32>
    %max3A_19 = arith.maximumf %add3A_17, %max3A_18 : vector<1000x128xf32>
    %get3A_20 = arith.constant 0 : index
    %get3A_21 = arith.constant 0 : index
    %get3A_22 = vector.load %arg6[%get3A_20, %get3A_21] : memref<1000x128xf32, #tpu.memory_space<vmem>>, vector<1000x128xf32>
    %add3A_23 = arith.addf %max3A_19, %get3A_22 : vector<1000x128xf32>
    %get3A_24 = arith.constant 0 : index
    %get3A_25 = arith.constant 0 : index
    %get3A_26 = vector.load %arg5[%get3A_24, %get3A_25] : memref<128x128xf32, #tpu.memory_space<vmem>>, vector<128x128xf32>
    %dot_general3A = arith.constant dense<0.000000e+00> : vector<1000x128xf32>
    %dot_general3A_27 = tpu.matmul %add3A_23, %get3A_26, %dot_general3A {dimension_numbers = #tpu.dot_dimension_numbers<[1], [0], [0], [1], [0, 0, 1, 1], [], []>, transpose_lhs_hint = false} : vector<1000x128xf32>, vector<128x128xf32>, vector<1000x128xf32> -> vector<1000x128xf32>
    %mul3A_28 = vector.broadcast %get3A_5 : vector<1000x1xf32> to vector<1000x128xf32>
    %mul3A_29 = arith.mulf %dot_general3A_27, %mul3A_28 : vector<1000x128xf32>
    %swap3A = arith.constant 0 : index
    %swap3A_30 = arith.constant 0 : index
    %swap3A_31 = vector.load %arg7[%swap3A, %swap3A_30] : memref<1000x128xf32, #tpu.memory_space<vmem>>, vector<1000x128xf32>
    tpu.vector_store %arg7[%swap3A, %swap3A_30], %mul3A_29 {strides = array<i32>} : memref<1000x128xf32, #tpu.memory_space<vmem>>, vector<1000x128xf32>,
    return
  }
  func.func @transform_0(%arg0: i32) -> (i32, i32, i32) {
    %c0_i32 = arith.constant 0 : i32
    %c0_i32_0 = arith.constant 0 : i32
    %c0_i32_1 = arith.constant 0 : i32
    return %c0_i32, %arg0, %c0_i32_0 : i32, i32, i32
  }
  func.func @transform_1(%arg0: i32) -> (i32, i32) {
    %c0_i32 = arith.constant 0 : i32
    %c0_i32_0 = arith.constant 0 : i32
    return %arg0, %c0_i32 : i32, i32
  }
  func.func @transform_2(%arg0: i32) -> (i32, i32) {
    %c0_i32 = arith.constant 0 : i32
    %c0_i32_0 = arith.constant 0 : i32
    return %arg0, %c0_i32 : i32, i32
  }
  func.func @transform_3(%arg0: i32) -> (i32, i32) {
    %c0_i32 = arith.constant 0 : i32
    %c0_i32_0 = arith.constant 0 : i32
    %c0_i32_1 = arith.constant 0 : i32
    return %c0_i32, %c0_i32_0 : i32, i32
  }
  func.func @transform_4(%arg0: i32) -> (i32, i32) {
    %c0_i32 = arith.constant 0 : i32
    %c0_i32_0 = arith.constant 0 : i32
    %c0_i32_1 = arith.constant 0 : i32
    return %c0_i32, %c0_i32_0 : i32, i32
  }
  func.func @transform_5(%arg0: i32) -> (i32, i32) {
    %c0_i32 = arith.constant 0 : i32
    %c0_i32_0 = arith.constant 0 : i32
    return %arg0, %c0_i32 : i32, i32
  }
  func.func @transform_6(%arg0: i32) -> (i32, i32) {
    %c0_i32 = arith.constant 0 : i32
    %c0_i32_0 = arith.constant 0 : i32
    return %arg0, %c0_i32 : i32, i32
  }
}

module attributes {stable_mosaic.version = 14 : i64} {
  func.func @_tc_mid_body(%arg0: i32, %arg1: memref<2x1000x128xf32, #tpu.memory_space<vmem>>, %arg2: memref<1000x128xf32, #tpu.memory_space<vmem>>, %arg3: memref<1000x1xf32, #tpu.memory_space<vmem>>, %arg4: memref<1x128xf32, #tpu.memory_space<vmem>>, %arg5: memref<128x128xf32, #tpu.memory_space<vmem>>, %arg6: memref<1000x128xf32, #tpu.memory_space<vmem>>) attributes {dimension_semantics = [#tpu.dimension_semantics<arbitrary>], iteration_bounds = array<i64: 10>, scalar_prefetch = 0 : i64, scratch_operands = 0 : i64, tpu.core_type = #tpu.core_type<tc>, window_params = [{transform_indices = @transform_0, window_bounds = array<i64: 2, 1000, 128>}, {transform_indices = @transform_1, window_bounds = array<i64: 1000, 128>}, {transform_indices = @transform_2, window_bounds = array<i64: 1000, 1>}, {pipeline_mode = #tpu.pipeline_mode<synchronous>, transform_indices = @transform_3, window_bounds = array<i64: 1, 128>}, {pipeline_mode = #tpu.pipeline_mode<synchronous>, transform_indices = @transform_4, window_bounds = array<i64: 128, 128>}, {transform_indices = @transform_5, window_bounds = array<i64: 1000, 128>}]} {
    %get3A = arith.constant 0 : index
    %get3A_0 = arith.constant 0 : index
    %get3A_1 = arith.constant 0 : index
    %get3A_2 = vector.load %arg1[%get3A, %get3A_0, %get3A_1] : memref<2x1000x128xf32, #tpu.memory_space<vmem>>, vector<2x1000x128xf32>
    %get3A_3 = arith.constant 0 : index
    %get3A_4 = arith.constant 0 : index
    %get3A_5 = vector.load %arg3[%get3A_3, %get3A_4] : memref<1000x1xf32, #tpu.memory_space<vmem>>, vector<1000x1xf32>
    %slice3A = vector.extract_strided_slice %get3A_2 {offsets = [0, 0, 0], sizes = [1, 1000, 128], strides = [1, 1, 1]} : vector<2x1000x128xf32> to vector<1x1000x128xf32>
    %squeeze3A = vector.shape_cast %slice3A : vector<1x1000x128xf32> to vector<1000x128xf32>
    %slice3A_6 = vector.extract_strided_slice %get3A_2 {offsets = [1, 0, 0], sizes = [1, 1000, 128], strides = [1, 1, 1]} : vector<2x1000x128xf32> to vector<1x1000x128xf32>
    %squeeze3A_7 = vector.shape_cast %slice3A_6 : vector<1x1000x128xf32> to vector<1000x128xf32>
    %add3A = arith.addf %squeeze3A, %squeeze3A_7 : vector<1000x128xf32>
    %get3A_8 = arith.constant 0 : index
    %get3A_9 = arith.constant 0 : index
    %get3A_10 = vector.load %arg2[%get3A_8, %get3A_9] : memref<1000x128xf32, #tpu.memory_space<vmem>>, vector<1000x128xf32>
    %add3A_11 = arith.addf %add3A, %get3A_10 : vector<1000x128xf32>
    %mul3A = vector.broadcast %get3A_5 : vector<1000x1xf32> to vector<1000x128xf32>
    %mul3A_12 = arith.mulf %add3A_11, %mul3A : vector<1000x128xf32>
    %get3A_13 = arith.constant 0 : index
    %get3A_14 = arith.constant 0 : index
    %get3A_15 = vector.load %arg4[%get3A_13, %get3A_14] : memref<1x128xf32, #tpu.memory_space<vmem>>, vector<1x128xf32>
    %add3A_16 = vector.broadcast %get3A_15 : vector<1x128xf32> to vector<1000x128xf32>
    %add3A_17 = arith.addf %mul3A_12, %add3A_16 : vector<1000x128xf32>
    %max3A = arith.constant 0.000000e+00 : f32
    %max3A_18 = vector.broadcast %max3A : f32 to vector<1000x128xf32>
    %max3A_19 = arith.maximumf %add3A_17, %max3A_18 : vector<1000x128xf32>
    %get3A_20 = arith.constant 0 : index
    %get3A_21 = arith.constant 0 : index
    %get3A_22 = vector.load %arg5[%get3A_20, %get3A_21] : memref<128x128xf32, #tpu.memory_space<vmem>>, vector<128x128xf32>
    %dot_general3A = arith.constant dense<0.000000e+00> : vector<1000x128xf32>
    %dot_general3A_23 = tpu.matmul %max3A_19, %get3A_22, %dot_general3A {dimension_numbers = #tpu.dot_dimension_numbers<[1], [0], [0], [1], [0, 0, 1, 1], [], []>, transpose_lhs_hint = false} : vector<1000x128xf32>, vector<128x128xf32>, vector<1000x128xf32> -> vector<1000x128xf32>
    %mul3A_24 = vector.broadcast %get3A_5 : vector<1000x1xf32> to vector<1000x128xf32>
    %mul3A_25 = arith.mulf %dot_general3A_23, %mul3A_24 : vector<1000x128xf32>
    %swap3A = arith.constant 0 : index
    %swap3A_26 = arith.constant 0 : index
    %swap3A_27 = vector.load %arg6[%swap3A, %swap3A_26] : memref<1000x128xf32, #tpu.memory_space<vmem>>, vector<1000x128xf32>
    tpu.vector_store %arg6[%swap3A, %swap3A_26], %mul3A_25 {strides = array<i32>} : memref<1000x128xf32, #tpu.memory_space<vmem>>, vector<1000x128xf32>,
    return
  }
  func.func @transform_0(%arg0: i32) -> (i32, i32, i32) {
    %c0_i32 = arith.constant 0 : i32
    %c0_i32_0 = arith.constant 0 : i32
    %c0_i32_1 = arith.constant 0 : i32
    return %c0_i32, %arg0, %c0_i32_0 : i32, i32, i32
  }
  func.func @transform_1(%arg0: i32) -> (i32, i32) {
    %c0_i32 = arith.constant 0 : i32
    %c0_i32_0 = arith.constant 0 : i32
    return %arg0, %c0_i32 : i32, i32
  }
  func.func @transform_2(%arg0: i32) -> (i32, i32) {
    %c0_i32 = arith.constant 0 : i32
    %c0_i32_0 = arith.constant 0 : i32
    return %arg0, %c0_i32 : i32, i32
  }
  func.func @transform_3(%arg0: i32) -> (i32, i32) {
    %c0_i32 = arith.constant 0 : i32
    %c0_i32_0 = arith.constant 0 : i32
    %c0_i32_1 = arith.constant 0 : i32
    return %c0_i32, %c0_i32_0 : i32, i32
  }
  func.func @transform_4(%arg0: i32) -> (i32, i32) {
    %c0_i32 = arith.constant 0 : i32
    %c0_i32_0 = arith.constant 0 : i32
    %c0_i32_1 = arith.constant 0 : i32
    return %c0_i32, %c0_i32_0 : i32, i32
  }
  func.func @transform_5(%arg0: i32) -> (i32, i32) {
    %c0_i32 = arith.constant 0 : i32
    %c0_i32_0 = arith.constant 0 : i32
    return %arg0, %c0_i32 : i32, i32
  }
}

module attributes {stable_mosaic.version = 14 : i64} {
  func.func @_tc_pool_body(%arg0: i32, %arg1: memref<2x1000x128xf32, #tpu.memory_space<vmem>>, %arg2: memref<1000x128xf32, #tpu.memory_space<vmem>>, %arg3: memref<1000x1xf32, #tpu.memory_space<vmem>>, %arg4: memref<1x128xf32, #tpu.memory_space<vmem>>, %arg5: memref<1x1x1000xi32, #tpu.memory_space<vmem>>, %arg6: memref<64x128xf32, #tpu.memory_space<vmem>>, %arg7: memref<64x128xf32, #tpu.memory_space<vmem>>) attributes {dimension_semantics = [#tpu.dimension_semantics<arbitrary>], iteration_bounds = array<i64: 10>, scalar_prefetch = 0 : i64, scratch_operands = 0 : i64, tpu.core_type = #tpu.core_type<tc>, window_params = [{transform_indices = @transform_0, window_bounds = array<i64: 2, 1000, 128>}, {transform_indices = @transform_1, window_bounds = array<i64: 1000, 128>}, {transform_indices = @transform_2, window_bounds = array<i64: 1000, 1>}, {pipeline_mode = #tpu.pipeline_mode<synchronous>, transform_indices = @transform_3, window_bounds = array<i64: 1, 128>}, {transform_indices = @transform_4, window_bounds = array<i64: 1, 1, 1000>}, {pipeline_mode = #tpu.pipeline_mode<synchronous>, transform_indices = @transform_5, window_bounds = array<i64: 64, 128>}, {pipeline_mode = #tpu.pipeline_mode<synchronous>, transform_indices = @transform_6, window_bounds = array<i64: 64, 128>}]} {
    %get3A = arith.constant 0 : index
    %get3A_0 = arith.constant 0 : index
    %get3A_1 = arith.constant 0 : index
    %get3A_2 = vector.load %arg1[%get3A, %get3A_0, %get3A_1] : memref<2x1000x128xf32, #tpu.memory_space<vmem>>, vector<2x1000x128xf32>
    %slice3A = vector.extract_strided_slice %get3A_2 {offsets = [0, 0, 0], sizes = [1, 1000, 128], strides = [1, 1, 1]} : vector<2x1000x128xf32> to vector<1x1000x128xf32>
    %squeeze3A = vector.shape_cast %slice3A : vector<1x1000x128xf32> to vector<1000x128xf32>
    %slice3A_3 = vector.extract_strided_slice %get3A_2 {offsets = [1, 0, 0], sizes = [1, 1000, 128], strides = [1, 1, 1]} : vector<2x1000x128xf32> to vector<1x1000x128xf32>
    %squeeze3A_4 = vector.shape_cast %slice3A_3 : vector<1x1000x128xf32> to vector<1000x128xf32>
    %add3A = arith.addf %squeeze3A, %squeeze3A_4 : vector<1000x128xf32>
    %get3A_5 = arith.constant 0 : index
    %get3A_6 = arith.constant 0 : index
    %get3A_7 = vector.load %arg2[%get3A_5, %get3A_6] : memref<1000x128xf32, #tpu.memory_space<vmem>>, vector<1000x128xf32>
    %add3A_8 = arith.addf %add3A, %get3A_7 : vector<1000x128xf32>
    %get3A_9 = arith.constant 0 : index
    %get3A_10 = arith.constant 0 : index
    %get3A_11 = vector.load %arg3[%get3A_9, %get3A_10] : memref<1000x1xf32, #tpu.memory_space<vmem>>, vector<1000x1xf32>
    %mul3A = vector.broadcast %get3A_11 : vector<1000x1xf32> to vector<1000x128xf32>
    %mul3A_12 = arith.mulf %add3A_8, %mul3A : vector<1000x128xf32>
    %get3A_13 = arith.constant 0 : index
    %get3A_14 = arith.constant 0 : index
    %get3A_15 = vector.load %arg4[%get3A_13, %get3A_14] : memref<1x128xf32, #tpu.memory_space<vmem>>, vector<1x128xf32>
    %add3A_16 = vector.broadcast %get3A_15 : vector<1x128xf32> to vector<1000x128xf32>
    %add3A_17 = arith.addf %mul3A_12, %add3A_16 : vector<1000x128xf32>
    %max3A = arith.constant 0.000000e+00 : f32
    %max3A_18 = vector.broadcast %max3A : f32 to vector<1000x128xf32>
    %max3A_19 = arith.maximumf %add3A_17, %max3A_18 : vector<1000x128xf32>
    %get3A_20 = arith.constant 0 : index
    %get3A_21 = arith.constant 0 : index
    %get3A_22 = arith.constant 0 : index
    %get3A_23 = vector.load %arg5[%get3A_20, %get3A_21, %get3A_22] : memref<1x1x1000xi32, #tpu.memory_space<vmem>>, vector<1x1x1000xi32>
    %get3A_24 = vector.shape_cast %get3A_23 : vector<1x1x1000xi32> to vector<1x1000xi32>
    %iota3A = tpu.iota {dimensions = array<i32: 0>} : vector<64x1000xi32>
    %eq3A = vector.broadcast %get3A_24 : vector<1x1000xi32> to vector<64x1000xi32>
    %eq3A_25 = arith.cmpi eq, %iota3A, %eq3A : vector<64x1000xi32>
    %convert_element_type3A = arith.extui %eq3A_25 : vector<64x1000xi1> to vector<64x1000xi32>
    %convert_element_type3A_26 = arith.sitofp %convert_element_type3A : vector<64x1000xi32> to vector<64x1000xf32>
    %dot_general3A = arith.constant dense<0.000000e+00> : vector<64x128xf32>
    %dot_general3A_27 = tpu.matmul %convert_element_type3A_26, %max3A_19, %dot_general3A {dimension_numbers = #tpu.dot_dimension_numbers<[1], [0], [0], [1], [0, 0, 1, 1], [], []>, transpose_lhs_hint = false} : vector<64x1000xf32>, vector<1000x128xf32>, vector<64x128xf32> -> vector<64x128xf32>
    %reduce_sum3A = arith.constant dense<0.000000e+00> : vector<64xf32>
    %reduce_sum3A_28 = vector.multi_reduction <add>, %convert_element_type3A_26, %reduce_sum3A [1] : vector<64x1000xf32> to vector<64xf32>
    %broadcast_in_dim3A = vector.shape_cast %reduce_sum3A_28 : vector<64xf32> to vector<64x1xf32>
    %broadcast_in_dim3A_29 = vector.shape_cast %broadcast_in_dim3A : vector<64x1xf32> to vector<64x1xf32>
    %broadcast_in_dim3A_30 = vector.broadcast %broadcast_in_dim3A_29 : vector<64x1xf32> to vector<64x128xf32>
    %eq3A_31 = arith.constant 0 : i32
    %eq3A_32 = arith.cmpi eq, %arg0, %eq3A_31 : i32
    %convert_element_type3A_33 = arith.extui %eq3A_32 : i1 to i32
    %cond3A = arith.constant 0 : i32
    %cond3A_34 = arith.cmpi ne, %convert_element_type3A_33, %cond3A : i32
    scf.if %cond3A_34 {
      %swap3A = arith.constant 0 : index
      %swap3A_39 = arith.constant 0 : index
      %swap3A_40 = vector.load %arg6[%swap3A, %swap3A_39] : memref<64x128xf32, #tpu.memory_space<vmem>>, vector<64x128xf32>
      tpu.vector_store %arg6[%swap3A, %swap3A_39], %dot_general3A_27 {strides = array<i32>} : memref<64x128xf32, #tpu.memory_space<vmem>>, vector<64x128xf32>,
      %swap3A_41 = arith.constant 0 : index
      %swap3A_42 = arith.constant 0 : index
      %swap3A_43 = vector.load %arg7[%swap3A_41, %swap3A_42] : memref<64x128xf32, #tpu.memory_space<vmem>>, vector<64x128xf32>
      tpu.vector_store %arg7[%swap3A_41, %swap3A_42], %broadcast_in_dim3A_30 {strides = array<i32>} : memref<64x128xf32, #tpu.memory_space<vmem>>, vector<64x128xf32>,
    } else {
    }
    %ne3A = arith.constant 0 : i32
    %ne3A_35 = arith.cmpi ne, %arg0, %ne3A : i32
    %convert_element_type3A_36 = arith.extui %ne3A_35 : i1 to i32
    %cond3A_37 = arith.constant 0 : i32
    %cond3A_38 = arith.cmpi ne, %convert_element_type3A_36, %cond3A_37 : i32
    scf.if %cond3A_38 {
      %get3A_39 = arith.constant 0 : index
      %get3A_40 = arith.constant 0 : index
      %get3A_41 = vector.load %arg6[%get3A_39, %get3A_40] : memref<64x128xf32, #tpu.memory_space<vmem>>, vector<64x128xf32>
      %add3A_42 = arith.addf %get3A_41, %dot_general3A_27 : vector<64x128xf32>
      %swap3A = arith.constant 0 : index
      %swap3A_43 = arith.constant 0 : index
      %swap3A_44 = vector.load %arg6[%swap3A, %swap3A_43] : memref<64x128xf32, #tpu.memory_space<vmem>>, vector<64x128xf32>
      tpu.vector_store %arg6[%swap3A, %swap3A_43], %add3A_42 {strides = array<i32>} : memref<64x128xf32, #tpu.memory_space<vmem>>, vector<64x128xf32>,
      %get3A_45 = arith.constant 0 : index
      %get3A_46 = arith.constant 0 : index
      %get3A_47 = vector.load %arg7[%get3A_45, %get3A_46] : memref<64x128xf32, #tpu.memory_space<vmem>>, vector<64x128xf32>
      %add3A_48 = arith.addf %get3A_47, %broadcast_in_dim3A_30 : vector<64x128xf32>
      %swap3A_49 = arith.constant 0 : index
      %swap3A_50 = arith.constant 0 : index
      %swap3A_51 = vector.load %arg7[%swap3A_49, %swap3A_50] : memref<64x128xf32, #tpu.memory_space<vmem>>, vector<64x128xf32>
      tpu.vector_store %arg7[%swap3A_49, %swap3A_50], %add3A_48 {strides = array<i32>} : memref<64x128xf32, #tpu.memory_space<vmem>>, vector<64x128xf32>,
    } else {
    }
    return
  }
  func.func @transform_0(%arg0: i32) -> (i32, i32, i32) {
    %c0_i32 = arith.constant 0 : i32
    %c0_i32_0 = arith.constant 0 : i32
    %c0_i32_1 = arith.constant 0 : i32
    return %c0_i32, %arg0, %c0_i32_0 : i32, i32, i32
  }
  func.func @transform_1(%arg0: i32) -> (i32, i32) {
    %c0_i32 = arith.constant 0 : i32
    %c0_i32_0 = arith.constant 0 : i32
    return %arg0, %c0_i32 : i32, i32
  }
  func.func @transform_2(%arg0: i32) -> (i32, i32) {
    %c0_i32 = arith.constant 0 : i32
    %c0_i32_0 = arith.constant 0 : i32
    return %arg0, %c0_i32 : i32, i32
  }
  func.func @transform_3(%arg0: i32) -> (i32, i32) {
    %c0_i32 = arith.constant 0 : i32
    %c0_i32_0 = arith.constant 0 : i32
    %c0_i32_1 = arith.constant 0 : i32
    return %c0_i32, %c0_i32_0 : i32, i32
  }
  func.func @transform_4(%arg0: i32) -> (i32, i32, i32) {
    %c0_i32 = arith.constant 0 : i32
    %c0_i32_0 = arith.constant 0 : i32
    %c0_i32_1 = arith.constant 0 : i32
    return %arg0, %c0_i32, %c0_i32_0 : i32, i32, i32
  }
  func.func @transform_5(%arg0: i32) -> (i32, i32) {
    %c0_i32 = arith.constant 0 : i32
    %c0_i32_0 = arith.constant 0 : i32
    %c0_i32_1 = arith.constant 0 : i32
    return %c0_i32, %c0_i32_0 : i32, i32
  }
  func.func @transform_6(%arg0: i32) -> (i32, i32) {
    %c0_i32 = arith.constant 0 : i32
    %c0_i32_0 = arith.constant 0 : i32
    %c0_i32_1 = arith.constant 0 : i32
    return %c0_i32, %c0_i32_0 : i32, i32
  }
}

module attributes {stable_mosaic.version = 14 : i64} {
  func.func @_tc_out_body(%arg0: i32, %arg1: memref<64x128xf32, #tpu.memory_space<vmem>>, %arg2: memref<64x128xf32, #tpu.memory_space<vmem>>, %arg3: memref<128x128xf32, #tpu.memory_space<vmem>>, %arg4: memref<1x128xf32, #tpu.memory_space<vmem>>, %arg5: memref<64x128xf32, #tpu.memory_space<vmem>>) attributes {dimension_semantics = [#tpu.dimension_semantics<arbitrary>], iteration_bounds = array<i64: 1>, scalar_prefetch = 0 : i64, scratch_operands = 0 : i64, tpu.core_type = #tpu.core_type<tc>, window_params = [{pipeline_mode = #tpu.pipeline_mode<synchronous>, transform_indices = @transform_0, window_bounds = array<i64: 64, 128>}, {pipeline_mode = #tpu.pipeline_mode<synchronous>, transform_indices = @transform_1, window_bounds = array<i64: 64, 128>}, {pipeline_mode = #tpu.pipeline_mode<synchronous>, transform_indices = @transform_2, window_bounds = array<i64: 128, 128>}, {pipeline_mode = #tpu.pipeline_mode<synchronous>, transform_indices = @transform_3, window_bounds = array<i64: 1, 128>}, {pipeline_mode = #tpu.pipeline_mode<synchronous>, transform_indices = @transform_4, window_bounds = array<i64: 64, 128>}]} {
    %get3A = arith.constant 0 : index
    %get3A_0 = arith.constant 0 : index
    %get3A_1 = vector.load %arg1[%get3A, %get3A_0] : memref<64x128xf32, #tpu.memory_space<vmem>>, vector<64x128xf32>
    %get3A_2 = arith.constant 0 : index
    %get3A_3 = arith.constant 0 : index
    %get3A_4 = vector.load %arg2[%get3A_2, %get3A_3] : memref<64x128xf32, #tpu.memory_space<vmem>>, vector<64x128xf32>
    %max3A = arith.constant 1.000000e+00 : f32
    %max3A_5 = vector.broadcast %max3A : f32 to vector<64x128xf32>
    %max3A_6 = arith.maximumf %get3A_4, %max3A_5 : vector<64x128xf32>
    %div3A = arith.divf %get3A_1, %max3A_6 : vector<64x128xf32>
    %get3A_7 = arith.constant 0 : index
    %get3A_8 = arith.constant 0 : index
    %get3A_9 = vector.load %arg3[%get3A_7, %get3A_8] : memref<128x128xf32, #tpu.memory_space<vmem>>, vector<128x128xf32>
    %dot_general3A = arith.constant dense<0.000000e+00> : vector<64x128xf32>
    %dot_general3A_10 = tpu.matmul %div3A, %get3A_9, %dot_general3A {dimension_numbers = #tpu.dot_dimension_numbers<[1], [0], [0], [1], [0, 0, 1, 1], [], []>, transpose_lhs_hint = false} : vector<64x128xf32>, vector<128x128xf32>, vector<64x128xf32> -> vector<64x128xf32>
    %get3A_11 = arith.constant 0 : index
    %get3A_12 = arith.constant 0 : index
    %get3A_13 = vector.load %arg4[%get3A_11, %get3A_12] : memref<1x128xf32, #tpu.memory_space<vmem>>, vector<1x128xf32>
    %add3A = vector.broadcast %get3A_13 : vector<1x128xf32> to vector<64x128xf32>
    %add3A_14 = arith.addf %dot_general3A_10, %add3A : vector<64x128xf32>
    %swap3A = arith.constant 0 : index
    %swap3A_15 = arith.constant 0 : index
    %swap3A_16 = vector.load %arg5[%swap3A, %swap3A_15] : memref<64x128xf32, #tpu.memory_space<vmem>>, vector<64x128xf32>
    tpu.vector_store %arg5[%swap3A, %swap3A_15], %add3A_14 {strides = array<i32>} : memref<64x128xf32, #tpu.memory_space<vmem>>, vector<64x128xf32>,
    return
  }
  func.func @transform_0(%arg0: i32) -> (i32, i32) {
    %c0_i32 = arith.constant 0 : i32
    %c0_i32_0 = arith.constant 0 : i32
    %c0_i32_1 = arith.constant 0 : i32
    return %c0_i32, %c0_i32_0 : i32, i32
  }
  func.func @transform_1(%arg0: i32) -> (i32, i32) {
    %c0_i32 = arith.constant 0 : i32
    %c0_i32_0 = arith.constant 0 : i32
    %c0_i32_1 = arith.constant 0 : i32
    return %c0_i32, %c0_i32_0 : i32, i32
  }
  func.func @transform_2(%arg0: i32) -> (i32, i32) {
    %c0_i32 = arith.constant 0 : i32
    %c0_i32_0 = arith.constant 0 : i32
    %c0_i32_1 = arith.constant 0 : i32
    return %c0_i32, %c0_i32_0 : i32, i32
  }
  func.func @transform_3(%arg0: i32) -> (i32, i32) {
    %c0_i32 = arith.constant 0 : i32
    %c0_i32_0 = arith.constant 0 : i32
    %c0_i32_1 = arith.constant 0 : i32
    return %c0_i32, %c0_i32_0 : i32, i32
  }
  func.func @transform_4(%arg0: i32) -> (i32, i32) {
    %c0_i32 = arith.constant 0 : i32
    %c0_i32_0 = arith.constant 0 : i32
    %c0_i32_1 = arith.constant 0 : i32
    return %c0_i32, %c0_i32_0 : i32, i32
  }
}

</mosaic_0001>

<sc_bundles>
// kernel: kernel.11.cloned.1.call-start
scs
__scs_entry_jumppad:
0x0: {  	(pc) =	sbr.rel $0x88, $3  }
0x1: {  	(tag) =	ssettag $0x0;
	lr =	simm.s32 $0x1  }
0x2: {  	[smem:$0x3F93] =	sst lr;
	_ =	strace $0xD0000000  }
0x3: {  	_ = 	snop  }
0x4: {  	_ = 	snop  }
0x5: {  	_ = 	snop  }
0x6: {  	_ = 	snop  }
0x7: {  	_ = 	snop  }
__scs_overlays_trampoline_lowered:
0x8: {  	[smem:$0x3FA2] =	sst s0  }
0x9: {  	[smem:$0x3FA3] =	sst s1  }
0xa: {  	[smem:$0x3FA4] =	sst s2  }
0xb: {  	[smem:$0x3FA5] =	sst s3  }
0xc: {  	[smem:$0x3FA6] =	sst s4  }
0xd: {  	[smem:$0x3FA7] =	sst s5  }
0xe: {  	[smem:$0x3FA8] =	sst s6  }
0xf: {  	[smem:$0x3FA9] =	sst s7  }
0x10: {  	[smem:$0x3FAA] =	sst s8  }
0x11: {  	[smem:$0x3FAB] =	sst s9;
	s0 =	simm.s32 @!p0 $0x0  }
0x12: {  	s1 =	sld [smem:$0x3F91];
	s0 =	simm.s32 @p0 $0x1  }
0x13: {  	[smem:$0x3FAC] =	sst s0;
	s0 =	simm.s32 @!p1 $0x0  }
0x14: {  	s2 =	sld [smem:$0x3F90];
	s0 =	simm.s32 @p1 $0x1  }
0x15: {  	[smem:$0x3FAD] =	sst s0;
	s0 =	simm.s32 @!p2 $0x0  }
0x16: {  	s3 =	sld [smem:$0x3FDB];
	s0 =	simm.s32 @p2 $0x1  }
0x17: {  	s4 =	simm.s32 $0x1BF5;
	[smem:$0x3FAF] =	sst s0  }
0x18: {  	s0 =	sld [smem:$0x3F92];
	_ =	swait.ge [sflag:s4], $0x0  }
0x19: {  	s7 =	sld [smem:$0x3F93]  }
0x1a: {  	s8 =	sadd.s32 $0xFFFFE003, lr  }
0x1b: {  	s9 =	sadd.s32 $0xFFFFFEF7, lr;
	s5 =	simm.s32 $0xFFFFFFFF;
	p2 =	slt.u32 s8, $0xFFFFF086  }
0x1c: {  	p1 =	slt.u32 s9, $0xF7A;
	s5 =	simm.s32 @!p2 $0x0  }
0x1d: {  	s5 =	simm.s32 @p1 $0x1;
	p0 =	seq.s32 s7, s2  }
0x1e: {  	s7 =	smul.u32 @!p0 $0xF7A, s2;
	p2 =	seq.s32 @!p0 s5, $0x0  }
0x1f: {  	s9 =	smul.u32 $0xF7A, s1;
	s8 =	simm.s32 @!p0 $0x1BF5;
	p2 =	por !p2, p0  }
0x20: {  	[sflag:s8] =	ssyncset.s32 @!p0 $0xFFFFF086;
	s6 =	sadd.s32 @!p0 s3, s7;
	s7 =	simm.s32 @!p0 $0x108  }
0x21: {  	s3 =	sadd.s32 s3, s9;
	s6 =	sadd.s32 @!p0 $0x88, s6;
	s7 =	simm.s32 @p2 $0x1082  }
0x22: {  	[simem:s7], [sflag:s8] =	dma.local @!p0 [hbm:s6], $0xF7A  }
0x23: {  	s9 =	sor.u32 $0xD0000000, s2;
	s6 =	simm.s32 $0x108;
	_ =	swait.ge @!p0 [sflag:s8], $0x0  }
0x24: {  	s3 =	sadd.s32 $0x88, s3;
	s6 =	simm.s32 @!p1 $0x1082;
	[sflag:s4] =	ssyncset.s32 $0xFFFFF086  }
0x25: {  	[simem:s6], [sflag:s4] =	dma.local [hbm:s3], $0xF7A  }
0x26: {  	[smem:$0x3F93] =	sst s1;
	(tag) =	ssettag s2;
	_ =	strace s9  }
0x27: {  	s1 =	sld [smem:$0x3FA3]  }
0x28: {  	s2 =	sld [smem:$0x3FA4]  }
0x29: {  	s4 =	sld [smem:$0x3FA6]  }
0x2a: {  	p0 =	seq.s32 s5, $0x0;
	s5 =	sld [smem:$0x3FA7]  }
0x2b: {  	s6 =	sld [smem:$0x3FA8]  }
0x2c: {  	s7 =	sld [smem:$0x3FA9]  }
0x2d: {  	s3 =	simm.s32 $0x108;
	s8 =	sld [smem:$0x3FAA]  }
0x2e: {  	s3 =	simm.s32 @!p0 $0x1082;
	s9 =	sld [smem:$0x3FAB]  }
0x2f: {  	lr =	sadd.s32 s0, s3;
	s0 =	sld [smem:$0x3FA2]  }
0x30: {  	s3 =	sld [smem:$0x3FA5]  }
0x31: {  	[smem:$0x3FAE] =	sst s10  }
0x32: {  	s10 =	sld [smem:$0x3FAC];
	_ =	sdelay $0x3  }
0x33: {  	p0 =	seq.s32 s10, $0x1;
	s10 =	sld [smem:$0x3FAE];
	_ =	sdelay $0x3  }
0x34: {  	[smem:$0x3FAE] =	sst s10  }
0x35: {  	s10 =	sld [smem:$0x3FAD];
	_ =	sdelay $0x3  }
0x36: {  	p1 =	seq.s32 s10, $0x1;
	s10 =	sld [smem:$0x3FAE];
	_ =	sdelay $0x3  }
0x37: {  	[smem:$0x3FAE] =	sst s10  }
0x38: {  	s10 =	sld [smem:$0x3FAF]  }
0x39: {  	_ = 	snop;
	(pc) =	sbr.ind lr, $3  }
0x3a: {  	_ = 	snop  }
0x3b: {  	_ = 	snop  }
0x3c: {  	p2 =	seq.s32 s10, $0x1;
	s10 =	sld [smem:$0x3FAE]  }
0x3d: {  	_ =	shalt  }
0x3e: {  	_ =	shalt  }
0x3f: {  	_ =	shalt  }
0x40: {  	_ =	shalt  }
0x41: {  	_ =	shalt  }
0x42: {  	_ =	shalt  }
0x43: {  	_ =	shalt  }
0x44: {  	_ =	shalt  }
0x45: {  	_ =	shalt  }
0x46: {  	_ =	shalt  }
0x47: {  	_ =	shalt  }
0x48: {  	_ =	shalt  }
0x49: {  	_ =	shalt  }
0x4a: {  	_ =	shalt  }
0x4b: {  	_ =	shalt  }
0x4c: {  	_ =	shalt  }
0x4d: {  	_ =	shalt  }
0x4e: {  	_ =	shalt  }
0x4f: {  	_ =	shalt  }
0x50: {  	_ =	shalt  }
0x51: {  	_ =	shalt  }
0x52: {  	_ =	shalt  }
0x53: {  	_ =	shalt  }
0x54: {  	_ =	shalt  }
0x55: {  	_ =	shalt  }
0x56: {  	_ =	shalt  }
0x57: {  	_ =	shalt  }
0x58: {  	_ =	shalt  }
0x59: {  	_ =	shalt  }
0x5a: {  	_ =	shalt  }
0x5b: {  	_ =	shalt  }
0x5c: {  	_ =	shalt  }
0x5d: {  	_ =	shalt  }
0x5e: {  	_ =	shalt  }
0x5f: {  	_ =	shalt  }
0x60: {  	_ =	shalt  }
0x61: {  	_ =	shalt  }
0x62: {  	_ =	shalt  }
0x63: {  	_ =	shalt  }
0x64: {  	_ =	shalt  }
0x65: {  	_ =	shalt  }
0x66: {  	_ =	shalt  }
0x67: {  	_ =	shalt  }
0x68: {  	_ =	shalt  }
0x69: {  	_ =	shalt  }
0x6a: {  	_ =	shalt  }
0x6b: {  	_ =	shalt  }
0x6c: {  	_ =	shalt  }
0x6d: {  	_ =	shalt  }
0x6e: {  	_ =	shalt  }
0x6f: {  	_ =	shalt  }
0x70: {  	_ =	shalt  }
0x71: {  	_ =	shalt  }
0x72: {  	_ =	shalt  }
0x73: {  	_ =	shalt  }
0x74: {  	_ =	shalt  }
0x75: {  	_ =	shalt  }
0x76: {  	_ =	shalt  }
0x77: {  	_ =	shalt  }
0x78: {  	_ =	shalt  }
0x79: {  	_ =	shalt  }
0x7a: {  	_ =	shalt  }
0x7b: {  	_ =	shalt  }
0x7c: {  	_ =	shalt  }
0x7d: {  	_ =	shalt  }
0x7e: {  	_ =	shalt  }
0x7f: {  	_ =	shalt  }
0x80: {  	_ =	shalt  }
0x81: {  	_ =	shalt  }
0x82: {  	_ =	shalt  }
0x83: {  	_ =	shalt  }
0x84: {  	_ =	shalt  }
0x85: {  	_ =	shalt  }
0x86: {  	_ =	shalt  }
0x87: {  	_ =	shalt  }
.Lfunc_end0:
.L_simem_size_0:
called_computation_lowered:
.L_overlay_start_0:
0x88: {  	s2 =	sld [smem:$0x3FD9]  }
0x89: {  	s3 =	sld [smem:$0x3FFE];
	_ =	sdelay $0x1  }
0x8a: {  	s1 =	srdreg.scid  }
0x8b: {  	s0 =	sand.u32 $0x1, s1  }
0x8c: {  	s16 =	sshll.u32 s0, $0xA;
	s2 =	sadd.s32 s3, s2  }
0x8d: {  	s2 =	sadd.s32 s2, s16  }
0x8e: {  	[smem:$0x3FBA] =	sst s2  }
0x8f: {  	_ = 	snop  }
0x90: {  	(tm) =	ssettm $0x1  }
0x91: {  	s17 =	sld [smem:$0x3FFB];
	_ =	sdelay $0x3  }
0x92: {  	_ =	strace s17  }
0x93: {  	s2 =	sld [smem:$0x3FFC];
	_ =	sdelay $0x3  }
0x94: {  	_ =	strace s2  }
0x95: {  	s2 =	sld [smem:$0x3FFD];
	_ =	sdelay $0x3  }
0x96: {  	_ =	strace s2  }
0x97: {  	_ =	strace $0x8FFFFFFF  }
0x98: {  	s18 =	sld [smem:$0x3FDB];
	_ =	sdelay $0x1  }
0x99: {  	s19 =	simm.s32 $_scs_section_size  }
0x9a: {  	s4 =	simm.s32 $_size__tile_overlayer_lowered;
	s5 =	simm.s32 $_tile_overlayer_lowered  }
0x9b: {  	s22 =	simm.s32 $0x1BFF;
	s21 =	sshll.u32 s5, $0x1;
	s2 =	sadd.s32 s19, s18  }
0x9c: {  	s6 =	simm.s32 $0x0;
	s20 =	sshll.u32 s4, $0x1;
	s4 =	sadd.s32 s21, s2  }
0x9d: {  	[timem:s6], [sflag:s22] =	dma.local [hbm:s4], s20  }
0x9e: {  	_ =	swait.ge [sflag:s22], s20  }
0x9f: {  	s3 =	ssub.s32 $0x0, s20;
	[sflag:s22] =	ssyncset.done $0x0  }
0xa0: {  	[sflag:s22] =	ssyncadd.s32 s3;
	_ =	sdelay $0x1  }
0xa1: {  	s23 =	simm.s32 $0x1B8B  }
0xa2: {  	_ =	swait.ge [sflag:s23], $0x1  }
0xa3: {  	[sflag:s23] =	ssyncset.done $0x0  }
0xa4: {  	s25 =	simm.s32 $0x1B8E;
	s24 =	sld [smem:$0x3FFE];
	[sflag:s23] =	ssyncadd.s32 $0xFFFFFFFF  }
0xa5: {  	s26 =	simm.s32 $execute0_lowered;
	[smem:$0x3FD2] =	sst s25  }
0xa6: {  	s4 =	sshll.u32 s26, $0x1;
	_ =	strace $0x80000046;
	[dreg:$0x1] =	wrdreg $0xFFFFFFFF  }
0xa7: {  	s28 =	simm.s32 $_size_execute0_lowered;
	s2 =	sadd.s32 s2, s4;
	[dreg:$0x0] =	wrdreg $0x0  }
0xa8: {  	s4 =	sshll.u32 s28, $0x1;
	[dreg:$0x2] =	wrdreg s2  }
0xa9: {  	[dreg:$0x3] =	wrdreg s4  }
0xaa: {  	[dreg:$0x4] =	wrdreg $0xC0  }
0xab: {  	_ =	task [dreg:s6], $0x5FFFF  }
0xac: {  	[dreg:$0x1] =	wrdreg $0xFFFFFFFF  }
0xad: {  	[dreg:$0x0] =	wrdreg $0x60  }
0xae: {  	[dreg:$0x2] =	wrdreg s24  }
0xaf: {  	[dreg:$0x3] =	wrdreg $0x68000  }
0xb0: {  	[dreg:$0x4] =	wrdreg $0x9  }
0xb1: {  	_ =	task.clear_ibuf [dreg:s6], $0x5FFFF;
	_ =	strace $0x90000046  }
0xb2: {  	s29 =	simm.s32 $0x9;
	_ =	strace $0x80000048  }
0xb3: {  	_ =	swait.ge [sflag:s29], $0x1  }
0xb4: {  	[sflag:s29] =	ssyncadd.s32 $0xFFFFFFFF  }
0xb5: {  	_ =	strace $0x90000048  }
0xb6: {  	_ =	sfence  }
0xb7: {  	s30 =	sld [smem:$0x0];
	_ =	sdelay $0x2  }
0xb8: {  	s31 =	sshll.u32 s1, $0xD;
	s1 =	sshrl.u32 s1, $0x2  }
0xb9: {  	s3 =	sand.u32 $0x4000, s31;
	s1 =	sadd.s32 s1, s30  }
0xba: {  	s0 =	sor.u32 s3, s0;
	s1 =	sshll.u32 s1, $0x11  }
0xbb: {  	s0 =	sor.u32 s1, s0  }
0xbc: {  	s0 =	sadd.s32 $0x8F2B, s0  }
0xbd: {  	[sflag:s0] =	ssyncadd.remote.s32 $0x1  }
0xbe: {  	_ =	sfence.sel $0xFFFF  }
0xbf: {  	[dreg:$0x0] =	wrdreg $0xFFFFFFFF;
	(pc) =	sbr.abs _section_cstart, $3  }
0xc0: {  	[dreg:$0x1] =	wrdreg $0xFFFFFFFF  }
0xc1: {  	_ =	task.clear_ibuf [dreg:s6], $0x2FFFF;
	_ =	strace $0x9FFFFFFF  }
0xc2: {  	(tm) =	ssettm $0x7FFFFFFF  }
0xc3: {  	_ =	shalt  }
tec
execute0_lowered:
.L_overlay_start_1:
0x0: {  	(tag) =	ssettag $0x1  }
0x1: {  	s0 =	srdreg.scid;
	s5 =	rddreg [dreg:$0x0]  }
0x2: {  	s1 =	rddreg [dreg:$0x1];
	s7 =	stileid.u32;
	s2 =	simm.s32 $0x0  }
0x3: {  	s11 =	simm.s32 $0x80;
	s3 =	sand.u32 $0x1, s0;
	s0 =	rddreg [dreg:$0x2]  }
0x4: {  	s12 =	simm.s32 $0x0;
	[smem:$0x7FF] =	sst s2;
	p0 =	sne.s32 s7, $0x0  }
0x5: {  	s4 =	sshll.u32 s3, $0x4;
	_ =	strace $0x80000047;
	s6 =	smul.u32 $0x28000, s3  }
0x6: {  	s8 =	ssub.s32 $0x2, s3;
	s3 =	sadd.s32 $0x49600, s5;
	s4 =	sor.u32 s7, s4  }
0x7: {  	s10 =	sshrl.u32 s8, $0x1;
	s4 =	smul.u32 $0x500, s4;
	s6 =	sadd.s32 s6, s5  }
0x8: {  	s8 =	ssub.s32 s8, s10;
	s10 =	simm.s32 $0x2800;
	s6 =	sadd.s32 $0x49E00, s6  }
0x9: {  	s7 =	smax.u32 s8, $0x1;
	s8 =	sshrl.u32 @!p0 s1, $0x3;
	s9 =	sadd.s32 s4, s5  }
0xa: {  	s4 =	sadd.s32 $0x21600, s5;
	s5 =	sadd.s32 $0x17600, s9;
	s9 =	simm.s32 $0x1  }
.LBB2_1:
0xb: {  	s13 =	simm.s32 @!p0 $0x1C01  }
0xc: {  	[spmem:s8], [sflag:s13] =	dma.local @!p0 [hbm:s4], $0x28000  }
0xd: {  	s13 =	simm.s32 @!p0 $0x1  }
0xe: {  	_ =	swait.ge @!p0 [sflag:s13], $0x28000  }
0xf: {  	[sflag:s13] =	ssyncset.done @!p0 $0x0  }
0x10: {  	[sflag:s13] =	ssyncadd.s32 @!p0 $0xFFFD8000  }
0x11: {  	[tilespmem:s2], [sflag:$0x1] =	stream.linear.gather [hbm4b:s5+s2], $0x2800, $0x38;
	[tilespmem:$0x1A800] =	vst v63  }
0x12: {  	_ =	swait.ge [sflag:s9], $0x2800  }
0x13: {  	[sflag:s9] =	ssyncset.done $0x0  }
0x14: {  	[sflag:s9] =	ssyncadd.s32 $0xFFFFD800  }
0x15: {  	[tilespmem:s10], [sflag:$0x1] =	stream.linear.gather [hbm4b:s3+s2], $0x4000, $0x38;
	[tilespmem:$0x1A800] =	vst v63  }
0x16: {  	_ =	swait.ge [sflag:s9], $0x4000  }
0x17: {  	[sflag:s9] =	ssyncset.done $0x0  }
0x18: {  	[sflag:s9] =	ssyncadd.s32 $0xFFFFC000  }
0x19: {  	s31 =	simm.s32 $0x0;
	[bflag:$0x0] =	sbarrier.arrive $0xFFFF  }
0x1a: {  	[spmem:s1] =	stream.indirect.scatter.add.f32 [tilespmem:s10], [sflag:$0x1], $0x80, s31, s11, $0xb8;
	[tilespmem:$0x1A800] =	vst v63  }
0x1b: {  	_ =	swait.ge [sflag:s9], $0x4000  }
0x1c: {  	s13 =	simm.s32 $0x200;
	[sflag:s9] =	ssyncset.done $0x0  }
.LBB2_2:
0x1d: {  	s14 =	sshra.s32 s13, $0x2;
	[sflag:s9] =	ssyncadd.s32 $0xFFFFC000;
	p1 =	sne.s32 s13, $0x9E00  }
0x1e: {  	[spmem:s1] =	stream.indirect.scatter.add.f32 [tilespmem:s10], [sflag:$0x1], $0x80, s14, s11, $0xb8;
	[tilespmem:$0x1A800] =	vst v63  }
.Ltmp0:
0x1f: {  	_ = 	snop;
	(pc) =	sbr.rel @p1 .LBB2_2-.Ltmp0, $4  }
0x20: {  	_ = 	snop  }
0x21: {  	s13 =	sadd.s32 $0x200, s13  }
0x22: {  	_ =	swait.ge [sflag:s9], $0x4000  }
0x23: {  	[sflag:s9] =	ssyncset.done $0x0  }
0x24: {  	[sflag:s9] =	ssyncadd.s32 $0xFFFFC000;
	s12 =	sadd.s32 $0x1, s12  }
0x25: {  	s13 =	simm.s32 @!p0 $0x1C01;
	[bflag:$0x0] =	sbarrier.arrive $0xFFFF;
	p1 =	sne.s32 s12, s7  }
0x26: {  	[hbm:s6], [sflag:s13] =	dma.local @!p0 [spmem:s8], $0x28000  }
.Ltmp1:
0x27: {  	_ = 	snop;
	(pc) =	sbr.rel @p1 .LBB2_1-.Ltmp1, $4  }
0x28: {  	s13 =	simm.s32 @!p0 $0x1  }
0x29: {  	_ =	swait.ge @!p0 [sflag:s13], $0x28000  }
0x2a: {  	[sflag:s13] =	ssyncset.done @!p0 $0x0  }
0x2b: {  	[sflag:s13] =	ssyncadd.s32 @!p0 $0xFFFD8000  }
0x2c: {  	_ =	sfence.sel $0x180000  }
0x2d: {  	[bflag:$0x0] =	sbarrier.arrive $0xFFFF  }
0x2e: {  	_ =	strace $0x90000047  }
0x2f: {  	s0 =	sadd.s32 @!p0 $0x100000, s0;
	[bflag:$0x2] =	sbarrier.arrive $0xFFFF  }
0x30: {  	[sflag:s0] =	ssyncadd.tile.s32 @!p0 $0x1;
	_ =	shalt  }
.Lfunc_end2:
_tile_overlayer_lowered:
.L_overlay_start_2:
0x31: {  	(tag) =	ssettag $0x2  }
0x32: {  	s0 =	rddreg [dreg:$0x0];
	s2 =	stileid.u32  }
0x33: {  	s1 =	rddreg [dreg:$0x1];
	p0 =	sne.s32 s2, $0x0  }
0x34: {  	s3 =	rddreg [dreg:$0x2];
	[bflag:$0x3] =	sbarrier.arrive $0xFFFF;
	s2 =	simm.s32 @!p0 $0x1C01  }
0x35: {  	[timem:s3], [sflag:s2] =	dma.local @!p0 [hbm:s0], s1  }
0x36: {  	s0 =	simm.s32 @!p0 $0x1  }
0x37: {  	_ =	swait.ge @!p0 [sflag:s0], s1  }
0x38: {  	s1 =	ssub.s32 @!p0 $0x0, s1;
	[sflag:s0] =	ssyncset.done @!p0 $0x0  }
0x39: {  	[sflag:s0] =	ssyncadd.s32 @!p0 s1  }
0x3a: {  	[bflag:$0x3] =	sbarrier.arrive $0xFFFF  }
0x3b: {  	_ =	shalt  }

// kernel: kernel.14.cloned.1.call-start
scs
__scs_entry_jumppad:
0x0: {  	(pc) =	sbr.rel $0x88, $3  }
0x1: {  	(tag) =	ssettag $0x0;
	lr =	simm.s32 $0x1  }
0x2: {  	[smem:$0x3F93] =	sst lr;
	_ =	strace $0xD0000000  }
0x3: {  	_ = 	snop  }
0x4: {  	_ = 	snop  }
0x5: {  	_ = 	snop  }
0x6: {  	_ = 	snop  }
0x7: {  	_ = 	snop  }
__scs_overlays_trampoline_lowered:
0x8: {  	[smem:$0x3FA2] =	sst s0  }
0x9: {  	[smem:$0x3FA3] =	sst s1  }
0xa: {  	[smem:$0x3FA4] =	sst s2  }
0xb: {  	[smem:$0x3FA5] =	sst s3  }
0xc: {  	[smem:$0x3FA6] =	sst s4  }
0xd: {  	[smem:$0x3FA7] =	sst s5  }
0xe: {  	[smem:$0x3FA8] =	sst s6  }
0xf: {  	[smem:$0x3FA9] =	sst s7  }
0x10: {  	[smem:$0x3FAA] =	sst s8  }
0x11: {  	[smem:$0x3FAB] =	sst s9;
	s0 =	simm.s32 @!p0 $0x0  }
0x12: {  	s1 =	sld [smem:$0x3F91];
	s0 =	simm.s32 @p0 $0x1  }
0x13: {  	[smem:$0x3FAC] =	sst s0;
	s0 =	simm.s32 @!p1 $0x0  }
0x14: {  	s2 =	sld [smem:$0x3F90];
	s0 =	simm.s32 @p1 $0x1  }
0x15: {  	[smem:$0x3FAD] =	sst s0;
	s0 =	simm.s32 @!p2 $0x0  }
0x16: {  	s3 =	sld [smem:$0x3FDB];
	s0 =	simm.s32 @p2 $0x1  }
0x17: {  	s4 =	simm.s32 $0x1BF5;
	[smem:$0x3FAF] =	sst s0  }
0x18: {  	s0 =	sld [smem:$0x3F92];
	_ =	swait.ge [sflag:s4], $0x0  }
0x19: {  	s7 =	sld [smem:$0x3F93]  }
0x1a: {  	s8 =	sadd.s32 $0xFFFFE003, lr  }
0x1b: {  	s9 =	sadd.s32 $0xFFFFFEF7, lr;
	s5 =	simm.s32 $0xFFFFFFFF;
	p2 =	slt.u32 s8, $0xFFFFF086  }
0x1c: {  	p1 =	slt.u32 s9, $0xF7A;
	s5 =	simm.s32 @!p2 $0x0  }
0x1d: {  	s5 =	simm.s32 @p1 $0x1;
	p0 =	seq.s32 s7, s2  }
0x1e: {  	s7 =	smul.u32 @!p0 $0xF7A, s2;
	p2 =	seq.s32 @!p0 s5, $0x0  }
0x1f: {  	s9 =	smul.u32 $0xF7A, s1;
	s8 =	simm.s32 @!p0 $0x1BF5;
	p2 =	por !p2, p0  }
0x20: {  	[sflag:s8] =	ssyncset.s32 @!p0 $0xFFFFF086;
	s6 =	sadd.s32 @!p0 s3, s7;
	s7 =	simm.s32 @!p0 $0x108  }
0x21: {  	s3 =	sadd.s32 s3, s9;
	s6 =	sadd.s32 @!p0 $0x88, s6;
	s7 =	simm.s32 @p2 $0x1082  }
0x22: {  	[simem:s7], [sflag:s8] =	dma.local @!p0 [hbm:s6], $0xF7A  }
0x23: {  	s9 =	sor.u32 $0xD0000000, s2;
	s6 =	simm.s32 $0x108;
	_ =	swait.ge @!p0 [sflag:s8], $0x0  }
0x24: {  	s3 =	sadd.s32 $0x88, s3;
	s6 =	simm.s32 @!p1 $0x1082;
	[sflag:s4] =	ssyncset.s32 $0xFFFFF086  }
0x25: {  	[simem:s6], [sflag:s4] =	dma.local [hbm:s3], $0xF7A  }
0x26: {  	[smem:$0x3F93] =	sst s1;
	(tag) =	ssettag s2;
	_ =	strace s9  }
0x27: {  	s1 =	sld [smem:$0x3FA3]  }
0x28: {  	s2 =	sld [smem:$0x3FA4]  }
0x29: {  	s4 =	sld [smem:$0x3FA6]  }
0x2a: {  	p0 =	seq.s32 s5, $0x0;
	s5 =	sld [smem:$0x3FA7]  }
0x2b: {  	s6 =	sld [smem:$0x3FA8]  }
0x2c: {  	s7 =	sld [smem:$0x3FA9]  }
0x2d: {  	s3 =	simm.s32 $0x108;
	s8 =	sld [smem:$0x3FAA]  }
0x2e: {  	s3 =	simm.s32 @!p0 $0x1082;
	s9 =	sld [smem:$0x3FAB]  }
0x2f: {  	lr =	sadd.s32 s0, s3;
	s0 =	sld [smem:$0x3FA2]  }
0x30: {  	s3 =	sld [smem:$0x3FA5]  }
0x31: {  	[smem:$0x3FAE] =	sst s10  }
0x32: {  	s10 =	sld [smem:$0x3FAC];
	_ =	sdelay $0x3  }
0x33: {  	p0 =	seq.s32 s10, $0x1;
	s10 =	sld [smem:$0x3FAE];
	_ =	sdelay $0x3  }
0x34: {  	[smem:$0x3FAE] =	sst s10  }
0x35: {  	s10 =	sld [smem:$0x3FAD];
	_ =	sdelay $0x3  }
0x36: {  	p1 =	seq.s32 s10, $0x1;
	s10 =	sld [smem:$0x3FAE];
	_ =	sdelay $0x3  }
0x37: {  	[smem:$0x3FAE] =	sst s10  }
0x38: {  	s10 =	sld [smem:$0x3FAF]  }
0x39: {  	_ = 	snop;
	(pc) =	sbr.ind lr, $3  }
0x3a: {  	_ = 	snop  }
0x3b: {  	_ = 	snop  }
0x3c: {  	p2 =	seq.s32 s10, $0x1;
	s10 =	sld [smem:$0x3FAE]  }
0x3d: {  	_ =	shalt  }
0x3e: {  	_ =	shalt  }
0x3f: {  	_ =	shalt  }
0x40: {  	_ =	shalt  }
0x41: {  	_ =	shalt  }
0x42: {  	_ =	shalt  }
0x43: {  	_ =	shalt  }
0x44: {  	_ =	shalt  }
0x45: {  	_ =	shalt  }
0x46: {  	_ =	shalt  }
0x47: {  	_ =	shalt  }
0x48: {  	_ =	shalt  }
0x49: {  	_ =	shalt  }
0x4a: {  	_ =	shalt  }
0x4b: {  	_ =	shalt  }
0x4c: {  	_ =	shalt  }
0x4d: {  	_ =	shalt  }
0x4e: {  	_ =	shalt  }
0x4f: {  	_ =	shalt  }
0x50: {  	_ =	shalt  }
0x51: {  	_ =	shalt  }
0x52: {  	_ =	shalt  }
0x53: {  	_ =	shalt  }
0x54: {  	_ =	shalt  }
0x55: {  	_ =	shalt  }
0x56: {  	_ =	shalt  }
0x57: {  	_ =	shalt  }
0x58: {  	_ =	shalt  }
0x59: {  	_ =	shalt  }
0x5a: {  	_ =	shalt  }
0x5b: {  	_ =	shalt  }
0x5c: {  	_ =	shalt  }
0x5d: {  	_ =	shalt  }
0x5e: {  	_ =	shalt  }
0x5f: {  	_ =	shalt  }
0x60: {  	_ =	shalt  }
0x61: {  	_ =	shalt  }
0x62: {  	_ =	shalt  }
0x63: {  	_ =	shalt  }
0x64: {  	_ =	shalt  }
0x65: {  	_ =	shalt  }
0x66: {  	_ =	shalt  }
0x67: {  	_ =	shalt  }
0x68: {  	_ =	shalt  }
0x69: {  	_ =	shalt  }
0x6a: {  	_ =	shalt  }
0x6b: {  	_ =	shalt  }
0x6c: {  	_ =	shalt  }
0x6d: {  	_ =	shalt  }
0x6e: {  	_ =	shalt  }
0x6f: {  	_ =	shalt  }
0x70: {  	_ =	shalt  }
0x71: {  	_ =	shalt  }
0x72: {  	_ =	shalt  }
0x73: {  	_ =	shalt  }
0x74: {  	_ =	shalt  }
0x75: {  	_ =	shalt  }
0x76: {  	_ =	shalt  }
0x77: {  	_ =	shalt  }
0x78: {  	_ =	shalt  }
0x79: {  	_ =	shalt  }
0x7a: {  	_ =	shalt  }
0x7b: {  	_ =	shalt  }
0x7c: {  	_ =	shalt  }
0x7d: {  	_ =	shalt  }
0x7e: {  	_ =	shalt  }
0x7f: {  	_ =	shalt  }
0x80: {  	_ =	shalt  }
0x81: {  	_ =	shalt  }
0x82: {  	_ =	shalt  }
0x83: {  	_ =	shalt  }
0x84: {  	_ =	shalt  }
0x85: {  	_ =	shalt  }
0x86: {  	_ =	shalt  }
0x87: {  	_ =	shalt  }
.Lfunc_end0:
.L_simem_size_0:
called_computation.1_lowered:
.L_overlay_start_0:
0x88: {  	s2 =	sld [smem:$0x3FD9]  }
0x89: {  	s3 =	sld [smem:$0x3FFE];
	_ =	sdelay $0x1  }
0x8a: {  	s1 =	srdreg.scid  }
0x8b: {  	s0 =	sand.u32 $0x1, s1  }
0x8c: {  	s16 =	sshll.u32 s0, $0xA;
	s2 =	sadd.s32 s3, s2  }
0x8d: {  	s2 =	sadd.s32 s2, s16  }
0x8e: {  	[smem:$0x3FBA] =	sst s2  }
0x8f: {  	_ = 	snop  }
0x90: {  	(tm) =	ssettm $0x1  }
0x91: {  	s17 =	sld [smem:$0x3FFB];
	_ =	sdelay $0x3  }
0x92: {  	_ =	strace s17  }
0x93: {  	s2 =	sld [smem:$0x3FFC];
	_ =	sdelay $0x3  }
0x94: {  	_ =	strace s2  }
0x95: {  	s2 =	sld [smem:$0x3FFD];
	_ =	sdelay $0x3  }
0x96: {  	_ =	strace s2  }
0x97: {  	_ =	strace $0x8FFFFFFF  }
0x98: {  	s18 =	sld [smem:$0x3FDB];
	_ =	sdelay $0x1  }
0x99: {  	s19 =	simm.s32 $_scs_section_size  }
0x9a: {  	s4 =	simm.s32 $_size__tile_overlayer_lowered;
	s5 =	simm.s32 $_tile_overlayer_lowered  }
0x9b: {  	s22 =	simm.s32 $0x1BFF;
	s21 =	sshll.u32 s5, $0x1;
	s2 =	sadd.s32 s19, s18  }
0x9c: {  	s6 =	simm.s32 $0x0;
	s20 =	sshll.u32 s4, $0x1;
	s4 =	sadd.s32 s21, s2  }
0x9d: {  	[timem:s6], [sflag:s22] =	dma.local [hbm:s4], s20  }
0x9e: {  	_ =	swait.ge [sflag:s22], s20  }
0x9f: {  	s3 =	ssub.s32 $0x0, s20;
	[sflag:s22] =	ssyncset.done $0x0  }
0xa0: {  	[sflag:s22] =	ssyncadd.s32 s3;
	_ =	sdelay $0x1  }
0xa1: {  	s23 =	simm.s32 $0x1B8B  }
0xa2: {  	_ =	swait.ge [sflag:s23], $0x1  }
0xa3: {  	[sflag:s23] =	ssyncset.done $0x0  }
0xa4: {  	s25 =	simm.s32 $0x1B8E;
	s24 =	sld [smem:$0x3FFE];
	[sflag:s23] =	ssyncadd.s32 $0xFFFFFFFF  }
0xa5: {  	s26 =	simm.s32 $execute0_lowered;
	[smem:$0x3FD2] =	sst s25  }
0xa6: {  	s4 =	sshll.u32 s26, $0x1;
	_ =	strace $0x80000049;
	[dreg:$0x1] =	wrdreg $0xFFFFFFFF  }
0xa7: {  	s28 =	simm.s32 $_size_execute0_lowered;
	s2 =	sadd.s32 s2, s4;
	[dreg:$0x0] =	wrdreg $0x0  }
0xa8: {  	s4 =	sshll.u32 s28, $0x1;
	[dreg:$0x2] =	wrdreg s2  }
0xa9: {  	[dreg:$0x3] =	wrdreg s4  }
0xaa: {  	[dreg:$0x4] =	wrdreg $0xC0  }
0xab: {  	_ =	task [dreg:s6], $0x5FFFF  }
0xac: {  	[dreg:$0x1] =	wrdreg $0xFFFFFFFF  }
0xad: {  	[dreg:$0x0] =	wrdreg $0x60  }
0xae: {  	[dreg:$0x2] =	wrdreg s24  }
0xaf: {  	[dreg:$0x3] =	wrdreg $0x7B000  }
0xb0: {  	[dreg:$0x4] =	wrdreg $0x9  }
0xb1: {  	_ =	task.clear_ibuf [dreg:s6], $0x5FFFF;
	_ =	strace $0x90000049  }
0xb2: {  	s29 =	simm.s32 $0x9;
	_ =	strace $0x8000004B  }
0xb3: {  	_ =	swait.ge [sflag:s29], $0x1  }
0xb4: {  	[sflag:s29] =	ssyncadd.s32 $0xFFFFFFFF  }
0xb5: {  	_ =	strace $0x9000004B  }
0xb6: {  	_ =	sfence  }
0xb7: {  	s30 =	sld [smem:$0x0];
	_ =	sdelay $0x2  }
0xb8: {  	s31 =	sshll.u32 s1, $0xD;
	s1 =	sshrl.u32 s1, $0x2  }
0xb9: {  	s3 =	sand.u32 $0x4000, s31;
	s1 =	sadd.s32 s1, s30  }
0xba: {  	s0 =	sor.u32 s3, s0;
	s1 =	sshll.u32 s1, $0x11  }
0xbb: {  	s0 =	sor.u32 s1, s0  }
0xbc: {  	s0 =	sadd.s32 $0x8F2B, s0  }
0xbd: {  	[sflag:s0] =	ssyncadd.remote.s32 $0x1  }
0xbe: {  	_ =	sfence.sel $0xFFFF  }
0xbf: {  	[dreg:$0x0] =	wrdreg $0xFFFFFFFF;
	(pc) =	sbr.abs _section_cstart, $3  }
0xc0: {  	[dreg:$0x1] =	wrdreg $0xFFFFFFFF  }
0xc1: {  	_ =	task.clear_ibuf [dreg:s6], $0x2FFFF;
	_ =	strace $0x9FFFFFFF  }
0xc2: {  	(tm) =	ssettm $0x7FFFFFFF  }
0xc3: {  	_ =	shalt  }
tec
execute0_lowered:
.L_overlay_start_1:
0x0: {  	(tag) =	ssettag $0x1  }
0x1: {  	s0 =	rddreg [dreg:$0x0]  }
0x2: {  	s1 =	rddreg [dreg:$0x1];
	s2 =	simm.s32 $0x0  }
0x3: {  	s3 =	srdreg.scid;
	s7 =	stileid.u32;
	s28 =	simm.s32 $0x180  }
0x4: {  	s29 =	simm.s32 $0x1;
	s30 =	simm.s32 $0x200;
	s31 =	simm.s32 $0x2  }
0x5: {  	[smem:$0x7FF] =	sst s2;
	s5 =	sand.u32 $0x1, s3;
	s3 =	sadd.s32 $0x49600, s0  }
0x6: {  	s9 =	sadd.s32 $0xD800, s0;
	s10 =	sadd.s32 $0x21600, s0;
	s12 =	smul.u32 $0x2710, s7  }
0x7: {  	p0 =	sne.s32 s7, $0x0;
	_ =	strace $0x8000004A;
	s4 =	sshll.u32 s5, $0x4  }
0x8: {  	s6 =	smul.u32 $0x28000, s5;
	[dreg:$0x3] =	wrdreg s10;
	s17 =	ssub.s32 $0x2, s5  }
0x9: {  	s5 =	smul.u32 $0x27100, s5;
	s8 =	sor.u32 s7, s4;
	s4 =	sadd.s32 $0x3A00, s0  }
0xa: {  	s11 =	sshrl.u32 s17, $0x1;
	s7 =	simm.s32 $0x0;
	s8 =	smul.u32 $0x2710, s8  }
0xb: {  	s0 =	sadd.s32 s6, s0;
	s13 =	ssub.s32 s17, s11;
	s5 =	sadd.s32 s12, s5  }
0xc: {  	s12 =	sadd.s32 $0xA0, s5;
	s11 =	sadd.s32 $0x70800, s0;
	s22 =	sadd.s32 $0x190, s5  }
0xd: {  	s23 =	sadd.s32 $0x50, s5;
	s15 =	sadd.s32 $0x140, s5;
	s26 =	sshrl.u32 s5, $0x3  }
0xe: {  	s8 =	sshrl.u32 s8, $0x3;
	s21 =	sshrl.u32 s12, $0x3;
	s12 =	smax.u32 s13, $0x1  }
0xf: {  	s0 =	sshrl.u32 s22, $0x3;
	s24 =	sshrl.u32 s23, $0x3;
	s25 =	sshrl.u32 s15, $0x3  }
0x10: {  	s17 =	sadd.s32 s26, s9;
	s22 =	simm.s32 $0x300;
	s23 =	simm.s32 $0x80  }
0x11: {  	s26 =	simm.s32 $0x5300;
	s6 =	sadd.s32 s4, s8;
	s8 =	sadd.s32 s9, s8  }
0x12: {  	s13 =	sadd.s32 s21, s9;
	s14 =	sadd.s32 s0, s4;
	s15 =	sadd.s32 s24, s9  }
0x13: {  	s16 =	sadd.s32 s25, s4;
	s21 =	simm.s32 $0x50;
	s18 =	sadd.s32 $0xA, s6  }
.Ltmp0:
0x14: {  	s19 =	sadd.s32 $0x14, s6;
	[dreg:$0x4] =	wrdreg s18;
	(pc) =	sbr.rel .LBB2_1-.Ltmp0, $4  }
0x15: {  	s24 =	simm.s32 $0x2B00;
	s20 =	sadd.s32 $0x4CE, s8;
	[dreg:$0x5] =	wrdreg s19  }
0x16: {  	s25 =	simm.s32 $0x100;
	s8 =	sadd.s32 $0x4D8, s8;
	[dreg:$0x6] =	wrdreg s20  }
0x17: {  	s0 =	simm.s32 $0x280;
	[dreg:$0x7] =	wrdreg s8;
	s8 =	sadd.s32 $0xF0, s5  }
0x18: {  	s19 =	sshrl.u32 @!p0 s1, $0x3;
	s20 =	simm.s32 $0x4;
	s5 =	simm.s32 $0x3  }
.LBB2_4:
0x19: {  	s9 =	rddreg [dreg:$0x6]  }
0x1a: {  	[tilespmem:s28], [sflag:$0x4] =	stream.linear.gather [hbm4b:s9+s2], $0x50, $0x38;
	[tilespmem:$0x1BB00] =	vst v63  }
0x1b: {  	_ =	swait.ge [sflag:s20], $0x50  }
0x1c: {  	[sflag:s20] =	ssyncset.done $0x0  }
0x1d: {  	[sflag:s20] =	ssyncadd.s32 $0xFFFFFFB0  }
0x1e: {  	_ =	swait.ge [sflag:s29], $0x2800  }
0x1f: {  	[sflag:s29] =	ssyncset.done $0x0  }
0x20: {  	[sflag:s29] =	ssyncadd.s32 $0xFFFFD800  }
0x21: {  	[spmem:s1] =	stream.indirect.scatter.add.f32 [tilespmem:s22], [sflag:$0x4], $0x80, s28, s21, $0xb8;
	[tilespmem:$0x1BB00] =	vst v63  }
0x22: {  	_ =	swait.ge [sflag:s20], $0x2800  }
0x23: {  	[sflag:s20] =	ssyncset.done $0x0  }
0x24: {  	s18 =	rddreg [dreg:$0x7];
	[sflag:s20] =	ssyncadd.s32 $0xFFFFD800  }
0x25: {  	[tilespmem:s30], [sflag:$0x4] =	stream.linear.gather [hbm4b:s18+s2], $0x50, $0x38;
	[tilespmem:$0x1BB00] =	vst v63  }
0x26: {  	_ =	swait.ge [sflag:s20], $0x50  }
0x27: {  	[sflag:s20] =	ssyncset.done $0x0  }
0x28: {  	[sflag:s20] =	ssyncadd.s32 $0xFFFFFFB0  }
0x29: {  	_ =	swait.ge [sflag:s31], $0x2800  }
0x2a: {  	[sflag:s31] =	ssyncset.done $0x0  }
0x2b: {  	[sflag:s31] =	ssyncadd.s32 $0xFFFFD800  }
0x2c: {  	[spmem:s1] =	stream.indirect.scatter.add.f32 [tilespmem:s24], [sflag:$0x4], $0x80, s30, s21, $0xb8;
	[tilespmem:$0x1BB00] =	vst v63  }
0x2d: {  	_ =	swait.ge [sflag:s20], $0x2800  }
0x2e: {  	[sflag:s20] =	ssyncset.done $0x0  }
0x2f: {  	s7 =	sadd.s32 $0x1, s7;
	[sflag:s20] =	ssyncadd.s32 $0xFFFFD800  }
0x30: {  	s9 =	simm.s32 @!p0 $0x1C04;
	p1 =	sne.s32 s7, s12;
	[bflag:$0x0] =	sbarrier.arrive $0xFFFF  }
0x31: {  	[hbm:s11], [sflag:s9] =	dma.local @!p0 [spmem:s19], $0x28000  }
.Ltmp1:
0x32: {  	_ = 	snop;
	(pc) =	sbr.rel @!p1 .LBB2_5-.Ltmp1, $4  }
0x33: {  	s9 =	simm.s32 @!p0 $0x4  }
0x34: {  	_ =	swait.ge @!p0 [sflag:s9], $0x28000  }
0x35: {  	[sflag:s9] =	ssyncset.done @!p0 $0x0  }
0x36: {  	[sflag:s9] =	ssyncadd.s32 @!p0 $0xFFFD8000  }
.LBB2_1:
0x37: {  	s9 =	simm.s32 @!p0 $0x1C04;
	s10 =	rddreg [dreg:$0x3]  }
0x38: {  	[spmem:s19], [sflag:s9] =	dma.local @!p0 [hbm:s10], $0x28000  }
0x39: {  	s9 =	simm.s32 @!p0 $0x4  }
0x3a: {  	_ =	swait.ge @!p0 [sflag:s9], $0x28000  }
0x3b: {  	[sflag:s9] =	ssyncset.done @!p0 $0x0  }
0x3c: {  	[sflag:s9] =	ssyncadd.s32 @!p0 $0xFFFD8000  }
0x3d: {  	[bflag:$0x0] =	sbarrier.arrive $0xFFFF  }
0x3e: {  	[tilespmem:s2], [sflag:$0x4] =	stream.linear.gather [hbm4b:s6+s2], $0x50, $0x38;
	[tilespmem:$0x1BB00] =	vst v63  }
0x3f: {  	_ =	swait.ge [sflag:s20], $0x50  }
0x40: {  	[sflag:s20] =	ssyncset.done $0x0  }
0x41: {  	[sflag:s20] =	ssyncadd.s32 $0xFFFFFFB0  }
0x42: {  	[tilespmem:s22], [sflag:$0x1] =	stream.indirect.gather [hbm4b:s3+s21], $0x80, s2, s21, $0xb8;
	[tilespmem:$0x1BB00] =	vst v63  }
0x43: {  	s10 =	rddreg [dreg:$0x4]  }
0x44: {  	[tilespmem:s23], [sflag:$0x4] =	stream.linear.gather [hbm4b:s10+s2], $0x50, $0x38;
	[tilespmem:$0x1BB00] =	vst v63  }
0x45: {  	_ =	swait.ge [sflag:s20], $0x50  }
0x46: {  	[sflag:s20] =	ssyncset.done $0x0  }
0x47: {  	[sflag:s20] =	ssyncadd.s32 $0xFFFFFFB0  }
0x48: {  	[tilespmem:s24], [sflag:$0x2] =	stream.indirect.gather [hbm4b:s3+s21], $0x80, s23, s21, $0xb8;
	[tilespmem:$0x1BB00] =	vst v63  }
0x49: {  	s18 =	rddreg [dreg:$0x5]  }
0x4a: {  	[tilespmem:s25], [sflag:$0x4] =	stream.linear.gather [hbm4b:s18+s2], $0x50, $0x38;
	[tilespmem:$0x1BB00] =	vst v63  }
0x4b: {  	_ =	swait.ge [sflag:s20], $0x50  }
0x4c: {  	[sflag:s20] =	ssyncset.done $0x0  }
0x4d: {  	s9 =	simm.s32 $0x0;
	s18 =	smov.u32 s8;
	[sflag:s20] =	ssyncadd.s32 $0xFFFFFFB0  }
0x4e: {  	[tilespmem:s26], [sflag:$0x3] =	stream.indirect.gather [hbm4b:s3+s21], $0x80, s25, s21, $0xb8;
	[tilespmem:$0x1BB00] =	vst v63  }
.LBB2_2:
0x4f: {  	s10 =	sadd.s32 s9, s17  }
0x50: {  	[tilespmem:s28], [sflag:$0x4] =	stream.linear.gather [hbm4b:s10+s2], $0x50, $0x38;
	[tilespmem:$0x1BB00] =	vst v63  }
0x51: {  	_ =	swait.ge [sflag:s20], $0x50  }
0x52: {  	[sflag:s20] =	ssyncset.done $0x0  }
0x53: {  	[sflag:s20] =	ssyncadd.s32 $0xFFFFFFB0  }
0x54: {  	_ =	swait.ge [sflag:s29], $0x2800  }
0x55: {  	[sflag:s29] =	ssyncset.done $0x0  }
0x56: {  	[sflag:s29] =	ssyncadd.s32 $0xFFFFD800  }
0x57: {  	[spmem:s1] =	stream.indirect.scatter.add.f32 [tilespmem:s22], [sflag:$0x4], $0x80, s28, s21, $0xb8;
	[tilespmem:$0x1BB00] =	vst v63  }
0x58: {  	_ =	swait.ge [sflag:s20], $0x2800  }
0x59: {  	s10 =	sshrl.u32 s18, $0x3;
	[sflag:s20] =	ssyncset.done $0x0  }
0x5a: {  	s10 =	sadd.s32 s4, s10;
	[sflag:s20] =	ssyncadd.s32 $0xFFFFD800  }
0x5b: {  	[tilespmem:s2], [sflag:$0x4] =	stream.linear.gather [hbm4b:s10+s2], $0x50, $0x38;
	[tilespmem:$0x1BB00] =	vst v63  }
0x5c: {  	_ =	swait.ge [sflag:s20], $0x50  }
0x5d: {  	[sflag:s20] =	ssyncset.done $0x0  }
0x5e: {  	[sflag:s20] =	ssyncadd.s32 $0xFFFFFFB0  }
0x5f: {  	[tilespmem:s22], [sflag:$0x1] =	stream.indirect.gather [hbm4b:s3+s21], $0x80, s2, s21, $0xb8;
	[tilespmem:$0x1BB00] =	vst v63  }
0x60: {  	s10 =	sadd.s32 s9, s15  }
0x61: {  	[tilespmem:s30], [sflag:$0x4] =	stream.linear.gather [hbm4b:s10+s2], $0x50, $0x38;
	[tilespmem:$0x1BB00] =	vst v63  }
0x62: {  	_ =	swait.ge [sflag:s20], $0x50  }
0x63: {  	[sflag:s20] =	ssyncset.done $0x0  }
0x64: {  	[sflag:s20] =	ssyncadd.s32 $0xFFFFFFB0  }
0x65: {  	_ =	swait.ge [sflag:s31], $0x2800  }
0x66: {  	[sflag:s31] =	ssyncset.done $0x0  }
0x67: {  	[sflag:s31] =	ssyncadd.s32 $0xFFFFD800  }
0x68: {  	[spmem:s1] =	stream.indirect.scatter.add.f32 [tilespmem:s24], [sflag:$0x4], $0x80, s30, s21, $0xb8;
	[tilespmem:$0x1BB00] =	vst v63  }
0x69: {  	_ =	swait.ge [sflag:s20], $0x2800  }
0x6a: {  	[sflag:s20] =	ssyncset.done $0x0  }
0x6b: {  	s10 =	sadd.s32 s9, s16;
	[sflag:s20] =	ssyncadd.s32 $0xFFFFD800  }
0x6c: {  	[tilespmem:s23], [sflag:$0x4] =	stream.linear.gather [hbm4b:s10+s2], $0x50, $0x38;
	[tilespmem:$0x1BB00] =	vst v63  }
0x6d: {  	_ =	swait.ge [sflag:s20], $0x50  }
0x6e: {  	[sflag:s20] =	ssyncset.done $0x0  }
0x6f: {  	[sflag:s20] =	ssyncadd.s32 $0xFFFFFFB0  }
0x70: {  	[tilespmem:s24], [sflag:$0x2] =	stream.indirect.gather [hbm4b:s3+s21], $0x80, s23, s21, $0xb8;
	[tilespmem:$0x1BB00] =	vst v63  }
0x71: {  	s10 =	sadd.s32 s9, s13  }
0x72: {  	[tilespmem:s0], [sflag:$0x4] =	stream.linear.gather [hbm4b:s10+s2], $0x50, $0x38;
	[tilespmem:$0x1BB00] =	vst v63  }
0x73: {  	_ =	swait.ge [sflag:s20], $0x50  }
0x74: {  	[sflag:s20] =	ssyncset.done $0x0  }
0x75: {  	[sflag:s20] =	ssyncadd.s32 $0xFFFFFFB0  }
0x76: {  	_ =	swait.ge [sflag:s5], $0x2800  }
0x77: {  	p1 =	seq.s32 s9, $0x4B0;
	[sflag:s5] =	ssyncset.done $0x0  }
.Ltmp2:
0x78: {  	[sflag:s5] =	ssyncadd.s32 $0xFFFFD800;
	(pc) =	sbr.rel @p1 .LBB2_4-.Ltmp2, $4  }
0x79: {  	[spmem:s1] =	stream.indirect.scatter.add.f32 [tilespmem:s26], [sflag:$0x4], $0x80, s0, s21, $0xb8;
	[tilespmem:$0x1BB00] =	vst v63  }
0x7a: {  	_ =	swait.ge [sflag:s20], $0x2800  }
0x7b: {  	[sflag:s20] =	ssyncset.done $0x0  }
0x7c: {  	[sflag:s20] =	ssyncadd.s32 $0xFFFFD800  }
0x7d: {  	s10 =	sadd.s32 s9, s14  }
0x7e: {  	[tilespmem:s25], [sflag:$0x4] =	stream.linear.gather [hbm4b:s10+s2], $0x50, $0x38;
	[tilespmem:$0x1BB00] =	vst v63  }
.Ltmp3:
0x7f: {  	_ = 	snop;
	(pc) =	sbr.rel .LBB2_2-.Ltmp3, $4  }
0x80: {  	_ =	swait.ge [sflag:s20], $0x50  }
0x81: {  	[sflag:s20] =	ssyncset.done $0x0  }
0x82: {  	s9 =	sadd.s32 $0x1E, s9;
	s18 =	sadd.s32 $0xF0, s18;
	[sflag:s20] =	ssyncadd.s32 $0xFFFFFFB0  }
0x83: {  	[tilespmem:s26], [sflag:$0x3] =	stream.indirect.gather [hbm4b:s3+s21], $0x80, s25, s21, $0xb8;
	[tilespmem:$0x1BB00] =	vst v63  }
.LBB2_5:
0x84: {  	_ =	sfence.sel $0x180000  }
0x85: {  	[bflag:$0x0] =	sbarrier.arrive $0xFFFF  }
0x86: {  	_ =	strace $0x9000004A  }
0x87: {  	[bflag:$0x2] =	sbarrier.arrive $0xFFFF  }
0x88: {  	s0 =	rddreg [dreg:$0x2]  }
0x89: {  	s0 =	sadd.s32 @!p0 $0x100000, s0  }
0x8a: {  	[sflag:s0] =	ssyncadd.tile.s32 @!p0 $0x1;
	_ =	shalt  }
.Lfunc_end2:
_tile_overlayer_lowered:
.L_overlay_start_2:
0x8b: {  	(tag) =	ssettag $0x2  }
0x8c: {  	s0 =	rddreg [dreg:$0x0];
	s2 =	stileid.u32  }
0x8d: {  	s1 =	rddreg [dreg:$0x1];
	p0 =	sne.s32 s2, $0x0  }
0x8e: {  	s3 =	rddreg [dreg:$0x2];
	[bflag:$0x3] =	sbarrier.arrive $0xFFFF;
	s2 =	simm.s32 @!p0 $0x1C04  }
0x8f: {  	[timem:s3], [sflag:s2] =	dma.local @!p0 [hbm:s0], s1  }
0x90: {  	s0 =	simm.s32 @!p0 $0x4  }
0x91: {  	_ =	swait.ge @!p0 [sflag:s0], s1  }
0x92: {  	s1 =	ssub.s32 @!p0 $0x0, s1;
	[sflag:s0] =	ssyncset.done @!p0 $0x0  }
0x93: {  	[sflag:s0] =	ssyncadd.s32 @!p0 s1  }
0x94: {  	[bflag:$0x3] =	sbarrier.arrive $0xFFFF  }
0x95: {  	_ =	shalt  }

// kernel: kernel.17.cloned.1.call-start
scs
__scs_entry_jumppad:
0x0: {  	(pc) =	sbr.rel $0x88, $3  }
0x1: {  	(tag) =	ssettag $0x0;
	lr =	simm.s32 $0x1  }
0x2: {  	[smem:$0x3F93] =	sst lr;
	_ =	strace $0xD0000000  }
0x3: {  	_ = 	snop  }
0x4: {  	_ = 	snop  }
0x5: {  	_ = 	snop  }
0x6: {  	_ = 	snop  }
0x7: {  	_ = 	snop  }
__scs_overlays_trampoline_lowered:
0x8: {  	[smem:$0x3FA2] =	sst s0  }
0x9: {  	[smem:$0x3FA3] =	sst s1  }
0xa: {  	[smem:$0x3FA4] =	sst s2  }
0xb: {  	[smem:$0x3FA5] =	sst s3  }
0xc: {  	[smem:$0x3FA6] =	sst s4  }
0xd: {  	[smem:$0x3FA7] =	sst s5  }
0xe: {  	[smem:$0x3FA8] =	sst s6  }
0xf: {  	[smem:$0x3FA9] =	sst s7  }
0x10: {  	[smem:$0x3FAA] =	sst s8  }
0x11: {  	[smem:$0x3FAB] =	sst s9;
	s0 =	simm.s32 @!p0 $0x0  }
0x12: {  	s1 =	sld [smem:$0x3F91];
	s0 =	simm.s32 @p0 $0x1  }
0x13: {  	[smem:$0x3FAC] =	sst s0;
	s0 =	simm.s32 @!p1 $0x0  }
0x14: {  	s2 =	sld [smem:$0x3F90];
	s0 =	simm.s32 @p1 $0x1  }
0x15: {  	[smem:$0x3FAD] =	sst s0;
	s0 =	simm.s32 @!p2 $0x0  }
0x16: {  	s3 =	sld [smem:$0x3FDB];
	s0 =	simm.s32 @p2 $0x1  }
0x17: {  	s4 =	simm.s32 $0x1BF5;
	[smem:$0x3FAF] =	sst s0  }
0x18: {  	s0 =	sld [smem:$0x3F92];
	_ =	swait.ge [sflag:s4], $0x0  }
0x19: {  	s7 =	sld [smem:$0x3F93]  }
0x1a: {  	s8 =	sadd.s32 $0xFFFFE003, lr  }
0x1b: {  	s9 =	sadd.s32 $0xFFFFFEF7, lr;
	s5 =	simm.s32 $0xFFFFFFFF;
	p2 =	slt.u32 s8, $0xFFFFF086  }
0x1c: {  	p1 =	slt.u32 s9, $0xF7A;
	s5 =	simm.s32 @!p2 $0x0  }
0x1d: {  	s5 =	simm.s32 @p1 $0x1;
	p0 =	seq.s32 s7, s2  }
0x1e: {  	s7 =	smul.u32 @!p0 $0xF7A, s2;
	p2 =	seq.s32 @!p0 s5, $0x0  }
0x1f: {  	s9 =	smul.u32 $0xF7A, s1;
	s8 =	simm.s32 @!p0 $0x1BF5;
	p2 =	por !p2, p0  }
0x20: {  	[sflag:s8] =	ssyncset.s32 @!p0 $0xFFFFF086;
	s6 =	sadd.s32 @!p0 s3, s7;
	s7 =	simm.s32 @!p0 $0x108  }
0x21: {  	s3 =	sadd.s32 s3, s9;
	s6 =	sadd.s32 @!p0 $0x88, s6;
	s7 =	simm.s32 @p2 $0x1082  }
0x22: {  	[simem:s7], [sflag:s8] =	dma.local @!p0 [hbm:s6], $0xF7A  }
0x23: {  	s9 =	sor.u32 $0xD0000000, s2;
	s6 =	simm.s32 $0x108;
	_ =	swait.ge @!p0 [sflag:s8], $0x0  }
0x24: {  	s3 =	sadd.s32 $0x88, s3;
	s6 =	simm.s32 @!p1 $0x1082;
	[sflag:s4] =	ssyncset.s32 $0xFFFFF086  }
0x25: {  	[simem:s6], [sflag:s4] =	dma.local [hbm:s3], $0xF7A  }
0x26: {  	[smem:$0x3F93] =	sst s1;
	(tag) =	ssettag s2;
	_ =	strace s9  }
0x27: {  	s1 =	sld [smem:$0x3FA3]  }
0x28: {  	s2 =	sld [smem:$0x3FA4]  }
0x29: {  	s4 =	sld [smem:$0x3FA6]  }
0x2a: {  	p0 =	seq.s32 s5, $0x0;
	s5 =	sld [smem:$0x3FA7]  }
0x2b: {  	s6 =	sld [smem:$0x3FA8]  }
0x2c: {  	s7 =	sld [smem:$0x3FA9]  }
0x2d: {  	s3 =	simm.s32 $0x108;
	s8 =	sld [smem:$0x3FAA]  }
0x2e: {  	s3 =	simm.s32 @!p0 $0x1082;
	s9 =	sld [smem:$0x3FAB]  }
0x2f: {  	lr =	sadd.s32 s0, s3;
	s0 =	sld [smem:$0x3FA2]  }
0x30: {  	s3 =	sld [smem:$0x3FA5]  }
0x31: {  	[smem:$0x3FAE] =	sst s10  }
0x32: {  	s10 =	sld [smem:$0x3FAC];
	_ =	sdelay $0x3  }
0x33: {  	p0 =	seq.s32 s10, $0x1;
	s10 =	sld [smem:$0x3FAE];
	_ =	sdelay $0x3  }
0x34: {  	[smem:$0x3FAE] =	sst s10  }
0x35: {  	s10 =	sld [smem:$0x3FAD];
	_ =	sdelay $0x3  }
0x36: {  	p1 =	seq.s32 s10, $0x1;
	s10 =	sld [smem:$0x3FAE];
	_ =	sdelay $0x3  }
0x37: {  	[smem:$0x3FAE] =	sst s10  }
0x38: {  	s10 =	sld [smem:$0x3FAF]  }
0x39: {  	_ = 	snop;
	(pc) =	sbr.ind lr, $3  }
0x3a: {  	_ = 	snop  }
0x3b: {  	_ = 	snop  }
0x3c: {  	p2 =	seq.s32 s10, $0x1;
	s10 =	sld [smem:$0x3FAE]  }
0x3d: {  	_ =	shalt  }
0x3e: {  	_ =	shalt  }
0x3f: {  	_ =	shalt  }
0x40: {  	_ =	shalt  }
0x41: {  	_ =	shalt  }
0x42: {  	_ =	shalt  }
0x43: {  	_ =	shalt  }
0x44: {  	_ =	shalt  }
0x45: {  	_ =	shalt  }
0x46: {  	_ =	shalt  }
0x47: {  	_ =	shalt  }
0x48: {  	_ =	shalt  }
0x49: {  	_ =	shalt  }
0x4a: {  	_ =	shalt  }
0x4b: {  	_ =	shalt  }
0x4c: {  	_ =	shalt  }
0x4d: {  	_ =	shalt  }
0x4e: {  	_ =	shalt  }
0x4f: {  	_ =	shalt  }
0x50: {  	_ =	shalt  }
0x51: {  	_ =	shalt  }
0x52: {  	_ =	shalt  }
0x53: {  	_ =	shalt  }
0x54: {  	_ =	shalt  }
0x55: {  	_ =	shalt  }
0x56: {  	_ =	shalt  }
0x57: {  	_ =	shalt  }
0x58: {  	_ =	shalt  }
0x59: {  	_ =	shalt  }
0x5a: {  	_ =	shalt  }
0x5b: {  	_ =	shalt  }
0x5c: {  	_ =	shalt  }
0x5d: {  	_ =	shalt  }
0x5e: {  	_ =	shalt  }
0x5f: {  	_ =	shalt  }
0x60: {  	_ =	shalt  }
0x61: {  	_ =	shalt  }
0x62: {  	_ =	shalt  }
0x63: {  	_ =	shalt  }
0x64: {  	_ =	shalt  }
0x65: {  	_ =	shalt  }
0x66: {  	_ =	shalt  }
0x67: {  	_ =	shalt  }
0x68: {  	_ =	shalt  }
0x69: {  	_ =	shalt  }
0x6a: {  	_ =	shalt  }
0x6b: {  	_ =	shalt  }
0x6c: {  	_ =	shalt  }
0x6d: {  	_ =	shalt  }
0x6e: {  	_ =	shalt  }
0x6f: {  	_ =	shalt  }
0x70: {  	_ =	shalt  }
0x71: {  	_ =	shalt  }
0x72: {  	_ =	shalt  }
0x73: {  	_ =	shalt  }
0x74: {  	_ =	shalt  }
0x75: {  	_ =	shalt  }
0x76: {  	_ =	shalt  }
0x77: {  	_ =	shalt  }
0x78: {  	_ =	shalt  }
0x79: {  	_ =	shalt  }
0x7a: {  	_ =	shalt  }
0x7b: {  	_ =	shalt  }
0x7c: {  	_ =	shalt  }
0x7d: {  	_ =	shalt  }
0x7e: {  	_ =	shalt  }
0x7f: {  	_ =	shalt  }
0x80: {  	_ =	shalt  }
0x81: {  	_ =	shalt  }
0x82: {  	_ =	shalt  }
0x83: {  	_ =	shalt  }
0x84: {  	_ =	shalt  }
0x85: {  	_ =	shalt  }
0x86: {  	_ =	shalt  }
0x87: {  	_ =	shalt  }
.Lfunc_end0:
.L_simem_size_0:
called_computation.2_lowered:
.L_overlay_start_0:
0x88: {  	s2 =	sld [smem:$0x3FD9]  }
0x89: {  	s3 =	sld [smem:$0x3FFE];
	_ =	sdelay $0x1  }
0x8a: {  	s1 =	srdreg.scid  }
0x8b: {  	s0 =	sand.u32 $0x1, s1  }
0x8c: {  	s16 =	sshll.u32 s0, $0xA;
	s2 =	sadd.s32 s3, s2  }
0x8d: {  	s2 =	sadd.s32 s2, s16  }
0x8e: {  	[smem:$0x3FBA] =	sst s2  }
0x8f: {  	_ = 	snop  }
0x90: {  	(tm) =	ssettm $0x1  }
0x91: {  	s17 =	sld [smem:$0x3FFB];
	_ =	sdelay $0x3  }
0x92: {  	_ =	strace s17  }
0x93: {  	s2 =	sld [smem:$0x3FFC];
	_ =	sdelay $0x3  }
0x94: {  	_ =	strace s2  }
0x95: {  	s2 =	sld [smem:$0x3FFD];
	_ =	sdelay $0x3  }
0x96: {  	_ =	strace s2  }
0x97: {  	_ =	strace $0x8FFFFFFF  }
0x98: {  	s18 =	sld [smem:$0x3FDB];
	_ =	sdelay $0x1  }
0x99: {  	s19 =	simm.s32 $_scs_section_size  }
0x9a: {  	s4 =	simm.s32 $_size__tile_overlayer_lowered;
	s5 =	simm.s32 $_tile_overlayer_lowered  }
0x9b: {  	s22 =	simm.s32 $0x1BFF;
	s21 =	sshll.u32 s5, $0x1;
	s2 =	sadd.s32 s19, s18  }
0x9c: {  	s6 =	simm.s32 $0x0;
	s20 =	sshll.u32 s4, $0x1;
	s4 =	sadd.s32 s21, s2  }
0x9d: {  	[timem:s6], [sflag:s22] =	dma.local [hbm:s4], s20  }
0x9e: {  	_ =	swait.ge [sflag:s22], s20  }
0x9f: {  	s3 =	ssub.s32 $0x0, s20;
	[sflag:s22] =	ssyncset.done $0x0  }
0xa0: {  	[sflag:s22] =	ssyncadd.s32 s3;
	_ =	sdelay $0x1  }
0xa1: {  	s23 =	simm.s32 $0x1B8B  }
0xa2: {  	_ =	swait.ge [sflag:s23], $0x1  }
0xa3: {  	[sflag:s23] =	ssyncset.done $0x0  }
0xa4: {  	s25 =	simm.s32 $0x1B8E;
	s24 =	sld [smem:$0x3FFE];
	[sflag:s23] =	ssyncadd.s32 $0xFFFFFFFF  }
0xa5: {  	s26 =	simm.s32 $execute0_lowered;
	[smem:$0x3FD2] =	sst s25  }
0xa6: {  	s4 =	sshll.u32 s26, $0x1;
	_ =	strace $0x8000004C;
	[dreg:$0x1] =	wrdreg $0xFFFFFFFF  }
0xa7: {  	s28 =	simm.s32 $_size_execute0_lowered;
	s2 =	sadd.s32 s2, s4;
	[dreg:$0x0] =	wrdreg $0x0  }
0xa8: {  	s4 =	sshll.u32 s28, $0x1;
	[dreg:$0x2] =	wrdreg s2  }
0xa9: {  	[dreg:$0x3] =	wrdreg s4  }
0xaa: {  	[dreg:$0x4] =	wrdreg $0xC0  }
0xab: {  	_ =	task [dreg:s6], $0x5FFFF  }
0xac: {  	[dreg:$0x1] =	wrdreg $0xFFFFFFFF  }
0xad: {  	[dreg:$0x0] =	wrdreg $0x60  }
0xae: {  	[dreg:$0x2] =	wrdreg s24  }
0xaf: {  	[dreg:$0x3] =	wrdreg $0x7B000  }
0xb0: {  	[dreg:$0x4] =	wrdreg $0x9  }
0xb1: {  	_ =	task.clear_ibuf [dreg:s6], $0x5FFFF;
	_ =	strace $0x9000004C  }
0xb2: {  	s29 =	simm.s32 $0x9;
	_ =	strace $0x8000004E  }
0xb3: {  	_ =	swait.ge [sflag:s29], $0x1  }
0xb4: {  	[sflag:s29] =	ssyncadd.s32 $0xFFFFFFFF  }
0xb5: {  	_ =	strace $0x9000004E  }
0xb6: {  	_ =	sfence  }
0xb7: {  	s30 =	sld [smem:$0x0];
	_ =	sdelay $0x2  }
0xb8: {  	s31 =	sshll.u32 s1, $0xD;
	s1 =	sshrl.u32 s1, $0x2  }
0xb9: {  	s3 =	sand.u32 $0x4000, s31;
	s1 =	sadd.s32 s1, s30  }
0xba: {  	s0 =	sor.u32 s3, s0;
	s1 =	sshll.u32 s1, $0x11  }
0xbb: {  	s0 =	sor.u32 s1, s0  }
0xbc: {  	s0 =	sadd.s32 $0x8F2B, s0  }
0xbd: {  	[sflag:s0] =	ssyncadd.remote.s32 $0x1  }
0xbe: {  	_ =	sfence.sel $0xFFFF  }
0xbf: {  	[dreg:$0x0] =	wrdreg $0xFFFFFFFF;
	(pc) =	sbr.abs _section_cstart, $3  }
0xc0: {  	[dreg:$0x1] =	wrdreg $0xFFFFFFFF  }
0xc1: {  	_ =	task.clear_ibuf [dreg:s6], $0x2FFFF;
	_ =	strace $0x9FFFFFFF  }
0xc2: {  	(tm) =	ssettm $0x7FFFFFFF  }
0xc3: {  	_ =	shalt  }
tec
execute0_lowered:
.L_overlay_start_1:
0x0: {  	(tag) =	ssettag $0x1  }
0x1: {  	s0 =	rddreg [dreg:$0x0]  }
0x2: {  	s1 =	rddreg [dreg:$0x1];
	s2 =	simm.s32 $0x0  }
0x3: {  	s3 =	srdreg.scid;
	s7 =	stileid.u32;
	s28 =	simm.s32 $0x180  }
0x4: {  	s29 =	simm.s32 $0x1;
	s30 =	simm.s32 $0x200;
	s31 =	simm.s32 $0x2  }
0x5: {  	[smem:$0x7FF] =	sst s2;
	s5 =	sand.u32 $0x1, s3;
	s3 =	sadd.s32 $0x49600, s0  }
0x6: {  	s9 =	sadd.s32 $0xD800, s0;
	s10 =	sadd.s32 $0x21600, s0;
	s12 =	smul.u32 $0x2710, s7  }
0x7: {  	p0 =	sne.s32 s7, $0x0;
	_ =	strace $0x8000004D;
	s4 =	sshll.u32 s5, $0x4  }
0x8: {  	s6 =	smul.u32 $0x28000, s5;
	[dreg:$0x3] =	wrdreg s10;
	s17 =	ssub.s32 $0x2, s5  }
0x9: {  	s5 =	smul.u32 $0x27100, s5;
	s8 =	sor.u32 s7, s4;
	s4 =	sadd.s32 $0x3A00, s0  }
0xa: {  	s11 =	sshrl.u32 s17, $0x1;
	s7 =	simm.s32 $0x0;
	s8 =	smul.u32 $0x2710, s8  }
0xb: {  	s0 =	sadd.s32 s6, s0;
	s13 =	ssub.s32 s17, s11;
	s5 =	sadd.s32 s12, s5  }
0xc: {  	s12 =	sadd.s32 $0xA0, s5;
	s11 =	sadd.s32 $0x70800, s0;
	s22 =	sadd.s32 $0x190, s5  }
0xd: {  	s23 =	sadd.s32 $0x50, s5;
	s15 =	sadd.s32 $0x140, s5;
	s26 =	sshrl.u32 s5, $0x3  }
0xe: {  	s8 =	sshrl.u32 s8, $0x3;
	s21 =	sshrl.u32 s12, $0x3;
	s12 =	smax.u32 s13, $0x1  }
0xf: {  	s0 =	sshrl.u32 s22, $0x3;
	s24 =	sshrl.u32 s23, $0x3;
	s25 =	sshrl.u32 s15, $0x3  }
0x10: {  	s17 =	sadd.s32 s26, s9;
	s22 =	simm.s32 $0x300;
	s23 =	simm.s32 $0x80  }
0x11: {  	s26 =	simm.s32 $0x5300;
	s6 =	sadd.s32 s4, s8;
	s8 =	sadd.s32 s9, s8  }
0x12: {  	s13 =	sadd.s32 s21, s9;
	s14 =	sadd.s32 s0, s4;
	s15 =	sadd.s32 s24, s9  }
0x13: {  	s16 =	sadd.s32 s25, s4;
	s21 =	simm.s32 $0x50;
	s18 =	sadd.s32 $0xA, s6  }
.Ltmp0:
0x14: {  	s19 =	sadd.s32 $0x14, s6;
	[dreg:$0x4] =	wrdreg s18;
	(pc) =	sbr.rel .LBB2_1-.Ltmp0, $4  }
0x15: {  	s24 =	simm.s32 $0x2B00;
	s20 =	sadd.s32 $0x4CE, s8;
	[dreg:$0x5] =	wrdreg s19  }
0x16: {  	s25 =	simm.s32 $0x100;
	s8 =	sadd.s32 $0x4D8, s8;
	[dreg:$0x6] =	wrdreg s20  }
0x17: {  	s0 =	simm.s32 $0x280;
	[dreg:$0x7] =	wrdreg s8;
	s8 =	sadd.s32 $0xF0, s5  }
0x18: {  	s19 =	sshrl.u32 @!p0 s1, $0x3;
	s20 =	simm.s32 $0x4;
	s5 =	simm.s32 $0x3  }
.LBB2_4:
0x19: {  	s9 =	rddreg [dreg:$0x6]  }
0x1a: {  	[tilespmem:s28], [sflag:$0x4] =	stream.linear.gather [hbm4b:s9+s2], $0x50, $0x38;
	[tilespmem:$0x1BB00] =	vst v63  }
0x1b: {  	_ =	swait.ge [sflag:s20], $0x50  }
0x1c: {  	[sflag:s20] =	ssyncset.done $0x0  }
0x1d: {  	[sflag:s20] =	ssyncadd.s32 $0xFFFFFFB0  }
0x1e: {  	_ =	swait.ge [sflag:s29], $0x2800  }
0x1f: {  	[sflag:s29] =	ssyncset.done $0x0  }
0x20: {  	[sflag:s29] =	ssyncadd.s32 $0xFFFFD800  }
0x21: {  	[spmem:s1] =	stream.indirect.scatter.add.f32 [tilespmem:s22], [sflag:$0x4], $0x80, s28, s21, $0xb8;
	[tilespmem:$0x1BB00] =	vst v63  }
0x22: {  	_ =	swait.ge [sflag:s20], $0x2800  }
0x23: {  	[sflag:s20] =	ssyncset.done $0x0  }
0x24: {  	s18 =	rddreg [dreg:$0x7];
	[sflag:s20] =	ssyncadd.s32 $0xFFFFD800  }
0x25: {  	[tilespmem:s30], [sflag:$0x4] =	stream.linear.gather [hbm4b:s18+s2], $0x50, $0x38;
	[tilespmem:$0x1BB00] =	vst v63  }
0x26: {  	_ =	swait.ge [sflag:s20], $0x50  }
0x27: {  	[sflag:s20] =	ssyncset.done $0x0  }
0x28: {  	[sflag:s20] =	ssyncadd.s32 $0xFFFFFFB0  }
0x29: {  	_ =	swait.ge [sflag:s31], $0x2800  }
0x2a: {  	[sflag:s31] =	ssyncset.done $0x0  }
0x2b: {  	[sflag:s31] =	ssyncadd.s32 $0xFFFFD800  }
0x2c: {  	[spmem:s1] =	stream.indirect.scatter.add.f32 [tilespmem:s24], [sflag:$0x4], $0x80, s30, s21, $0xb8;
	[tilespmem:$0x1BB00] =	vst v63  }
0x2d: {  	_ =	swait.ge [sflag:s20], $0x2800  }
0x2e: {  	[sflag:s20] =	ssyncset.done $0x0  }
0x2f: {  	s7 =	sadd.s32 $0x1, s7;
	[sflag:s20] =	ssyncadd.s32 $0xFFFFD800  }
0x30: {  	s9 =	simm.s32 @!p0 $0x1C04;
	p1 =	sne.s32 s7, s12;
	[bflag:$0x0] =	sbarrier.arrive $0xFFFF  }
0x31: {  	[hbm:s11], [sflag:s9] =	dma.local @!p0 [spmem:s19], $0x28000  }
.Ltmp1:
0x32: {  	_ = 	snop;
	(pc) =	sbr.rel @!p1 .LBB2_5-.Ltmp1, $4  }
0x33: {  	s9 =	simm.s32 @!p0 $0x4  }
0x34: {  	_ =	swait.ge @!p0 [sflag:s9], $0x28000  }
0x35: {  	[sflag:s9] =	ssyncset.done @!p0 $0x0  }
0x36: {  	[sflag:s9] =	ssyncadd.s32 @!p0 $0xFFFD8000  }
.LBB2_1:
0x37: {  	s9 =	simm.s32 @!p0 $0x1C04;
	s10 =	rddreg [dreg:$0x3]  }
0x38: {  	[spmem:s19], [sflag:s9] =	dma.local @!p0 [hbm:s10], $0x28000  }
0x39: {  	s9 =	simm.s32 @!p0 $0x4  }
0x3a: {  	_ =	swait.ge @!p0 [sflag:s9], $0x28000  }
0x3b: {  	[sflag:s9] =	ssyncset.done @!p0 $0x0  }
0x3c: {  	[sflag:s9] =	ssyncadd.s32 @!p0 $0xFFFD8000  }
0x3d: {  	[bflag:$0x0] =	sbarrier.arrive $0xFFFF  }
0x3e: {  	[tilespmem:s2], [sflag:$0x4] =	stream.linear.gather [hbm4b:s6+s2], $0x50, $0x38;
	[tilespmem:$0x1BB00] =	vst v63  }
0x3f: {  	_ =	swait.ge [sflag:s20], $0x50  }
0x40: {  	[sflag:s20] =	ssyncset.done $0x0  }
0x41: {  	[sflag:s20] =	ssyncadd.s32 $0xFFFFFFB0  }
0x42: {  	[tilespmem:s22], [sflag:$0x1] =	stream.indirect.gather [hbm4b:s3+s21], $0x80, s2, s21, $0xb8;
	[tilespmem:$0x1BB00] =	vst v63  }
0x43: {  	s10 =	rddreg [dreg:$0x4]  }
0x44: {  	[tilespmem:s23], [sflag:$0x4] =	stream.linear.gather [hbm4b:s10+s2], $0x50, $0x38;
	[tilespmem:$0x1BB00] =	vst v63  }
0x45: {  	_ =	swait.ge [sflag:s20], $0x50  }
0x46: {  	[sflag:s20] =	ssyncset.done $0x0  }
0x47: {  	[sflag:s20] =	ssyncadd.s32 $0xFFFFFFB0  }
0x48: {  	[tilespmem:s24], [sflag:$0x2] =	stream.indirect.gather [hbm4b:s3+s21], $0x80, s23, s21, $0xb8;
	[tilespmem:$0x1BB00] =	vst v63  }
0x49: {  	s18 =	rddreg [dreg:$0x5]  }
0x4a: {  	[tilespmem:s25], [sflag:$0x4] =	stream.linear.gather [hbm4b:s18+s2], $0x50, $0x38;
	[tilespmem:$0x1BB00] =	vst v63  }
0x4b: {  	_ =	swait.ge [sflag:s20], $0x50  }
0x4c: {  	[sflag:s20] =	ssyncset.done $0x0  }
0x4d: {  	s9 =	simm.s32 $0x0;
	s18 =	smov.u32 s8;
	[sflag:s20] =	ssyncadd.s32 $0xFFFFFFB0  }
0x4e: {  	[tilespmem:s26], [sflag:$0x3] =	stream.indirect.gather [hbm4b:s3+s21], $0x80, s25, s21, $0xb8;
	[tilespmem:$0x1BB00] =	vst v63  }
.LBB2_2:
0x4f: {  	s10 =	sadd.s32 s9, s17  }
0x50: {  	[tilespmem:s28], [sflag:$0x4] =	stream.linear.gather [hbm4b:s10+s2], $0x50, $0x38;
	[tilespmem:$0x1BB00] =	vst v63  }
0x51: {  	_ =	swait.ge [sflag:s20], $0x50  }
0x52: {  	[sflag:s20] =	ssyncset.done $0x0  }
0x53: {  	[sflag:s20] =	ssyncadd.s32 $0xFFFFFFB0  }
0x54: {  	_ =	swait.ge [sflag:s29], $0x2800  }
0x55: {  	[sflag:s29] =	ssyncset.done $0x0  }
0x56: {  	[sflag:s29] =	ssyncadd.s32 $0xFFFFD800  }
0x57: {  	[spmem:s1] =	stream.indirect.scatter.add.f32 [tilespmem:s22], [sflag:$0x4], $0x80, s28, s21, $0xb8;
	[tilespmem:$0x1BB00] =	vst v63  }
0x58: {  	_ =	swait.ge [sflag:s20], $0x2800  }
0x59: {  	s10 =	sshrl.u32 s18, $0x3;
	[sflag:s20] =	ssyncset.done $0x0  }
0x5a: {  	s10 =	sadd.s32 s4, s10;
	[sflag:s20] =	ssyncadd.s32 $0xFFFFD800  }
0x5b: {  	[tilespmem:s2], [sflag:$0x4] =	stream.linear.gather [hbm4b:s10+s2], $0x50, $0x38;
	[tilespmem:$0x1BB00] =	vst v63  }
0x5c: {  	_ =	swait.ge [sflag:s20], $0x50  }
0x5d: {  	[sflag:s20] =	ssyncset.done $0x0  }
0x5e: {  	[sflag:s20] =	ssyncadd.s32 $0xFFFFFFB0  }
0x5f: {  	[tilespmem:s22], [sflag:$0x1] =	stream.indirect.gather [hbm4b:s3+s21], $0x80, s2, s21, $0xb8;
	[tilespmem:$0x1BB00] =	vst v63  }
0x60: {  	s10 =	sadd.s32 s9, s15  }
0x61: {  	[tilespmem:s30], [sflag:$0x4] =	stream.linear.gather [hbm4b:s10+s2], $0x50, $0x38;
	[tilespmem:$0x1BB00] =	vst v63  }
0x62: {  	_ =	swait.ge [sflag:s20], $0x50  }
0x63: {  	[sflag:s20] =	ssyncset.done $0x0  }
0x64: {  	[sflag:s20] =	ssyncadd.s32 $0xFFFFFFB0  }
0x65: {  	_ =	swait.ge [sflag:s31], $0x2800  }
0x66: {  	[sflag:s31] =	ssyncset.done $0x0  }
0x67: {  	[sflag:s31] =	ssyncadd.s32 $0xFFFFD800  }
0x68: {  	[spmem:s1] =	stream.indirect.scatter.add.f32 [tilespmem:s24], [sflag:$0x4], $0x80, s30, s21, $0xb8;
	[tilespmem:$0x1BB00] =	vst v63  }
0x69: {  	_ =	swait.ge [sflag:s20], $0x2800  }
0x6a: {  	[sflag:s20] =	ssyncset.done $0x0  }
0x6b: {  	s10 =	sadd.s32 s9, s16;
	[sflag:s20] =	ssyncadd.s32 $0xFFFFD800  }
0x6c: {  	[tilespmem:s23], [sflag:$0x4] =	stream.linear.gather [hbm4b:s10+s2], $0x50, $0x38;
	[tilespmem:$0x1BB00] =	vst v63  }
0x6d: {  	_ =	swait.ge [sflag:s20], $0x50  }
0x6e: {  	[sflag:s20] =	ssyncset.done $0x0  }
0x6f: {  	[sflag:s20] =	ssyncadd.s32 $0xFFFFFFB0  }
0x70: {  	[tilespmem:s24], [sflag:$0x2] =	stream.indirect.gather [hbm4b:s3+s21], $0x80, s23, s21, $0xb8;
	[tilespmem:$0x1BB00] =	vst v63  }
0x71: {  	s10 =	sadd.s32 s9, s13  }
0x72: {  	[tilespmem:s0], [sflag:$0x4] =	stream.linear.gather [hbm4b:s10+s2], $0x50, $0x38;
	[tilespmem:$0x1BB00] =	vst v63  }
0x73: {  	_ =	swait.ge [sflag:s20], $0x50  }
0x74: {  	[sflag:s20] =	ssyncset.done $0x0  }
0x75: {  	[sflag:s20] =	ssyncadd.s32 $0xFFFFFFB0  }
0x76: {  	_ =	swait.ge [sflag:s5], $0x2800  }
0x77: {  	p1 =	seq.s32 s9, $0x4B0;
	[sflag:s5] =	ssyncset.done $0x0  }
.Ltmp2:
0x78: {  	[sflag:s5] =	ssyncadd.s32 $0xFFFFD800;
	(pc) =	sbr.rel @p1 .LBB2_4-.Ltmp2, $4  }
0x79: {  	[spmem:s1] =	stream.indirect.scatter.add.f32 [tilespmem:s26], [sflag:$0x4], $0x80, s0, s21, $0xb8;
	[tilespmem:$0x1BB00] =	vst v63  }
0x7a: {  	_ =	swait.ge [sflag:s20], $0x2800  }
0x7b: {  	[sflag:s20] =	ssyncset.done $0x0  }
0x7c: {  	[sflag:s20] =	ssyncadd.s32 $0xFFFFD800  }
0x7d: {  	s10 =	sadd.s32 s9, s14  }
0x7e: {  	[tilespmem:s25], [sflag:$0x4] =	stream.linear.gather [hbm4b:s10+s2], $0x50, $0x38;
	[tilespmem:$0x1BB00] =	vst v63  }
.Ltmp3:
0x7f: {  	_ = 	snop;
	(pc) =	sbr.rel .LBB2_2-.Ltmp3, $4  }
0x80: {  	_ =	swait.ge [sflag:s20], $0x50  }
0x81: {  	[sflag:s20] =	ssyncset.done $0x0  }
0x82: {  	s9 =	sadd.s32 $0x1E, s9;
	s18 =	sadd.s32 $0xF0, s18;
	[sflag:s20] =	ssyncadd.s32 $0xFFFFFFB0  }
0x83: {  	[tilespmem:s26], [sflag:$0x3] =	stream.indirect.gather [hbm4b:s3+s21], $0x80, s25, s21, $0xb8;
	[tilespmem:$0x1BB00] =	vst v63  }
.LBB2_5:
0x84: {  	_ =	sfence.sel $0x180000  }
0x85: {  	[bflag:$0x0] =	sbarrier.arrive $0xFFFF  }
0x86: {  	_ =	strace $0x9000004D  }
0x87: {  	[bflag:$0x2] =	sbarrier.arrive $0xFFFF  }
0x88: {  	s0 =	rddreg [dreg:$0x2]  }
0x89: {  	s0 =	sadd.s32 @!p0 $0x100000, s0  }
0x8a: {  	[sflag:s0] =	ssyncadd.tile.s32 @!p0 $0x1;
	_ =	shalt  }
.Lfunc_end2:
_tile_overlayer_lowered:
.L_overlay_start_2:
0x8b: {  	(tag) =	ssettag $0x2  }
0x8c: {  	s0 =	rddreg [dreg:$0x0];
	s2 =	stileid.u32  }
0x8d: {  	s1 =	rddreg [dreg:$0x1];
	p0 =	sne.s32 s2, $0x0  }
0x8e: {  	s3 =	rddreg [dreg:$0x2];
	[bflag:$0x3] =	sbarrier.arrive $0xFFFF;
	s2 =	simm.s32 @!p0 $0x1C04  }
0x8f: {  	[timem:s3], [sflag:s2] =	dma.local @!p0 [hbm:s0], s1  }
0x90: {  	s0 =	simm.s32 @!p0 $0x4  }
0x91: {  	_ =	swait.ge @!p0 [sflag:s0], s1  }
0x92: {  	s1 =	ssub.s32 @!p0 $0x0, s1;
	[sflag:s0] =	ssyncset.done @!p0 $0x0  }
0x93: {  	[sflag:s0] =	ssyncadd.s32 @!p0 s1  }
0x94: {  	[bflag:$0x3] =	sbarrier.arrive $0xFFFF  }
0x95: {  	_ =	shalt  }

// kernel: kernel.20.cloned.1.call-start
scs
__scs_entry_jumppad:
0x0: {  	(pc) =	sbr.rel $0x88, $3  }
0x1: {  	(tag) =	ssettag $0x0;
	lr =	simm.s32 $0x1  }
0x2: {  	[smem:$0x3F93] =	sst lr;
	_ =	strace $0xD0000000  }
0x3: {  	_ = 	snop  }
0x4: {  	_ = 	snop  }
0x5: {  	_ = 	snop  }
0x6: {  	_ = 	snop  }
0x7: {  	_ = 	snop  }
__scs_overlays_trampoline_lowered:
0x8: {  	[smem:$0x3FA2] =	sst s0  }
0x9: {  	[smem:$0x3FA3] =	sst s1  }
0xa: {  	[smem:$0x3FA4] =	sst s2  }
0xb: {  	[smem:$0x3FA5] =	sst s3  }
0xc: {  	[smem:$0x3FA6] =	sst s4  }
0xd: {  	[smem:$0x3FA7] =	sst s5  }
0xe: {  	[smem:$0x3FA8] =	sst s6  }
0xf: {  	[smem:$0x3FA9] =	sst s7  }
0x10: {  	[smem:$0x3FAA] =	sst s8  }
0x11: {  	[smem:$0x3FAB] =	sst s9;
	s0 =	simm.s32 @!p0 $0x0  }
0x12: {  	s1 =	sld [smem:$0x3F91];
	s0 =	simm.s32 @p0 $0x1  }
0x13: {  	[smem:$0x3FAC] =	sst s0;
	s0 =	simm.s32 @!p1 $0x0  }
0x14: {  	s2 =	sld [smem:$0x3F90];
	s0 =	simm.s32 @p1 $0x1  }
0x15: {  	[smem:$0x3FAD] =	sst s0;
	s0 =	simm.s32 @!p2 $0x0  }
0x16: {  	s3 =	sld [smem:$0x3FDB];
	s0 =	simm.s32 @p2 $0x1  }
0x17: {  	s4 =	simm.s32 $0x1BF5;
	[smem:$0x3FAF] =	sst s0  }
0x18: {  	s0 =	sld [smem:$0x3F92];
	_ =	swait.ge [sflag:s4], $0x0  }
0x19: {  	s7 =	sld [smem:$0x3F93]  }
0x1a: {  	s8 =	sadd.s32 $0xFFFFE003, lr  }
0x1b: {  	s9 =	sadd.s32 $0xFFFFFEF7, lr;
	s5 =	simm.s32 $0xFFFFFFFF;
	p2 =	slt.u32 s8, $0xFFFFF086  }
0x1c: {  	p1 =	slt.u32 s9, $0xF7A;
	s5 =	simm.s32 @!p2 $0x0  }
0x1d: {  	s5 =	simm.s32 @p1 $0x1;
	p0 =	seq.s32 s7, s2  }
0x1e: {  	s7 =	smul.u32 @!p0 $0xF7A, s2;
	p2 =	seq.s32 @!p0 s5, $0x0  }
0x1f: {  	s9 =	smul.u32 $0xF7A, s1;
	s8 =	simm.s32 @!p0 $0x1BF5;
	p2 =	por !p2, p0  }
0x20: {  	[sflag:s8] =	ssyncset.s32 @!p0 $0xFFFFF086;
	s6 =	sadd.s32 @!p0 s3, s7;
	s7 =	simm.s32 @!p0 $0x108  }
0x21: {  	s3 =	sadd.s32 s3, s9;
	s6 =	sadd.s32 @!p0 $0x88, s6;
	s7 =	simm.s32 @p2 $0x1082  }
0x22: {  	[simem:s7], [sflag:s8] =	dma.local @!p0 [hbm:s6], $0xF7A  }
0x23: {  	s9 =	sor.u32 $0xD0000000, s2;
	s6 =	simm.s32 $0x108;
	_ =	swait.ge @!p0 [sflag:s8], $0x0  }
0x24: {  	s3 =	sadd.s32 $0x88, s3;
	s6 =	simm.s32 @!p1 $0x1082;
	[sflag:s4] =	ssyncset.s32 $0xFFFFF086  }
0x25: {  	[simem:s6], [sflag:s4] =	dma.local [hbm:s3], $0xF7A  }
0x26: {  	[smem:$0x3F93] =	sst s1;
	(tag) =	ssettag s2;
	_ =	strace s9  }
0x27: {  	s1 =	sld [smem:$0x3FA3]  }
0x28: {  	s2 =	sld [smem:$0x3FA4]  }
0x29: {  	s4 =	sld [smem:$0x3FA6]  }
0x2a: {  	p0 =	seq.s32 s5, $0x0;
	s5 =	sld [smem:$0x3FA7]  }
0x2b: {  	s6 =	sld [smem:$0x3FA8]  }
0x2c: {  	s7 =	sld [smem:$0x3FA9]  }
0x2d: {  	s3 =	simm.s32 $0x108;
	s8 =	sld [smem:$0x3FAA]  }
0x2e: {  	s3 =	simm.s32 @!p0 $0x1082;
	s9 =	sld [smem:$0x3FAB]  }
0x2f: {  	lr =	sadd.s32 s0, s3;
	s0 =	sld [smem:$0x3FA2]  }
0x30: {  	s3 =	sld [smem:$0x3FA5]  }
0x31: {  	[smem:$0x3FAE] =	sst s10  }
0x32: {  	s10 =	sld [smem:$0x3FAC];
	_ =	sdelay $0x3  }
0x33: {  	p0 =	seq.s32 s10, $0x1;
	s10 =	sld [smem:$0x3FAE];
	_ =	sdelay $0x3  }
0x34: {  	[smem:$0x3FAE] =	sst s10  }
0x35: {  	s10 =	sld [smem:$0x3FAD];
	_ =	sdelay $0x3  }
0x36: {  	p1 =	seq.s32 s10, $0x1;
	s10 =	sld [smem:$0x3FAE];
	_ =	sdelay $0x3  }
0x37: {  	[smem:$0x3FAE] =	sst s10  }
0x38: {  	s10 =	sld [smem:$0x3FAF]  }
0x39: {  	_ = 	snop;
	(pc) =	sbr.ind lr, $3  }
0x3a: {  	_ = 	snop  }
0x3b: {  	_ = 	snop  }
0x3c: {  	p2 =	seq.s32 s10, $0x1;
	s10 =	sld [smem:$0x3FAE]  }
0x3d: {  	_ =	shalt  }
0x3e: {  	_ =	shalt  }
0x3f: {  	_ =	shalt  }
0x40: {  	_ =	shalt  }
0x41: {  	_ =	shalt  }
0x42: {  	_ =	shalt  }
0x43: {  	_ =	shalt  }
0x44: {  	_ =	shalt  }
0x45: {  	_ =	shalt  }
0x46: {  	_ =	shalt  }
0x47: {  	_ =	shalt  }
0x48: {  	_ =	shalt  }
0x49: {  	_ =	shalt  }
0x4a: {  	_ =	shalt  }
0x4b: {  	_ =	shalt  }
0x4c: {  	_ =	shalt  }
0x4d: {  	_ =	shalt  }
0x4e: {  	_ =	shalt  }
0x4f: {  	_ =	shalt  }
0x50: {  	_ =	shalt  }
0x51: {  	_ =	shalt  }
0x52: {  	_ =	shalt  }
0x53: {  	_ =	shalt  }
0x54: {  	_ =	shalt  }
0x55: {  	_ =	shalt  }
0x56: {  	_ =	shalt  }
0x57: {  	_ =	shalt  }
0x58: {  	_ =	shalt  }
0x59: {  	_ =	shalt  }
0x5a: {  	_ =	shalt  }
0x5b: {  	_ =	shalt  }
0x5c: {  	_ =	shalt  }
0x5d: {  	_ =	shalt  }
0x5e: {  	_ =	shalt  }
0x5f: {  	_ =	shalt  }
0x60: {  	_ =	shalt  }
0x61: {  	_ =	shalt  }
0x62: {  	_ =	shalt  }
0x63: {  	_ =	shalt  }
0x64: {  	_ =	shalt  }
0x65: {  	_ =	shalt  }
0x66: {  	_ =	shalt  }
0x67: {  	_ =	shalt  }
0x68: {  	_ =	shalt  }
0x69: {  	_ =	shalt  }
0x6a: {  	_ =	shalt  }
0x6b: {  	_ =	shalt  }
0x6c: {  	_ =	shalt  }
0x6d: {  	_ =	shalt  }
0x6e: {  	_ =	shalt  }
0x6f: {  	_ =	shalt  }
0x70: {  	_ =	shalt  }
0x71: {  	_ =	shalt  }
0x72: {  	_ =	shalt  }
0x73: {  	_ =	shalt  }
0x74: {  	_ =	shalt  }
0x75: {  	_ =	shalt  }
0x76: {  	_ =	shalt  }
0x77: {  	_ =	shalt  }
0x78: {  	_ =	shalt  }
0x79: {  	_ =	shalt  }
0x7a: {  	_ =	shalt  }
0x7b: {  	_ =	shalt  }
0x7c: {  	_ =	shalt  }
0x7d: {  	_ =	shalt  }
0x7e: {  	_ =	shalt  }
0x7f: {  	_ =	shalt  }
0x80: {  	_ =	shalt  }
0x81: {  	_ =	shalt  }
0x82: {  	_ =	shalt  }
0x83: {  	_ =	shalt  }
0x84: {  	_ =	shalt  }
0x85: {  	_ =	shalt  }
0x86: {  	_ =	shalt  }
0x87: {  	_ =	shalt  }
.Lfunc_end0:
.L_simem_size_0:
called_computation.3_lowered:
.L_overlay_start_0:
0x88: {  	s2 =	sld [smem:$0x3FD9]  }
0x89: {  	s3 =	sld [smem:$0x3FFE];
	_ =	sdelay $0x1  }
0x8a: {  	s1 =	srdreg.scid  }
0x8b: {  	s0 =	sand.u32 $0x1, s1  }
0x8c: {  	s16 =	sshll.u32 s0, $0xA;
	s2 =	sadd.s32 s3, s2  }
0x8d: {  	s2 =	sadd.s32 s2, s16  }
0x8e: {  	[smem:$0x3FBA] =	sst s2  }
0x8f: {  	_ = 	snop  }
0x90: {  	(tm) =	ssettm $0x1  }
0x91: {  	s17 =	sld [smem:$0x3FFB];
	_ =	sdelay $0x3  }
0x92: {  	_ =	strace s17  }
0x93: {  	s2 =	sld [smem:$0x3FFC];
	_ =	sdelay $0x3  }
0x94: {  	_ =	strace s2  }
0x95: {  	s2 =	sld [smem:$0x3FFD];
	_ =	sdelay $0x3  }
0x96: {  	_ =	strace s2  }
0x97: {  	_ =	strace $0x8FFFFFFF  }
0x98: {  	s18 =	sld [smem:$0x3FDB];
	_ =	sdelay $0x1  }
0x99: {  	s19 =	simm.s32 $_scs_section_size  }
0x9a: {  	s4 =	simm.s32 $_size__tile_overlayer_lowered;
	s5 =	simm.s32 $_tile_overlayer_lowered  }
0x9b: {  	s22 =	simm.s32 $0x1BFF;
	s21 =	sshll.u32 s5, $0x1;
	s2 =	sadd.s32 s19, s18  }
0x9c: {  	s6 =	simm.s32 $0x0;
	s20 =	sshll.u32 s4, $0x1;
	s4 =	sadd.s32 s21, s2  }
0x9d: {  	[timem:s6], [sflag:s22] =	dma.local [hbm:s4], s20  }
0x9e: {  	_ =	swait.ge [sflag:s22], s20  }
0x9f: {  	s3 =	ssub.s32 $0x0, s20;
	[sflag:s22] =	ssyncset.done $0x0  }
0xa0: {  	[sflag:s22] =	ssyncadd.s32 s3;
	_ =	sdelay $0x1  }
0xa1: {  	s23 =	simm.s32 $0x1B8B  }
0xa2: {  	_ =	swait.ge [sflag:s23], $0x1  }
0xa3: {  	[sflag:s23] =	ssyncset.done $0x0  }
0xa4: {  	s25 =	simm.s32 $0x1B8E;
	s24 =	sld [smem:$0x3FFE];
	[sflag:s23] =	ssyncadd.s32 $0xFFFFFFFF  }
0xa5: {  	s26 =	simm.s32 $execute0_lowered;
	[smem:$0x3FD2] =	sst s25  }
0xa6: {  	s4 =	sshll.u32 s26, $0x1;
	_ =	strace $0x8000004F;
	[dreg:$0x1] =	wrdreg $0xFFFFFFFF  }
0xa7: {  	s28 =	simm.s32 $_size_execute0_lowered;
	s2 =	sadd.s32 s2, s4;
	[dreg:$0x0] =	wrdreg $0x0  }
0xa8: {  	s4 =	sshll.u32 s28, $0x1;
	[dreg:$0x2] =	wrdreg s2  }
0xa9: {  	[dreg:$0x3] =	wrdreg s4  }
0xaa: {  	[dreg:$0x4] =	wrdreg $0xC0  }
0xab: {  	_ =	task [dreg:s6], $0x5FFFF  }
0xac: {  	[dreg:$0x1] =	wrdreg $0xFFFFFFFF  }
0xad: {  	[dreg:$0x0] =	wrdreg $0x60  }
0xae: {  	[dreg:$0x2] =	wrdreg s24  }
0xaf: {  	[dreg:$0x3] =	wrdreg $0x7B000  }
0xb0: {  	[dreg:$0x4] =	wrdreg $0x9  }
0xb1: {  	_ =	task.clear_ibuf [dreg:s6], $0x5FFFF;
	_ =	strace $0x9000004F  }
0xb2: {  	s29 =	simm.s32 $0x9;
	_ =	strace $0x80000051  }
0xb3: {  	_ =	swait.ge [sflag:s29], $0x1  }
0xb4: {  	[sflag:s29] =	ssyncadd.s32 $0xFFFFFFFF  }
0xb5: {  	_ =	strace $0x90000051  }
0xb6: {  	_ =	sfence  }
0xb7: {  	s30 =	sld [smem:$0x0];
	_ =	sdelay $0x2  }
0xb8: {  	s31 =	sshll.u32 s1, $0xD;
	s1 =	sshrl.u32 s1, $0x2  }
0xb9: {  	s3 =	sand.u32 $0x4000, s31;
	s1 =	sadd.s32 s1, s30  }
0xba: {  	s0 =	sor.u32 s3, s0;
	s1 =	sshll.u32 s1, $0x11  }
0xbb: {  	s0 =	sor.u32 s1, s0  }
0xbc: {  	s0 =	sadd.s32 $0x8F2B, s0  }
0xbd: {  	[sflag:s0] =	ssyncadd.remote.s32 $0x1  }
0xbe: {  	_ =	sfence.sel $0xFFFF  }
0xbf: {  	[dreg:$0x0] =	wrdreg $0xFFFFFFFF;
	(pc) =	sbr.abs _section_cstart, $3  }
0xc0: {  	[dreg:$0x1] =	wrdreg $0xFFFFFFFF  }
0xc1: {  	_ =	task.clear_ibuf [dreg:s6], $0x2FFFF;
	_ =	strace $0x9FFFFFFF  }
0xc2: {  	(tm) =	ssettm $0x7FFFFFFF  }
0xc3: {  	_ =	shalt  }
tec
execute0_lowered:
.L_overlay_start_1:
0x0: {  	(tag) =	ssettag $0x1  }
0x1: {  	s0 =	rddreg [dreg:$0x0]  }
0x2: {  	s1 =	rddreg [dreg:$0x1];
	s2 =	simm.s32 $0x0  }
0x3: {  	s3 =	srdreg.scid;
	s7 =	stileid.u32;
	s28 =	simm.s32 $0x180  }
0x4: {  	s29 =	simm.s32 $0x1;
	s30 =	simm.s32 $0x200;
	s31 =	simm.s32 $0x2  }
0x5: {  	[smem:$0x7FF] =	sst s2;
	s5 =	sand.u32 $0x1, s3;
	s3 =	sadd.s32 $0x49600, s0  }
0x6: {  	s9 =	sadd.s32 $0xD800, s0;
	s10 =	sadd.s32 $0x21600, s0;
	s12 =	smul.u32 $0x2710, s7  }
0x7: {  	p0 =	sne.s32 s7, $0x0;
	_ =	strace $0x80000050;
	s4 =	sshll.u32 s5, $0x4  }
0x8: {  	s6 =	smul.u32 $0x28000, s5;
	[dreg:$0x3] =	wrdreg s10;
	s17 =	ssub.s32 $0x2, s5  }
0x9: {  	s5 =	smul.u32 $0x27100, s5;
	s8 =	sor.u32 s7, s4;
	s4 =	sadd.s32 $0x3A00, s0  }
0xa: {  	s11 =	sshrl.u32 s17, $0x1;
	s7 =	simm.s32 $0x0;
	s8 =	smul.u32 $0x2710, s8  }
0xb: {  	s0 =	sadd.s32 s6, s0;
	s13 =	ssub.s32 s17, s11;
	s5 =	sadd.s32 s12, s5  }
0xc: {  	s12 =	sadd.s32 $0xA0, s5;
	s11 =	sadd.s32 $0x70800, s0;
	s22 =	sadd.s32 $0x190, s5  }
0xd: {  	s23 =	sadd.s32 $0x50, s5;
	s15 =	sadd.s32 $0x140, s5;
	s26 =	sshrl.u32 s5, $0x3  }
0xe: {  	s8 =	sshrl.u32 s8, $0x3;
	s21 =	sshrl.u32 s12, $0x3;
	s12 =	smax.u32 s13, $0x1  }
0xf: {  	s0 =	sshrl.u32 s22, $0x3;
	s24 =	sshrl.u32 s23, $0x3;
	s25 =	sshrl.u32 s15, $0x3  }
0x10: {  	s17 =	sadd.s32 s26, s9;
	s22 =	simm.s32 $0x300;
	s23 =	simm.s32 $0x80  }
0x11: {  	s26 =	simm.s32 $0x5300;
	s6 =	sadd.s32 s4, s8;
	s8 =	sadd.s32 s9, s8  }
0x12: {  	s13 =	sadd.s32 s21, s9;
	s14 =	sadd.s32 s0, s4;
	s15 =	sadd.s32 s24, s9  }
0x13: {  	s16 =	sadd.s32 s25, s4;
	s21 =	simm.s32 $0x50;
	s18 =	sadd.s32 $0xA, s6  }
.Ltmp0:
0x14: {  	s19 =	sadd.s32 $0x14, s6;
	[dreg:$0x4] =	wrdreg s18;
	(pc) =	sbr.rel .LBB2_1-.Ltmp0, $4  }
0x15: {  	s24 =	simm.s32 $0x2B00;
	s20 =	sadd.s32 $0x4CE, s8;
	[dreg:$0x5] =	wrdreg s19  }
0x16: {  	s25 =	simm.s32 $0x100;
	s8 =	sadd.s32 $0x4D8, s8;
	[dreg:$0x6] =	wrdreg s20  }
0x17: {  	s0 =	simm.s32 $0x280;
	[dreg:$0x7] =	wrdreg s8;
	s8 =	sadd.s32 $0xF0, s5  }
0x18: {  	s19 =	sshrl.u32 @!p0 s1, $0x3;
	s20 =	simm.s32 $0x4;
	s5 =	simm.s32 $0x3  }
.LBB2_4:
0x19: {  	s9 =	rddreg [dreg:$0x6]  }
0x1a: {  	[tilespmem:s28], [sflag:$0x4] =	stream.linear.gather [hbm4b:s9+s2], $0x50, $0x38;
	[tilespmem:$0x1BB00] =	vst v63  }
0x1b: {  	_ =	swait.ge [sflag:s20], $0x50  }
0x1c: {  	[sflag:s20] =	ssyncset.done $0x0  }
0x1d: {  	[sflag:s20] =	ssyncadd.s32 $0xFFFFFFB0  }
0x1e: {  	_ =	swait.ge [sflag:s29], $0x2800  }
0x1f: {  	[sflag:s29] =	ssyncset.done $0x0  }
0x20: {  	[sflag:s29] =	ssyncadd.s32 $0xFFFFD800  }
0x21: {  	[spmem:s1] =	stream.indirect.scatter.add.f32 [tilespmem:s22], [sflag:$0x4], $0x80, s28, s21, $0xb8;
	[tilespmem:$0x1BB00] =	vst v63  }
0x22: {  	_ =	swait.ge [sflag:s20], $0x2800  }
0x23: {  	[sflag:s20] =	ssyncset.done $0x0  }
0x24: {  	s18 =	rddreg [dreg:$0x7];
	[sflag:s20] =	ssyncadd.s32 $0xFFFFD800  }
0x25: {  	[tilespmem:s30], [sflag:$0x4] =	stream.linear.gather [hbm4b:s18+s2], $0x50, $0x38;
	[tilespmem:$0x1BB00] =	vst v63  }
0x26: {  	_ =	swait.ge [sflag:s20], $0x50  }
0x27: {  	[sflag:s20] =	ssyncset.done $0x0  }
0x28: {  	[sflag:s20] =	ssyncadd.s32 $0xFFFFFFB0  }
0x29: {  	_ =	swait.ge [sflag:s31], $0x2800  }
0x2a: {  	[sflag:s31] =	ssyncset.done $0x0  }
0x2b: {  	[sflag:s31] =	ssyncadd.s32 $0xFFFFD800  }
0x2c: {  	[spmem:s1] =	stream.indirect.scatter.add.f32 [tilespmem:s24], [sflag:$0x4], $0x80, s30, s21, $0xb8;
	[tilespmem:$0x1BB00] =	vst v63  }
0x2d: {  	_ =	swait.ge [sflag:s20], $0x2800  }
0x2e: {  	[sflag:s20] =	ssyncset.done $0x0  }
0x2f: {  	s7 =	sadd.s32 $0x1, s7;
	[sflag:s20] =	ssyncadd.s32 $0xFFFFD800  }
0x30: {  	s9 =	simm.s32 @!p0 $0x1C04;
	p1 =	sne.s32 s7, s12;
	[bflag:$0x0] =	sbarrier.arrive $0xFFFF  }
0x31: {  	[hbm:s11], [sflag:s9] =	dma.local @!p0 [spmem:s19], $0x28000  }
.Ltmp1:
0x32: {  	_ = 	snop;
	(pc) =	sbr.rel @!p1 .LBB2_5-.Ltmp1, $4  }
0x33: {  	s9 =	simm.s32 @!p0 $0x4  }
0x34: {  	_ =	swait.ge @!p0 [sflag:s9], $0x28000  }
0x35: {  	[sflag:s9] =	ssyncset.done @!p0 $0x0  }
0x36: {  	[sflag:s9] =	ssyncadd.s32 @!p0 $0xFFFD8000  }
.LBB2_1:
0x37: {  	s9 =	simm.s32 @!p0 $0x1C04;
	s10 =	rddreg [dreg:$0x3]  }
0x38: {  	[spmem:s19], [sflag:s9] =	dma.local @!p0 [hbm:s10], $0x28000  }
0x39: {  	s9 =	simm.s32 @!p0 $0x4  }
0x3a: {  	_ =	swait.ge @!p0 [sflag:s9], $0x28000  }
0x3b: {  	[sflag:s9] =	ssyncset.done @!p0 $0x0  }
0x3c: {  	[sflag:s9] =	ssyncadd.s32 @!p0 $0xFFFD8000  }
0x3d: {  	[bflag:$0x0] =	sbarrier.arrive $0xFFFF  }
0x3e: {  	[tilespmem:s2], [sflag:$0x4] =	stream.linear.gather [hbm4b:s6+s2], $0x50, $0x38;
	[tilespmem:$0x1BB00] =	vst v63  }
0x3f: {  	_ =	swait.ge [sflag:s20], $0x50  }
0x40: {  	[sflag:s20] =	ssyncset.done $0x0  }
0x41: {  	[sflag:s20] =	ssyncadd.s32 $0xFFFFFFB0  }
0x42: {  	[tilespmem:s22], [sflag:$0x1] =	stream.indirect.gather [hbm4b:s3+s21], $0x80, s2, s21, $0xb8;
	[tilespmem:$0x1BB00] =	vst v63  }
0x43: {  	s10 =	rddreg [dreg:$0x4]  }
0x44: {  	[tilespmem:s23], [sflag:$0x4] =	stream.linear.gather [hbm4b:s10+s2], $0x50, $0x38;
	[tilespmem:$0x1BB00] =	vst v63  }
0x45: {  	_ =	swait.ge [sflag:s20], $0x50  }
0x46: {  	[sflag:s20] =	ssyncset.done $0x0  }
0x47: {  	[sflag:s20] =	ssyncadd.s32 $0xFFFFFFB0  }
0x48: {  	[tilespmem:s24], [sflag:$0x2] =	stream.indirect.gather [hbm4b:s3+s21], $0x80, s23, s21, $0xb8;
	[tilespmem:$0x1BB00] =	vst v63  }
0x49: {  	s18 =	rddreg [dreg:$0x5]  }
0x4a: {  	[tilespmem:s25], [sflag:$0x4] =	stream.linear.gather [hbm4b:s18+s2], $0x50, $0x38;
	[tilespmem:$0x1BB00] =	vst v63  }
0x4b: {  	_ =	swait.ge [sflag:s20], $0x50  }
0x4c: {  	[sflag:s20] =	ssyncset.done $0x0  }
0x4d: {  	s9 =	simm.s32 $0x0;
	s18 =	smov.u32 s8;
	[sflag:s20] =	ssyncadd.s32 $0xFFFFFFB0  }
0x4e: {  	[tilespmem:s26], [sflag:$0x3] =	stream.indirect.gather [hbm4b:s3+s21], $0x80, s25, s21, $0xb8;
	[tilespmem:$0x1BB00] =	vst v63  }
.LBB2_2:
0x4f: {  	s10 =	sadd.s32 s9, s17  }
0x50: {  	[tilespmem:s28], [sflag:$0x4] =	stream.linear.gather [hbm4b:s10+s2], $0x50, $0x38;
	[tilespmem:$0x1BB00] =	vst v63  }
0x51: {  	_ =	swait.ge [sflag:s20], $0x50  }
0x52: {  	[sflag:s20] =	ssyncset.done $0x0  }
0x53: {  	[sflag:s20] =	ssyncadd.s32 $0xFFFFFFB0  }
0x54: {  	_ =	swait.ge [sflag:s29], $0x2800  }
0x55: {  	[sflag:s29] =	ssyncset.done $0x0  }
0x56: {  	[sflag:s29] =	ssyncadd.s32 $0xFFFFD800  }
0x57: {  	[spmem:s1] =	stream.indirect.scatter.add.f32 [tilespmem:s22], [sflag:$0x4], $0x80, s28, s21, $0xb8;
	[tilespmem:$0x1BB00] =	vst v63  }
0x58: {  	_ =	swait.ge [sflag:s20], $0x2800  }
0x59: {  	s10 =	sshrl.u32 s18, $0x3;
	[sflag:s20] =	ssyncset.done $0x0  }
0x5a: {  	s10 =	sadd.s32 s4, s10;
	[sflag:s20] =	ssyncadd.s32 $0xFFFFD800  }
0x5b: {  	[tilespmem:s2], [sflag:$0x4] =	stream.linear.gather [hbm4b:s10+s2], $0x50, $0x38;
	[tilespmem:$0x1BB00] =	vst v63  }
0x5c: {  	_ =	swait.ge [sflag:s20], $0x50  }
0x5d: {  	[sflag:s20] =	ssyncset.done $0x0  }
0x5e: {  	[sflag:s20] =	ssyncadd.s32 $0xFFFFFFB0  }
0x5f: {  	[tilespmem:s22], [sflag:$0x1] =	stream.indirect.gather [hbm4b:s3+s21], $0x80, s2, s21, $0xb8;
	[tilespmem:$0x1BB00] =	vst v63  }
0x60: {  	s10 =	sadd.s32 s9, s15  }
0x61: {  	[tilespmem:s30], [sflag:$0x4] =	stream.linear.gather [hbm4b:s10+s2], $0x50, $0x38;
	[tilespmem:$0x1BB00] =	vst v63  }
0x62: {  	_ =	swait.ge [sflag:s20], $0x50  }
0x63: {  	[sflag:s20] =	ssyncset.done $0x0  }
0x64: {  	[sflag:s20] =	ssyncadd.s32 $0xFFFFFFB0  }
0x65: {  	_ =	swait.ge [sflag:s31], $0x2800  }
0x66: {  	[sflag:s31] =	ssyncset.done $0x0  }
0x67: {  	[sflag:s31] =	ssyncadd.s32 $0xFFFFD800  }
0x68: {  	[spmem:s1] =	stream.indirect.scatter.add.f32 [tilespmem:s24], [sflag:$0x4], $0x80, s30, s21, $0xb8;
	[tilespmem:$0x1BB00] =	vst v63  }
0x69: {  	_ =	swait.ge [sflag:s20], $0x2800  }
0x6a: {  	[sflag:s20] =	ssyncset.done $0x0  }
0x6b: {  	s10 =	sadd.s32 s9, s16;
	[sflag:s20] =	ssyncadd.s32 $0xFFFFD800  }
0x6c: {  	[tilespmem:s23], [sflag:$0x4] =	stream.linear.gather [hbm4b:s10+s2], $0x50, $0x38;
	[tilespmem:$0x1BB00] =	vst v63  }
0x6d: {  	_ =	swait.ge [sflag:s20], $0x50  }
0x6e: {  	[sflag:s20] =	ssyncset.done $0x0  }
0x6f: {  	[sflag:s20] =	ssyncadd.s32 $0xFFFFFFB0  }
0x70: {  	[tilespmem:s24], [sflag:$0x2] =	stream.indirect.gather [hbm4b:s3+s21], $0x80, s23, s21, $0xb8;
	[tilespmem:$0x1BB00] =	vst v63  }
0x71: {  	s10 =	sadd.s32 s9, s13  }
0x72: {  	[tilespmem:s0], [sflag:$0x4] =	stream.linear.gather [hbm4b:s10+s2], $0x50, $0x38;
	[tilespmem:$0x1BB00] =	vst v63  }
0x73: {  	_ =	swait.ge [sflag:s20], $0x50  }
0x74: {  	[sflag:s20] =	ssyncset.done $0x0  }
0x75: {  	[sflag:s20] =	ssyncadd.s32 $0xFFFFFFB0  }
0x76: {  	_ =	swait.ge [sflag:s5], $0x2800  }
0x77: {  	p1 =	seq.s32 s9, $0x4B0;
	[sflag:s5] =	ssyncset.done $0x0  }
.Ltmp2:
0x78: {  	[sflag:s5] =	ssyncadd.s32 $0xFFFFD800;
	(pc) =	sbr.rel @p1 .LBB2_4-.Ltmp2, $4  }
0x79: {  	[spmem:s1] =	stream.indirect.scatter.add.f32 [tilespmem:s26], [sflag:$0x4], $0x80, s0, s21, $0xb8;
	[tilespmem:$0x1BB00] =	vst v63  }
0x7a: {  	_ =	swait.ge [sflag:s20], $0x2800  }
0x7b: {  	[sflag:s20] =	ssyncset.done $0x0  }
0x7c: {  	[sflag:s20] =	ssyncadd.s32 $0xFFFFD800  }
0x7d: {  	s10 =	sadd.s32 s9, s14  }
0x7e: {  	[tilespmem:s25], [sflag:$0x4] =	stream.linear.gather [hbm4b:s10+s2], $0x50, $0x38;
	[tilespmem:$0x1BB00] =	vst v63  }
.Ltmp3:
0x7f: {  	_ = 	snop;
	(pc) =	sbr.rel .LBB2_2-.Ltmp3, $4  }
0x80: {  	_ =	swait.ge [sflag:s20], $0x50  }
0x81: {  	[sflag:s20] =	ssyncset.done $0x0  }
0x82: {  	s9 =	sadd.s32 $0x1E, s9;
	s18 =	sadd.s32 $0xF0, s18;
	[sflag:s20] =	ssyncadd.s32 $0xFFFFFFB0  }
0x83: {  	[tilespmem:s26], [sflag:$0x3] =	stream.indirect.gather [hbm4b:s3+s21], $0x80, s25, s21, $0xb8;
	[tilespmem:$0x1BB00] =	vst v63  }
.LBB2_5:
0x84: {  	_ =	sfence.sel $0x180000  }
0x85: {  	[bflag:$0x0] =	sbarrier.arrive $0xFFFF  }
0x86: {  	_ =	strace $0x90000050  }
0x87: {  	[bflag:$0x2] =	sbarrier.arrive $0xFFFF  }
0x88: {  	s0 =	rddreg [dreg:$0x2]  }
0x89: {  	s0 =	sadd.s32 @!p0 $0x100000, s0  }
0x8a: {  	[sflag:s0] =	ssyncadd.tile.s32 @!p0 $0x1;
	_ =	shalt  }
.Lfunc_end2:
_tile_overlayer_lowered:
.L_overlay_start_2:
0x8b: {  	(tag) =	ssettag $0x2  }
0x8c: {  	s0 =	rddreg [dreg:$0x0];
	s2 =	stileid.u32  }
0x8d: {  	s1 =	rddreg [dreg:$0x1];
	p0 =	sne.s32 s2, $0x0  }
0x8e: {  	s3 =	rddreg [dreg:$0x2];
	[bflag:$0x3] =	sbarrier.arrive $0xFFFF;
	s2 =	simm.s32 @!p0 $0x1C04  }
0x8f: {  	[timem:s3], [sflag:s2] =	dma.local @!p0 [hbm:s0], s1  }
0x90: {  	s0 =	simm.s32 @!p0 $0x4  }
0x91: {  	_ =	swait.ge @!p0 [sflag:s0], s1  }
0x92: {  	s1 =	ssub.s32 @!p0 $0x0, s1;
	[sflag:s0] =	ssyncset.done @!p0 $0x0  }
0x93: {  	[sflag:s0] =	ssyncadd.s32 @!p0 s1  }
0x94: {  	[bflag:$0x3] =	sbarrier.arrive $0xFFFF  }
0x95: {  	_ =	shalt  }

</sc_bundles>
